<compile_context>
chip_gen: v7x
topology: tpu7x:2x2x1
jax: 0.10.2.dev20260603
libtpu: 0.0.44.dev20260713+nightly
codegen_flags: <defaults>
</compile_context>

<pallas_src>
import functools

import jax
import jax.numpy as jnp
from jax import lax
from jax.experimental import pallas as pl
from jax.experimental.pallas import tpu as pltpu
from jax.experimental.pallas import tpu_sc as plsc

B, T, C, H, HD, E, K, F = 32, 256, 512, 8, 64, 8, 2, 2048
N = B * T
NP = K * N
TM = 256
NB = N // TM
ROWS_PAD = 18432
NT_TILES = ROWS_PAD // TM
NEG = -1e30
NW = 32


def _pack2(lo_bf, hi_bf):
    lo = lax.bitcast_convert_type(lo_bf, jnp.uint16).astype(jnp.uint32)
    hi = lax.bitcast_convert_type(hi_bf, jnp.uint16).astype(jnp.uint32)
    return lax.bitcast_convert_type(lo | (hi << 16), jnp.int32)


def _unpack2(p):
    u = lax.bitcast_convert_type(p, jnp.uint32)
    lo = lax.bitcast_convert_type((u & 0xFFFF).astype(jnp.uint16), jnp.bfloat16)
    hi = lax.bitcast_convert_type((u >> 16).astype(jnp.uint16), jnp.bfloat16)
    return lo, hi


def _attn_kernel(x_ref, wq_ref, wk_ref, wv_ref, wp_ref, bp_ref,
                 ln1g_ref, ln1b_ref, ln2g_ref, ln2b_ref, wg_ref,
                 x1_ref, h2b_ref, meta_ref, bs_ref):
    bf16 = jnp.bfloat16
    x = x_ref[0]
    m = jnp.mean(x, axis=-1, keepdims=True)
    xc = x - m
    v = jnp.mean(xc * xc, axis=-1, keepdims=True)
    h = (xc * lax.rsqrt(v + 1e-5) * ln1g_ref[...] + ln1b_ref[...]).astype(bf16)

    scale = HD ** -0.5
    q = (jnp.dot(h, wq_ref[...], preferred_element_type=jnp.float32)
         * scale).astype(bf16)
    k = jnp.dot(h, wk_ref[...], preferred_element_type=jnp.float32).astype(bf16)
    vv = jnp.dot(h, wv_ref[...], preferred_element_type=jnp.float32).astype(bf16)

    rows = lax.broadcasted_iota(jnp.int32, (T, T), 0)
    cols = lax.broadcasted_iota(jnp.int32, (T, T), 1)
    causal = rows >= cols

    outs = []
    for hh in range(H):
        qh = q[:, hh * HD:(hh + 1) * HD]
        kh = k[:, hh * HD:(hh + 1) * HD]
        vh = vv[:, hh * HD:(hh + 1) * HD]
        s = lax.dot_general(qh, kh, (((1,), (1,)), ((), ())),
                            preferred_element_type=jnp.float32)
        ex = jnp.where(causal, jnp.exp(s), 0.0)
        p = (ex * (1.0 / jnp.sum(ex, axis=-1, keepdims=True))).astype(bf16)
        outs.append(jnp.dot(p, vh, preferred_element_type=jnp.float32))
    o = jnp.concatenate(outs, axis=-1).astype(bf16)

    attn = jnp.dot(o, wp_ref[...], preferred_element_type=jnp.float32) + bp_ref[...]
    x1 = x + attn
    x1_ref[0] = x1

    m2 = jnp.mean(x1, axis=-1, keepdims=True)
    xc2 = x1 - m2
    v2 = jnp.mean(xc2 * xc2, axis=-1, keepdims=True)
    h2 = xc2 * lax.rsqrt(v2 + 1e-5) * ln2g_ref[...] + ln2b_ref[...]
    h2bf = h2.astype(bf16)
    h2b_ref[0] = _pack2(h2bf[:, :C // 2], h2bf[:, C // 2:])

    logits = jnp.dot(h2, wg_ref[...], preferred_element_type=jnp.float32)
    lane = lax.broadcasted_iota(jnp.int32, logits.shape, 1)
    logits = jnp.where(lane < E, logits, NEG)
    mx = jnp.max(logits, axis=-1, keepdims=True)
    ex = jnp.exp(logits - mx)
    w = ex / jnp.sum(ex, axis=-1, keepdims=True)
    m1 = jnp.max(w, axis=-1, keepdims=True)
    i1 = jnp.min(jnp.where(w == m1, lane, 128), axis=-1, keepdims=True)
    wmask = jnp.where(lane == i1, -1.0, w)
    m2 = jnp.max(wmask, axis=-1, keepdims=True)
    i2 = jnp.min(jnp.where(wmask == m2, lane, 128), axis=-1, keepdims=True)
    tot = m1 + m2

    p0 = (lane == i1).astype(jnp.float32)
    p1 = (lane == i2).astype(jnp.float32)

    ri = lax.broadcasted_iota(jnp.int32, (TM, TM), 0)
    ci = lax.broadcasted_iota(jnp.int32, (TM, TM), 1)
    tris = (ci < ri).astype(jnp.float32)

    r0 = lax.dot_general(tris, p0, (((1,), (0,)), ((), ())),
                         preferred_element_type=jnp.float32)
    bsum0 = jnp.sum(p0, axis=0, keepdims=True)
    r1 = lax.dot_general(tris, p1, (((1,), (0,)), ((), ())),
                         preferred_element_type=jnp.float32) + bsum0

    r0sel = jnp.sum(p0 * r0, axis=-1, keepdims=True)
    r1sel = jnp.sum(p1 * r1, axis=-1, keepdims=True)

    ident = (rows == cols).astype(jnp.float32)

    def _row(col):
        return lax.dot_general(col, ident, (((0,), (0,)), ((), ())),
                               preferred_element_type=jnp.float32)

    meta_ref[0] = jnp.concatenate(
        [_row(i1.astype(jnp.float32)), _row(i2.astype(jnp.float32)),
         _row(m1 / tot), _row(m2 / tot), _row(r0sel), _row(r1sel),
         jnp.zeros((2, T), jnp.float32)], axis=0)
    bs_ref[0] = bsum0 + jnp.sum(p1, axis=0, keepdims=True)


def _dest_kernel(meta_ref, bs_ref, d_ref, te_ref):
    b = pl.program_id(0)
    bs = bs_ref[...].reshape(NB, 128)
    ri = lax.broadcasted_iota(jnp.int32, (NB, NB), 0)
    ci = lax.broadcasted_iota(jnp.int32, (NB, NB), 1)
    tris = (ci < ri).astype(jnp.float32)
    blockoff = lax.dot_general(tris, bs, (((1,), (0,)), ((), ())),
                               preferred_element_type=jnp.float32)
    counts = jnp.sum(bs, axis=0, keepdims=True)
    aligned = jnp.floor((counts + (TM - 1.0)) / TM) * TM

    ri2 = lax.broadcasted_iota(jnp.int32, (128, 128), 0)
    ci2 = lax.broadcasted_iota(jnp.int32, (128, 128), 1)
    upper = (ri2 < ci2).astype(jnp.float32)
    off = jnp.dot(aligned, upper, preferred_element_type=jnp.float32)

    ident = (ri2 == ci2).astype(jnp.float32)
    off_col = lax.dot_general(ident, off, (((1,), (1,)), ((), ())),
                              preferred_element_type=jnp.float32)
    nt_col = off_col * (1.0 / TM)
    jrow = lax.broadcasted_iota(jnp.int32, (1, 128), 1).astype(jnp.float32)
    esel = ((ri2 >= 1) & (ri2 < E)).astype(jnp.float32)
    cmp = jnp.where(nt_col <= jrow, 1.0, 0.0) * esel
    te = jnp.dot(jnp.ones((1, 128), jnp.float32), cmp,
                 preferred_element_type=jnp.float32)
    te_ref[...] = te.astype(jnp.int32)

    lane = lax.broadcasted_iota(jnp.int32, (TM, 128), 1)
    bsel = (lax.broadcasted_iota(jnp.int32, (NB, 1), 0) == b).astype(jnp.float32)
    bo = jnp.sum(blockoff * bsel, axis=0, keepdims=True)

    mrow = meta_ref[0]
    rit = lax.broadcasted_iota(jnp.int32, (TM, TM), 0)
    cit = lax.broadcasted_iota(jnp.int32, (TM, TM), 1)
    identt = (rit == cit).astype(jnp.float32)

    def _col(row):
        return lax.dot_general(identt, row, (((1,), (1,)), ((), ())),
                               preferred_element_type=jnp.float32)

    def _row(col):
        return lax.dot_general(col, identt, (((0,), (0,)), ((), ())),
                               preferred_element_type=jnp.float32)

    i1c = _col(mrow[0:1]).astype(jnp.int32)
    i2c = _col(mrow[1:2]).astype(jnp.int32)
    r0c = _col(mrow[4:5])
    r1c = _col(mrow[5:6])
    p0 = (lane == i1c).astype(jnp.float32)
    p1 = (lane == i2c).astype(jnp.float32)
    d0 = jnp.sum(p0 * (off + bo), axis=-1, keepdims=True) + r0c
    d1 = jnp.sum(p1 * (off + bo), axis=-1, keepdims=True) + r1c
    d0h = jnp.floor(d0 * (1.0 / TM))
    d1h = jnp.floor(d1 * (1.0 / TM))
    d0r = _row(d0h) * TM + _row(d0 - d0h * TM)
    d1r = _row(d1h) * TM + _row(d1 - d1h * TM)
    d_ref[0] = jnp.concatenate([d0r, d1r], axis=0).astype(jnp.int32)


def _make_dispatch_scatter():
    C2 = C // 2
    tok_per_w = N // NW
    mesh = plsc.VectorSubcoreMesh(core_axis_name="c", subcore_axis_name="s", num_cores=2, num_subcores=16)

    @functools.partial(
        pl.kernel, mesh=mesh,
        out_type=jax.ShapeDtypeStruct((ROWS_PAD, C2), jnp.int32),
        scratch_types=[
            pltpu.VMEM((4, 128), jnp.int32),
            pltpu.VMEM((tok_per_w, C2), jnp.int32),
            pltpu.SemaphoreType.DMA,
        ],
        compiler_params=pltpu.CompilerParams(needs_layout_passes=False),
    )
    def scatter_k(h2_hbm, dest_hbm, xe_hbm, idx_v, buf, sem):
        wid = lax.axis_index("s") * 2 + lax.axis_index("c")
        tb = wid * tok_per_w
        db = wid * (2 * tok_per_w)
        pltpu.sync_copy(dest_hbm.at[pl.ds(db, 128)], idx_v.at[0])
        pltpu.sync_copy(dest_hbm.at[pl.ds(db + 128, 128)], idx_v.at[1])
        pltpu.sync_copy(dest_hbm.at[pl.ds(db + 256, 128)], idx_v.at[2])
        pltpu.sync_copy(dest_hbm.at[pl.ds(db + 384, 128)], idx_v.at[3])
        pltpu.sync_copy(h2_hbm.at[pl.ds(tb, tok_per_w)], buf)
        c0 = pltpu.async_copy(buf.at[pl.ds(0, 128)], xe_hbm.at[idx_v.at[0]], sem)
        c1 = pltpu.async_copy(buf.at[pl.ds(128, 128)], xe_hbm.at[idx_v.at[1]], sem)
        c2 = pltpu.async_copy(buf.at[pl.ds(0, 128)], xe_hbm.at[idx_v.at[2]], sem)
        c3 = pltpu.async_copy(buf.at[pl.ds(128, 128)], xe_hbm.at[idx_v.at[3]], sem)
        c0.wait()
        c1.wait()
        c2.wait()
        c3.wait()

    return scatter_k


def _make_row_gather(n_rows, chunk, dtype, width):
    rows_per_w = n_rows // NW
    n_chunks = rows_per_w // chunk
    mesh = plsc.VectorSubcoreMesh(core_axis_name="c", subcore_axis_name="s", num_cores=2, num_subcores=16)

    @functools.partial(
        pl.kernel, mesh=mesh,
        out_type=jax.ShapeDtypeStruct((n_rows, width), dtype),
        scratch_types=[
            pltpu.VMEM((rows_per_w,), jnp.int32),
            pltpu.VMEM((chunk, width), dtype),
            pltpu.VMEM((chunk, width), dtype),
            pltpu.SemaphoreType.DMA,
            pltpu.SemaphoreType.DMA,
        ],
        compiler_params=pltpu.CompilerParams(needs_layout_passes=False),
    )
    def gather_k(src_hbm, idx_hbm, out_hbm, idx_v, buf0, buf1, sem0, sem1):
        wid = lax.axis_index("s") * 2 + lax.axis_index("c")
        base = wid * rows_per_w
        pltpu.sync_copy(idx_hbm.at[pl.ds(base, rows_per_w)], idx_v)

        bufs = [buf0, buf1]
        sems = [sem0, sem1]
        cps = [None] * n_chunks
        cps[0] = pltpu.async_copy(
            src_hbm.at[idx_v.at[pl.ds(0, chunk)]], bufs[0], sems[0])
        for j in range(n_chunks):
            if j + 1 < n_chunks:
                cps[j + 1] = pltpu.async_copy(
                    src_hbm.at[idx_v.at[pl.ds((j + 1) * chunk, chunk)]],
                    bufs[(j + 1) % 2], sems[(j + 1) % 2])
            cps[j].wait()
            pltpu.sync_copy(bufs[j % 2],
                            out_hbm.at[pl.ds(base + j * chunk, chunk)])

    return gather_k


def _expert_kernel(te_ref, xe_ref, w1_ref, b1_ref, w2_ref, b2_ref, out_ref,
                   w1c_ref, w2c_ref):
    j = pl.program_id(0)
    jprev = jnp.maximum(j - 1, 0)
    changed = jnp.logical_or(j == 0, te_ref[j] != te_ref[jprev])

    @pl.when(changed)
    def _():
        w1c_ref[...] = w1_ref[0].astype(jnp.bfloat16)
        w2c_ref[...] = w2_ref[0].astype(jnp.bfloat16)

    lo, hi = _unpack2(xe_ref[...])
    xe = jnp.concatenate([lo, hi], axis=1)
    h1 = jnp.maximum(
        jnp.dot(xe, w1c_ref[...], preferred_element_type=jnp.float32)
        + b1_ref[0], 0.0)
    ye = (jnp.dot(h1.astype(jnp.bfloat16), w2c_ref[...],
                  preferred_element_type=jnp.float32) + b2_ref[0])
    yb = ye.astype(jnp.bfloat16)
    out_ref[...] = _pack2(yb[:, :C // 2], yb[:, C // 2:])


def _combine_kernel(x1_ref, y0_ref, y1_ref, meta_ref, out_ref):
    l0, h0 = _unpack2(y0_ref[...])
    y0 = jnp.concatenate([l0, h0], axis=1).astype(jnp.float32)
    l1, h1 = _unpack2(y1_ref[...])
    y1 = jnp.concatenate([l1, h1], axis=1).astype(jnp.float32)
    mrow = meta_ref[0]
    rit = lax.broadcasted_iota(jnp.int32, (TM, TM), 0)
    cit = lax.broadcasted_iota(jnp.int32, (TM, TM), 1)
    identt = (rit == cit).astype(jnp.float32)
    w0 = lax.dot_general(identt, mrow[2:3], (((1,), (1,)), ((), ())),
                         preferred_element_type=jnp.float32)
    w1 = lax.dot_general(identt, mrow[3:4], (((1,), (1,)), ((), ())),
                         preferred_element_type=jnp.float32)
    out_ref[...] = (x1_ref[...] + w0 * y0 + w1 * y1)


def kernel(x, ln1_g, ln1_b, ln2_g, ln2_b, Wq, Wk, Wv, Wp, bp, Wg, W1, b1, W2, b2):
    f32 = jnp.float32
    bf16 = jnp.bfloat16
    Wqr = Wq.transpose(1, 0, 2).reshape(C, H * HD).astype(bf16)
    Wkr = Wk.transpose(1, 0, 2).reshape(C, H * HD).astype(bf16)
    Wvr = Wv.transpose(1, 0, 2).reshape(C, H * HD).astype(bf16)
    Wpb = Wp.astype(bf16)
    ln1g = ln1_g.reshape(1, C)
    ln1b = ln1_b.reshape(1, C)
    ln2g = ln2_g.reshape(1, C)
    ln2b = ln2_b.reshape(1, C)
    bpr = bp.reshape(1, C)

    Wg_pad = jnp.pad(Wg, ((0, 0), (0, 128 - E)))

    x1, h2b, meta, bso = pl.pallas_call(
        _attn_kernel,
        grid=(B,),
        in_specs=[
            pl.BlockSpec((1, T, C), lambda b: (b, 0, 0)),
            pl.BlockSpec((C, H * HD), lambda b: (0, 0)),
            pl.BlockSpec((C, H * HD), lambda b: (0, 0)),
            pl.BlockSpec((C, H * HD), lambda b: (0, 0)),
            pl.BlockSpec((H * HD, C), lambda b: (0, 0)),
            pl.BlockSpec((1, C), lambda b: (0, 0)),
            pl.BlockSpec((1, C), lambda b: (0, 0)),
            pl.BlockSpec((1, C), lambda b: (0, 0)),
            pl.BlockSpec((1, C), lambda b: (0, 0)),
            pl.BlockSpec((1, C), lambda b: (0, 0)),
            pl.BlockSpec((C, 128), lambda b: (0, 0)),
        ],
        out_specs=[
            pl.BlockSpec((1, T, C), lambda b: (b, 0, 0)),
            pl.BlockSpec((1, T, C // 2), lambda b: (b, 0, 0)),
            pl.BlockSpec((1, 8, TM), lambda b: (b, 0, 0)),
            pl.BlockSpec((1, 1, 128), lambda b: (b, 0, 0)),
        ],
        out_shape=[
            jax.ShapeDtypeStruct((B, T, C), f32),
            jax.ShapeDtypeStruct((B, T, C // 2), jnp.int32),
            jax.ShapeDtypeStruct((B, 8, TM), f32),
            jax.ShapeDtypeStruct((NB, 1, 128), f32),
        ],
    )(x, Wqr, Wkr, Wvr, Wpb, bpr, ln1g, ln1b, ln2g, ln2b, Wg_pad)

    x1f = x1.reshape(N, C)

    do, teo = pl.pallas_call(
        _dest_kernel,
        grid=(NB,),
        in_specs=[
            pl.BlockSpec((1, 8, TM), lambda b: (b, 0, 0)),
            pl.BlockSpec((NB, 1, 128), lambda b: (0, 0, 0)),
        ],
        out_specs=[
            pl.BlockSpec((1, 2, TM), lambda b: (b, 0, 0)),
            pl.BlockSpec((1, 128), lambda b: (0, 0)),
        ],
        out_shape=[
            jax.ShapeDtypeStruct((NB, 2, TM), jnp.int32),
            jax.ShapeDtypeStruct((1, 128), jnp.int32),
        ],
    )(meta, bso)

    dest = do.reshape(NP)

    h2p = h2b.reshape(N, C // 2)
    xep = _make_dispatch_scatter()(h2p, dest)

    b1r = b1.reshape(E, 1, F)
    b2r = b2.reshape(E, 1, C)
    tile_e = teo.reshape(128)

    grid_spec = pltpu.PrefetchScalarGridSpec(
        num_scalar_prefetch=1,
        grid=(NT_TILES,),
        in_specs=[
            pl.BlockSpec((TM, C // 2), lambda j, s: (j, 0)),
            pl.BlockSpec((1, C, F), lambda j, s: (s[j], 0, 0)),
            pl.BlockSpec((1, 1, F), lambda j, s: (s[j], 0, 0)),
            pl.BlockSpec((1, F, C), lambda j, s: (s[j], 0, 0)),
            pl.BlockSpec((1, 1, C), lambda j, s: (s[j], 0, 0)),
        ],
        out_specs=pl.BlockSpec((TM, C // 2), lambda j, s: (j, 0)),
        scratch_shapes=[
            pltpu.VMEM((C, F), bf16),
            pltpu.VMEM((F, C), bf16),
        ],
    )
    yep = pl.pallas_call(
        _expert_kernel,
        grid_spec=grid_spec,
        out_shape=jax.ShapeDtypeStruct((ROWS_PAD, C // 2), jnp.int32),
    )(tile_e, xep, W1, b1r, W2, b2r)

    ygp = _make_row_gather(NP, 128, jnp.int32, C // 2)(yep, dest)

    out = pl.pallas_call(
        _combine_kernel,
        grid=(NB,),
        in_specs=[
            pl.BlockSpec((TM, C), lambda b: (b, 0)),
            pl.BlockSpec((TM, C // 2), lambda b: (2 * b, 0)),
            pl.BlockSpec((TM, C // 2), lambda b: (2 * b + 1, 0)),
            pl.BlockSpec((1, 8, TM), lambda b: (b, 0, 0)),
        ],
        out_specs=pl.BlockSpec((TM, C), lambda b: (b, 0)),
        out_shape=jax.ShapeDtypeStruct((N, C), f32),
    )(x1f, ygp, ygp, meta)

    return out.reshape(B, T, C)

# --- scband reference (transcript-rebuilt; emitter-appended) ---
"""Pipeline reference for scband-block-33981781246196 (READ-ONLY COPY).

The authoritative reference and input builder live on the scoring server;
editing this copy changes nothing except your own understanding.
"""

import jax, jax.numpy as jnp
import numpy as np

B, T, C, H, HD, E, K, F = 32, 256, 512, 8, 64, 8, 2, 2048


def layernorm(x, g, b, eps=1e-5):
    m = x.mean(axis=-1, keepdims=True)
    v = x.var(axis=-1, keepdims=True)
    return (x - m) / jnp.sqrt(v + eps) * g + b


def setup_inputs(seed: int = 0) -> dict:
    key = jax.random.key(seed)
    ks = jax.random.split(key, 16)
    s = 0.02
    return {
        "x": jax.random.normal(ks[0], (B, T, C), dtype=jnp.float32),
        "ln1_g": jnp.ones((C,), jnp.float32),
        "ln1_b": jnp.zeros((C,), jnp.float32),
        "ln2_g": jnp.ones((C,), jnp.float32),
        "ln2_b": jnp.zeros((C,), jnp.float32),
        "Wq": jax.random.normal(ks[1], (H, C, HD), jnp.float32) * s,
        "Wk": jax.random.normal(ks[2], (H, C, HD), jnp.float32) * s,
        "Wv": jax.random.normal(ks[3], (H, C, HD), jnp.float32) * s,
        "Wp": jax.random.normal(ks[4], (H * HD, C), jnp.float32) * s,
        "bp": jnp.zeros((C,), jnp.float32),
        "Wg": jax.random.normal(ks[5], (C, E), jnp.float32) * s,
        "W1": jax.random.normal(ks[6], (E, C, F), jnp.float32) * s,
        "b1": jnp.zeros((E, F), jnp.float32),
        "W2": jax.random.normal(ks[7], (E, F, C), jnp.float32) * s,
        "b2": jnp.zeros((E, C), jnp.float32),
    }


def reference(x, ln1_g, ln1_b, ln2_g, ln2_b, Wq, Wk, Wv, Wp, bp, Wg, W1, b1, W2, b2):
    b, t, c = x.shape
    # --- MultiHeadAttention on ln1(x) (no kv cache, dropout = identity/eval) ---
    h = layernorm(x, ln1_g, ln1_b)
    q = jnp.einsum("btc,hcd->bhtd", h, Wq)
    k = jnp.einsum("btc,hcd->bhtd", h, Wk)
    v = jnp.einsum("btc,hcd->bhtd", h, Wv)
    scores = jnp.einsum("bhtd,bhsd->bhts", q, k) * (HD ** -0.5)
    mask = jnp.tril(jnp.ones((t, t), dtype=bool))
    scores = jnp.where(mask[None, None, :, :], scores, -jnp.inf)
    probs = jax.nn.softmax(scores, axis=-1)
    o = jnp.einsum("bhts,bhsd->bhtd", probs, v)
    o = jnp.transpose(o, (0, 2, 1, 3)).reshape(b, t, H * HD)
    attn = o @ Wp + bp
    x1 = x + attn
    # --- MixtureOfExperts on ln2(x1) ---
    h2 = layernorm(x1, ln2_g, ln2_b)
    flat = h2.reshape(-1, c)
    n = flat.shape[0]
    logits = flat @ Wg
    w = jax.nn.softmax(logits.astype(jnp.float32), axis=-1)
    tw, ti = jax.lax.top_k(w, K)
    tw = tw / tw.sum(axis=-1, keepdims=True)
    tw = tw.astype(flat.dtype)
    # combine weights per expert: g[n, e] = sum_k tw[n,k] * (ti[n,k]==e)
    g = jnp.zeros((n, E), flat.dtype).at[jnp.arange(n)[:, None], ti].add(tw)
    out = jnp.zeros_like(flat)
    for e in range(E):
        h1 = jax.nn.relu(flat @ W1[e] + b1[e])
        oe = h1 @ W2[e] + b2[e]
        out = out + g[:, e : e + 1] * oe
    x2 = x1 + out.reshape(b, t, c)
    return x2

if __name__ == "__main__":
    import jax
    _d = setup_inputs()
    print(jax.jit(kernel)(*tuple(_d.values())))

</pallas_src>

<mosaic_0001>
#map = affine_map<(d0, d1) -> (0, 0)>
#map1 = affine_map<(d0, d1) -> (0)>
module attributes {stable_mosaic.version = 14 : i64} {
  func.func @gather_k(%arg0: i32, %arg1: i32, %arg2: memref<18432x256xi32, #tpu.memory_space<hbm>>, %arg3: memref<16384xi32, #tpu.memory_space<hbm>>, %arg4: memref<16384x256xi32, #tpu.memory_space<hbm>>, %arg5: memref<512xi32, #tpu.memory_space<vmem>>, %arg6: memref<128x256xi32, #tpu.memory_space<vmem>>, %arg7: memref<128x256xi32, #tpu.memory_space<vmem>>, %arg8: memref<!tpu.dma_semaphore, #tpu.memory_space<semaphore_mem>>, %arg9: memref<!tpu.dma_semaphore, #tpu.memory_space<semaphore_mem>>) attributes {dimension_semantics = [#tpu.dimension_semantics<core_parallel>, #tpu.dimension_semantics<subcore_parallel>], iteration_bounds = array<i64: 2, 16>, scalar_prefetch = 0 : i64, scratch_operands = 5 : i64, tpu.core_type = #tpu.core_type<sc_vector_subcore>, window_params = [{transform_indices = #map}, {transform_indices = #map1}, {transform_indices = #map}]} {
    %mul3A = arith.constant 2 : i32
    %mul3A_0 = arith.muli %arg1, %mul3A : i32
    %add3A = arith.addi %mul3A_0, %arg0 : i32
    %mul3A_1 = arith.constant 512 : i32
    %mul3A_2 = arith.muli %add3A, %mul3A_1 : i32
    "tpu.region"() ({
      %run_scoped3A = tpu.sem_alloc : memref<!tpu.dma_semaphore, #tpu.memory_space<semaphore_mem>>
      %dma_start3A_49 = tpu.memref_slice %arg3[%mul3A_2] : memref<16384xi32, #tpu.memory_space<hbm>> -> memref<512xi32, #tpu.memory_space<hbm>>
      %dma_start3A_50 = tpu.memref_slice %arg3[%mul3A_2] : memref<16384xi32, #tpu.memory_space<hbm>> -> memref<512xi32, #tpu.memory_space<hbm>>
      tpu.enqueue_dma source(%dma_start3A_50 : memref<512xi32, #tpu.memory_space<hbm>>) target(%arg5 : memref<512xi32, #tpu.memory_space<vmem>>) target_semaphore(%run_scoped3A : memref<!tpu.dma_semaphore, #tpu.memory_space<semaphore_mem>>)
      %dma_wait3A_51 = tpu.memref_slice %arg3[%mul3A_2] : memref<16384xi32, #tpu.memory_space<hbm>> -> memref<512xi32, #tpu.memory_space<hbm>>
      %dma_wait3A_52 = tpu.memref_slice %arg3[%mul3A_2] : memref<16384xi32, #tpu.memory_space<hbm>> -> memref<512xi32, #tpu.memory_space<hbm>>
      tpu.wait_dma2 semaphore(%run_scoped3A : memref<!tpu.dma_semaphore, #tpu.memory_space<semaphore_mem>>) src(%dma_wait3A_52 : memref<512xi32, #tpu.memory_space<hbm>>) dst(%arg5 : memref<512xi32, #tpu.memory_space<vmem>>)
      tpu.yield
    }) : () -> ()
    %dma_start3A = arith.constant 0 : i32
    %dma_start3A_3 = tpu.memref_slice %arg5[%dma_start3A] : memref<512xi32, #tpu.memory_space<vmem>> -> memref<128xi32, #tpu.memory_space<vmem>>
    %dma_start3A_4 = arith.constant 0 : i32
    %dma_start3A_5 = arith.constant 0 : i32
    %dma_start3A_6 = tpu.memref_slice %arg2[%dma_start3A_4, %dma_start3A_5] : memref<18432x256xi32, #tpu.memory_space<hbm>> -> memref<18432x256xi32, #tpu.memory_space<hbm>>
    tpu.enqueue_indirect_dma source(%dma_start3A_6 : memref<18432x256xi32, #tpu.memory_space<hbm>>) target(%arg6 : memref<128x256xi32, #tpu.memory_space<vmem>>) offsets(%dma_start3A_3 : memref<128xi32, #tpu.memory_space<vmem>>) semaphore(%arg8 : memref<!tpu.dma_semaphore, #tpu.memory_space<semaphore_mem>>)
    %dma_start3A_7 = arith.constant 128 : i32
    %dma_start3A_8 = tpu.memref_slice %arg5[%dma_start3A_7] : memref<512xi32, #tpu.memory_space<vmem>> -> memref<128xi32, #tpu.memory_space<vmem>>
    %dma_start3A_9 = arith.constant 0 : i32
    %dma_start3A_10 = arith.constant 0 : i32
    %dma_start3A_11 = tpu.memref_slice %arg2[%dma_start3A_9, %dma_start3A_10] : memref<18432x256xi32, #tpu.memory_space<hbm>> -> memref<18432x256xi32, #tpu.memory_space<hbm>>
    tpu.enqueue_indirect_dma source(%dma_start3A_11 : memref<18432x256xi32, #tpu.memory_space<hbm>>) target(%arg7 : memref<128x256xi32, #tpu.memory_space<vmem>>) offsets(%dma_start3A_8 : memref<128xi32, #tpu.memory_space<vmem>>) semaphore(%arg9 : memref<!tpu.dma_semaphore, #tpu.memory_space<semaphore_mem>>)
    %dma_wait3A = arith.constant 0 : i32
    %dma_wait3A_12 = tpu.memref_slice %arg5[%dma_wait3A] : memref<512xi32, #tpu.memory_space<vmem>> -> memref<128xi32, #tpu.memory_space<vmem>>
    %dma_wait3A_13 = arith.constant 0 : i32
    %dma_wait3A_14 = arith.constant 0 : i32
    %dma_wait3A_15 = tpu.memref_slice %arg2[%dma_wait3A_13, %dma_wait3A_14] : memref<18432x256xi32, #tpu.memory_space<hbm>> -> memref<18432x256xi32, #tpu.memory_space<hbm>>
    tpu.wait_indirect_dma semaphore(%arg8 : memref<!tpu.dma_semaphore, #tpu.memory_space<semaphore_mem>>) src(%dma_wait3A_15 : memref<18432x256xi32, #tpu.memory_space<hbm>>) dst(%arg6 : memref<128x256xi32, #tpu.memory_space<vmem>>)
    %add3A_16 = arith.constant 0 : i32
    %add3A_17 = arith.addi %mul3A_2, %add3A_16 : i32
    "tpu.region"() ({
      %run_scoped3A = tpu.sem_alloc : memref<!tpu.dma_semaphore, #tpu.memory_space<semaphore_mem>>
      %dma_start3A_49 = arith.constant 0 : i32
      %dma_start3A_50 = tpu.memref_slice %arg4[%add3A_17, %dma_start3A_49] : memref<16384x256xi32, #tpu.memory_space<hbm>> -> memref<128x256xi32, #tpu.memory_space<hbm>>
      %dma_start3A_51 = arith.constant 0 : i32
      %dma_start3A_52 = tpu.memref_slice %arg4[%add3A_17, %dma_start3A_51] : memref<16384x256xi32, #tpu.memory_space<hbm>> -> memref<128x256xi32, #tpu.memory_space<hbm>>
      tpu.enqueue_dma source(%arg6 : memref<128x256xi32, #tpu.memory_space<vmem>>) target(%dma_start3A_52 : memref<128x256xi32, #tpu.memory_space<hbm>>) target_semaphore(%run_scoped3A : memref<!tpu.dma_semaphore, #tpu.memory_space<semaphore_mem>>)
      %dma_wait3A_53 = arith.constant 0 : i32
      %dma_wait3A_54 = tpu.memref_slice %arg4[%add3A_17, %dma_wait3A_53] : memref<16384x256xi32, #tpu.memory_space<hbm>> -> memref<128x256xi32, #tpu.memory_space<hbm>>
      %dma_wait3A_55 = arith.constant 0 : i32
      %dma_wait3A_56 = tpu.memref_slice %arg4[%add3A_17, %dma_wait3A_55] : memref<16384x256xi32, #tpu.memory_space<hbm>> -> memref<128x256xi32, #tpu.memory_space<hbm>>
      tpu.wait_dma2 semaphore(%run_scoped3A : memref<!tpu.dma_semaphore, #tpu.memory_space<semaphore_mem>>) src(%arg6 : memref<128x256xi32, #tpu.memory_space<vmem>>) dst(%dma_wait3A_56 : memref<128x256xi32, #tpu.memory_space<hbm>>)
      tpu.yield
    }) : () -> ()
    %dma_start3A_18 = arith.constant 256 : i32
    %dma_start3A_19 = tpu.memref_slice %arg5[%dma_start3A_18] : memref<512xi32, #tpu.memory_space<vmem>> -> memref<128xi32, #tpu.memory_space<vmem>>
    %dma_start3A_20 = arith.constant 0 : i32
    %dma_start3A_21 = arith.constant 0 : i32
    %dma_start3A_22 = tpu.memref_slice %arg2[%dma_start3A_20, %dma_start3A_21] : memref<18432x256xi32, #tpu.memory_space<hbm>> -> memref<18432x256xi32, #tpu.memory_space<hbm>>
    tpu.enqueue_indirect_dma source(%dma_start3A_22 : memref<18432x256xi32, #tpu.memory_space<hbm>>) target(%arg6 : memref<128x256xi32, #tpu.memory_space<vmem>>) offsets(%dma_start3A_19 : memref<128xi32, #tpu.memory_space<vmem>>) semaphore(%arg8 : memref<!tpu.dma_semaphore, #tpu.memory_space<semaphore_mem>>)
    %dma_wait3A_23 = arith.constant 128 : i32
    %dma_wait3A_24 = tpu.memref_slice %arg5[%dma_wait3A_23] : memref<512xi32, #tpu.memory_space<vmem>> -> memref<128xi32, #tpu.memory_space<vmem>>
    %dma_wait3A_25 = arith.constant 0 : i32
    %dma_wait3A_26 = arith.constant 0 : i32
    %dma_wait3A_27 = tpu.memref_slice %arg2[%dma_wait3A_25, %dma_wait3A_26] : memref<18432x256xi32, #tpu.memory_space<hbm>> -> memref<18432x256xi32, #tpu.memory_space<hbm>>
    tpu.wait_indirect_dma semaphore(%arg9 : memref<!tpu.dma_semaphore, #tpu.memory_space<semaphore_mem>>) src(%dma_wait3A_27 : memref<18432x256xi32, #tpu.memory_space<hbm>>) dst(%arg7 : memref<128x256xi32, #tpu.memory_space<vmem>>)
    %add3A_28 = arith.constant 128 : i32
    %add3A_29 = arith.addi %mul3A_2, %add3A_28 : i32
    "tpu.region"() ({
      %run_scoped3A = tpu.sem_alloc : memref<!tpu.dma_semaphore, #tpu.memory_space<semaphore_mem>>
      %dma_start3A_49 = arith.constant 0 : i32
      %dma_start3A_50 = tpu.memref_slice %arg4[%add3A_29, %dma_start3A_49] : memref<16384x256xi32, #tpu.memory_space<hbm>> -> memref<128x256xi32, #tpu.memory_space<hbm>>
      %dma_start3A_51 = arith.constant 0 : i32
      %dma_start3A_52 = tpu.memref_slice %arg4[%add3A_29, %dma_start3A_51] : memref<16384x256xi32, #tpu.memory_space<hbm>> -> memref<128x256xi32, #tpu.memory_space<hbm>>
      tpu.enqueue_dma source(%arg7 : memref<128x256xi32, #tpu.memory_space<vmem>>) target(%dma_start3A_52 : memref<128x256xi32, #tpu.memory_space<hbm>>) target_semaphore(%run_scoped3A : memref<!tpu.dma_semaphore, #tpu.memory_space<semaphore_mem>>)
      %dma_wait3A_53 = arith.constant 0 : i32
      %dma_wait3A_54 = tpu.memref_slice %arg4[%add3A_29, %dma_wait3A_53] : memref<16384x256xi32, #tpu.memory_space<hbm>> -> memref<128x256xi32, #tpu.memory_space<hbm>>
      %dma_wait3A_55 = arith.constant 0 : i32
      %dma_wait3A_56 = tpu.memref_slice %arg4[%add3A_29, %dma_wait3A_55] : memref<16384x256xi32, #tpu.memory_space<hbm>> -> memref<128x256xi32, #tpu.memory_space<hbm>>
      tpu.wait_dma2 semaphore(%run_scoped3A : memref<!tpu.dma_semaphore, #tpu.memory_space<semaphore_mem>>) src(%arg7 : memref<128x256xi32, #tpu.memory_space<vmem>>) dst(%dma_wait3A_56 : memref<128x256xi32, #tpu.memory_space<hbm>>)
      tpu.yield
    }) : () -> ()
    %dma_start3A_30 = arith.constant 384 : i32
    %dma_start3A_31 = tpu.memref_slice %arg5[%dma_start3A_30] : memref<512xi32, #tpu.memory_space<vmem>> -> memref<128xi32, #tpu.memory_space<vmem>>
    %dma_start3A_32 = arith.constant 0 : i32
    %dma_start3A_33 = arith.constant 0 : i32
    %dma_start3A_34 = tpu.memref_slice %arg2[%dma_start3A_32, %dma_start3A_33] : memref<18432x256xi32, #tpu.memory_space<hbm>> -> memref<18432x256xi32, #tpu.memory_space<hbm>>
    tpu.enqueue_indirect_dma source(%dma_start3A_34 : memref<18432x256xi32, #tpu.memory_space<hbm>>) target(%arg7 : memref<128x256xi32, #tpu.memory_space<vmem>>) offsets(%dma_start3A_31 : memref<128xi32, #tpu.memory_space<vmem>>) semaphore(%arg9 : memref<!tpu.dma_semaphore, #tpu.memory_space<semaphore_mem>>)
    %dma_wait3A_35 = arith.constant 256 : i32
    %dma_wait3A_36 = tpu.memref_slice %arg5[%dma_wait3A_35] : memref<512xi32, #tpu.memory_space<vmem>> -> memref<128xi32, #tpu.memory_space<vmem>>
    %dma_wait3A_37 = arith.constant 0 : i32
    %dma_wait3A_38 = arith.constant 0 : i32
    %dma_wait3A_39 = tpu.memref_slice %arg2[%dma_wait3A_37, %dma_wait3A_38] : memref<18432x256xi32, #tpu.memory_space<hbm>> -> memref<18432x256xi32, #tpu.memory_space<hbm>>
    tpu.wait_indirect_dma semaphore(%arg8 : memref<!tpu.dma_semaphore, #tpu.memory_space<semaphore_mem>>) src(%dma_wait3A_39 : memref<18432x256xi32, #tpu.memory_space<hbm>>) dst(%arg6 : memref<128x256xi32, #tpu.memory_space<vmem>>)
    %add3A_40 = arith.constant 256 : i32
    %add3A_41 = arith.addi %mul3A_2, %add3A_40 : i32
    "tpu.region"() ({
      %run_scoped3A = tpu.sem_alloc : memref<!tpu.dma_semaphore, #tpu.memory_space<semaphore_mem>>
      %dma_start3A_49 = arith.constant 0 : i32
      %dma_start3A_50 = tpu.memref_slice %arg4[%add3A_41, %dma_start3A_49] : memref<16384x256xi32, #tpu.memory_space<hbm>> -> memref<128x256xi32, #tpu.memory_space<hbm>>
      %dma_start3A_51 = arith.constant 0 : i32
      %dma_start3A_52 = tpu.memref_slice %arg4[%add3A_41, %dma_start3A_51] : memref<16384x256xi32, #tpu.memory_space<hbm>> -> memref<128x256xi32, #tpu.memory_space<hbm>>
      tpu.enqueue_dma source(%arg6 : memref<128x256xi32, #tpu.memory_space<vmem>>) target(%dma_start3A_52 : memref<128x256xi32, #tpu.memory_space<hbm>>) target_semaphore(%run_scoped3A : memref<!tpu.dma_semaphore, #tpu.memory_space<semaphore_mem>>)
      %dma_wait3A_53 = arith.constant 0 : i32
      %dma_wait3A_54 = tpu.memref_slice %arg4[%add3A_41, %dma_wait3A_53] : memref<16384x256xi32, #tpu.memory_space<hbm>> -> memref<128x256xi32, #tpu.memory_space<hbm>>
      %dma_wait3A_55 = arith.constant 0 : i32
      %dma_wait3A_56 = tpu.memref_slice %arg4[%add3A_41, %dma_wait3A_55] : memref<16384x256xi32, #tpu.memory_space<hbm>> -> memref<128x256xi32, #tpu.memory_space<hbm>>
      tpu.wait_dma2 semaphore(%run_scoped3A : memref<!tpu.dma_semaphore, #tpu.memory_space<semaphore_mem>>) src(%arg6 : memref<128x256xi32, #tpu.memory_space<vmem>>) dst(%dma_wait3A_56 : memref<128x256xi32, #tpu.memory_space<hbm>>)
      tpu.yield
    }) : () -> ()
    %dma_wait3A_42 = arith.constant 384 : i32
    %dma_wait3A_43 = tpu.memref_slice %arg5[%dma_wait3A_42] : memref<512xi32, #tpu.memory_space<vmem>> -> memref<128xi32, #tpu.memory_space<vmem>>
    %dma_wait3A_44 = arith.constant 0 : i32
    %dma_wait3A_45 = arith.constant 0 : i32
    %dma_wait3A_46 = tpu.memref_slice %arg2[%dma_wait3A_44, %dma_wait3A_45] : memref<18432x256xi32, #tpu.memory_space<hbm>> -> memref<18432x256xi32, #tpu.memory_space<hbm>>
    tpu.wait_indirect_dma semaphore(%arg9 : memref<!tpu.dma_semaphore, #tpu.memory_space<semaphore_mem>>) src(%dma_wait3A_46 : memref<18432x256xi32, #tpu.memory_space<hbm>>) dst(%arg7 : memref<128x256xi32, #tpu.memory_space<vmem>>)
    %add3A_47 = arith.constant 384 : i32
    %add3A_48 = arith.addi %mul3A_2, %add3A_47 : i32
    "tpu.region"() ({
      %run_scoped3A = tpu.sem_alloc : memref<!tpu.dma_semaphore, #tpu.memory_space<semaphore_mem>>
      %dma_start3A_49 = arith.constant 0 : i32
      %dma_start3A_50 = tpu.memref_slice %arg4[%add3A_48, %dma_start3A_49] : memref<16384x256xi32, #tpu.memory_space<hbm>> -> memref<128x256xi32, #tpu.memory_space<hbm>>
      %dma_start3A_51 = arith.constant 0 : i32
      %dma_start3A_52 = tpu.memref_slice %arg4[%add3A_48, %dma_start3A_51] : memref<16384x256xi32, #tpu.memory_space<hbm>> -> memref<128x256xi32, #tpu.memory_space<hbm>>
      tpu.enqueue_dma source(%arg7 : memref<128x256xi32, #tpu.memory_space<vmem>>) target(%dma_start3A_52 : memref<128x256xi32, #tpu.memory_space<hbm>>) target_semaphore(%run_scoped3A : memref<!tpu.dma_semaphore, #tpu.memory_space<semaphore_mem>>)
      %dma_wait3A_53 = arith.constant 0 : i32
      %dma_wait3A_54 = tpu.memref_slice %arg4[%add3A_48, %dma_wait3A_53] : memref<16384x256xi32, #tpu.memory_space<hbm>> -> memref<128x256xi32, #tpu.memory_space<hbm>>
      %dma_wait3A_55 = arith.constant 0 : i32
      %dma_wait3A_56 = tpu.memref_slice %arg4[%add3A_48, %dma_wait3A_55] : memref<16384x256xi32, #tpu.memory_space<hbm>> -> memref<128x256xi32, #tpu.memory_space<hbm>>
      tpu.wait_dma2 semaphore(%run_scoped3A : memref<!tpu.dma_semaphore, #tpu.memory_space<semaphore_mem>>) src(%arg7 : memref<128x256xi32, #tpu.memory_space<vmem>>) dst(%dma_wait3A_56 : memref<128x256xi32, #tpu.memory_space<hbm>>)
      tpu.yield
    }) : () -> ()
    return
  }
}

#map = affine_map<(d0, d1) -> (0, 0)>
#map1 = affine_map<(d0, d1) -> (0)>
module attributes {stable_mosaic.version = 14 : i64} {
  func.func @scatter_k(%arg0: i32, %arg1: i32, %arg2: memref<8192x256xi32, #tpu.memory_space<hbm>>, %arg3: memref<16384xi32, #tpu.memory_space<hbm>>, %arg4: memref<18432x256xi32, #tpu.memory_space<hbm>>, %arg5: memref<4x128xi32, #tpu.memory_space<vmem>>, %arg6: memref<256x256xi32, #tpu.memory_space<vmem>>, %arg7: memref<!tpu.dma_semaphore, #tpu.memory_space<semaphore_mem>>) attributes {dimension_semantics = [#tpu.dimension_semantics<core_parallel>, #tpu.dimension_semantics<subcore_parallel>], iteration_bounds = array<i64: 2, 16>, scalar_prefetch = 0 : i64, scratch_operands = 3 : i64, tpu.core_type = #tpu.core_type<sc_vector_subcore>, window_params = [{transform_indices = #map}, {transform_indices = #map1}, {transform_indices = #map}]} {
    %mul3A = arith.constant 2 : i32
    %mul3A_0 = arith.muli %arg1, %mul3A : i32
    %add3A = arith.addi %mul3A_0, %arg0 : i32
    %mul3A_1 = arith.constant 256 : i32
    %mul3A_2 = arith.muli %add3A, %mul3A_1 : i32
    %mul3A_3 = arith.constant 512 : i32
    %mul3A_4 = arith.muli %add3A, %mul3A_3 : i32
    %run_scoped3A = arith.constant 0 : i32
    "tpu.region"() ({
      %run_scoped3A_92 = tpu.sem_alloc : memref<!tpu.dma_semaphore, #tpu.memory_space<semaphore_mem>>
      %dma_start3A_93 = arith.constant 0 : i32
      %dma_start3A_94 = tpu.memref_slice %arg5[%run_scoped3A, %dma_start3A_93] : memref<4x128xi32, #tpu.memory_space<vmem>> -> memref<1x128xi32, #tpu.memory_space<vmem>>
      %dma_start3A_95 = tpu.memref_squeeze %dma_start3A_94 : memref<1x128xi32, #tpu.memory_space<vmem>> -> memref<128xi32, #tpu.memory_space<vmem>>
      %dma_start3A_96 = tpu.memref_slice %arg3[%mul3A_4] : memref<16384xi32, #tpu.memory_space<hbm>> -> memref<128xi32, #tpu.memory_space<hbm>>
      %dma_start3A_97 = arith.constant 0 : i32
      %dma_start3A_98 = tpu.memref_slice %arg5[%run_scoped3A, %dma_start3A_97] : memref<4x128xi32, #tpu.memory_space<vmem>> -> memref<1x128xi32, #tpu.memory_space<vmem>>
      %dma_start3A_99 = tpu.memref_squeeze %dma_start3A_98 : memref<1x128xi32, #tpu.memory_space<vmem>> -> memref<128xi32, #tpu.memory_space<vmem>>
      %dma_start3A_100 = tpu.memref_slice %arg3[%mul3A_4] : memref<16384xi32, #tpu.memory_space<hbm>> -> memref<128xi32, #tpu.memory_space<hbm>>
      tpu.enqueue_dma source(%dma_start3A_100 : memref<128xi32, #tpu.memory_space<hbm>>) target(%dma_start3A_99 : memref<128xi32, #tpu.memory_space<vmem>>) target_semaphore(%run_scoped3A_92 : memref<!tpu.dma_semaphore, #tpu.memory_space<semaphore_mem>>)
      %dma_wait3A_101 = arith.constant 0 : i32
      %dma_wait3A_102 = tpu.memref_slice %arg5[%run_scoped3A, %dma_wait3A_101] : memref<4x128xi32, #tpu.memory_space<vmem>> -> memref<1x128xi32, #tpu.memory_space<vmem>>
      %dma_wait3A_103 = tpu.memref_squeeze %dma_wait3A_102 : memref<1x128xi32, #tpu.memory_space<vmem>> -> memref<128xi32, #tpu.memory_space<vmem>>
      %dma_wait3A_104 = tpu.memref_slice %arg3[%mul3A_4] : memref<16384xi32, #tpu.memory_space<hbm>> -> memref<128xi32, #tpu.memory_space<hbm>>
      %dma_wait3A_105 = arith.constant 0 : i32
      %dma_wait3A_106 = tpu.memref_slice %arg5[%run_scoped3A, %dma_wait3A_105] : memref<4x128xi32, #tpu.memory_space<vmem>> -> memref<1x128xi32, #tpu.memory_space<vmem>>
      %dma_wait3A_107 = tpu.memref_squeeze %dma_wait3A_106 : memref<1x128xi32, #tpu.memory_space<vmem>> -> memref<128xi32, #tpu.memory_space<vmem>>
      %dma_wait3A_108 = tpu.memref_slice %arg3[%mul3A_4] : memref<16384xi32, #tpu.memory_space<hbm>> -> memref<128xi32, #tpu.memory_space<hbm>>
      tpu.wait_dma2 semaphore(%run_scoped3A_92 : memref<!tpu.dma_semaphore, #tpu.memory_space<semaphore_mem>>) src(%dma_wait3A_108 : memref<128xi32, #tpu.memory_space<hbm>>) dst(%dma_wait3A_107 : memref<128xi32, #tpu.memory_space<vmem>>)
      tpu.yield
    }) : () -> ()
    %add3A_5 = arith.constant 128 : i32
    %add3A_6 = arith.addi %mul3A_4, %add3A_5 : i32
    %run_scoped3A_7 = arith.constant 1 : i32
    "tpu.region"() ({
      %run_scoped3A_92 = tpu.sem_alloc : memref<!tpu.dma_semaphore, #tpu.memory_space<semaphore_mem>>
      %dma_start3A_93 = arith.constant 0 : i32
      %dma_start3A_94 = tpu.memref_slice %arg5[%run_scoped3A_7, %dma_start3A_93] : memref<4x128xi32, #tpu.memory_space<vmem>> -> memref<1x128xi32, #tpu.memory_space<vmem>>
      %dma_start3A_95 = tpu.memref_squeeze %dma_start3A_94 : memref<1x128xi32, #tpu.memory_space<vmem>> -> memref<128xi32, #tpu.memory_space<vmem>>
      %dma_start3A_96 = tpu.memref_slice %arg3[%add3A_6] : memref<16384xi32, #tpu.memory_space<hbm>> -> memref<128xi32, #tpu.memory_space<hbm>>
      %dma_start3A_97 = arith.constant 0 : i32
      %dma_start3A_98 = tpu.memref_slice %arg5[%run_scoped3A_7, %dma_start3A_97] : memref<4x128xi32, #tpu.memory_space<vmem>> -> memref<1x128xi32, #tpu.memory_space<vmem>>
      %dma_start3A_99 = tpu.memref_squeeze %dma_start3A_98 : memref<1x128xi32, #tpu.memory_space<vmem>> -> memref<128xi32, #tpu.memory_space<vmem>>
      %dma_start3A_100 = tpu.memref_slice %arg3[%add3A_6] : memref<16384xi32, #tpu.memory_space<hbm>> -> memref<128xi32, #tpu.memory_space<hbm>>
      tpu.enqueue_dma source(%dma_start3A_100 : memref<128xi32, #tpu.memory_space<hbm>>) target(%dma_start3A_99 : memref<128xi32, #tpu.memory_space<vmem>>) target_semaphore(%run_scoped3A_92 : memref<!tpu.dma_semaphore, #tpu.memory_space<semaphore_mem>>)
      %dma_wait3A_101 = arith.constant 0 : i32
      %dma_wait3A_102 = tpu.memref_slice %arg5[%run_scoped3A_7, %dma_wait3A_101] : memref<4x128xi32, #tpu.memory_space<vmem>> -> memref<1x128xi32, #tpu.memory_space<vmem>>
      %dma_wait3A_103 = tpu.memref_squeeze %dma_wait3A_102 : memref<1x128xi32, #tpu.memory_space<vmem>> -> memref<128xi32, #tpu.memory_space<vmem>>
      %dma_wait3A_104 = tpu.memref_slice %arg3[%add3A_6] : memref<16384xi32, #tpu.memory_space<hbm>> -> memref<128xi32, #tpu.memory_space<hbm>>
      %dma_wait3A_105 = arith.constant 0 : i32
      %dma_wait3A_106 = tpu.memref_slice %arg5[%run_scoped3A_7, %dma_wait3A_105] : memref<4x128xi32, #tpu.memory_space<vmem>> -> memref<1x128xi32, #tpu.memory_space<vmem>>
      %dma_wait3A_107 = tpu.memref_squeeze %dma_wait3A_106 : memref<1x128xi32, #tpu.memory_space<vmem>> -> memref<128xi32, #tpu.memory_space<vmem>>
      %dma_wait3A_108 = tpu.memref_slice %arg3[%add3A_6] : memref<16384xi32, #tpu.memory_space<hbm>> -> memref<128xi32, #tpu.memory_space<hbm>>
      tpu.wait_dma2 semaphore(%run_scoped3A_92 : memref<!tpu.dma_semaphore, #tpu.memory_space<semaphore_mem>>) src(%dma_wait3A_108 : memref<128xi32, #tpu.memory_space<hbm>>) dst(%dma_wait3A_107 : memref<128xi32, #tpu.memory_space<vmem>>)
      tpu.yield
    }) : () -> ()
    %add3A_8 = arith.constant 256 : i32
    %add3A_9 = arith.addi %mul3A_4, %add3A_8 : i32
    %run_scoped3A_10 = arith.constant 2 : i32
    "tpu.region"() ({
      %run_scoped3A_92 = tpu.sem_alloc : memref<!tpu.dma_semaphore, #tpu.memory_space<semaphore_mem>>
      %dma_start3A_93 = arith.constant 0 : i32
      %dma_start3A_94 = tpu.memref_slice %arg5[%run_scoped3A_10, %dma_start3A_93] : memref<4x128xi32, #tpu.memory_space<vmem>> -> memref<1x128xi32, #tpu.memory_space<vmem>>
      %dma_start3A_95 = tpu.memref_squeeze %dma_start3A_94 : memref<1x128xi32, #tpu.memory_space<vmem>> -> memref<128xi32, #tpu.memory_space<vmem>>
      %dma_start3A_96 = tpu.memref_slice %arg3[%add3A_9] : memref<16384xi32, #tpu.memory_space<hbm>> -> memref<128xi32, #tpu.memory_space<hbm>>
      %dma_start3A_97 = arith.constant 0 : i32
      %dma_start3A_98 = tpu.memref_slice %arg5[%run_scoped3A_10, %dma_start3A_97] : memref<4x128xi32, #tpu.memory_space<vmem>> -> memref<1x128xi32, #tpu.memory_space<vmem>>
      %dma_start3A_99 = tpu.memref_squeeze %dma_start3A_98 : memref<1x128xi32, #tpu.memory_space<vmem>> -> memref<128xi32, #tpu.memory_space<vmem>>
      %dma_start3A_100 = tpu.memref_slice %arg3[%add3A_9] : memref<16384xi32, #tpu.memory_space<hbm>> -> memref<128xi32, #tpu.memory_space<hbm>>
      tpu.enqueue_dma source(%dma_start3A_100 : memref<128xi32, #tpu.memory_space<hbm>>) target(%dma_start3A_99 : memref<128xi32, #tpu.memory_space<vmem>>) target_semaphore(%run_scoped3A_92 : memref<!tpu.dma_semaphore, #tpu.memory_space<semaphore_mem>>)
      %dma_wait3A_101 = arith.constant 0 : i32
      %dma_wait3A_102 = tpu.memref_slice %arg5[%run_scoped3A_10, %dma_wait3A_101] : memref<4x128xi32, #tpu.memory_space<vmem>> -> memref<1x128xi32, #tpu.memory_space<vmem>>
      %dma_wait3A_103 = tpu.memref_squeeze %dma_wait3A_102 : memref<1x128xi32, #tpu.memory_space<vmem>> -> memref<128xi32, #tpu.memory_space<vmem>>
      %dma_wait3A_104 = tpu.memref_slice %arg3[%add3A_9] : memref<16384xi32, #tpu.memory_space<hbm>> -> memref<128xi32, #tpu.memory_space<hbm>>
      %dma_wait3A_105 = arith.constant 0 : i32
      %dma_wait3A_106 = tpu.memref_slice %arg5[%run_scoped3A_10, %dma_wait3A_105] : memref<4x128xi32, #tpu.memory_space<vmem>> -> memref<1x128xi32, #tpu.memory_space<vmem>>
      %dma_wait3A_107 = tpu.memref_squeeze %dma_wait3A_106 : memref<1x128xi32, #tpu.memory_space<vmem>> -> memref<128xi32, #tpu.memory_space<vmem>>
      %dma_wait3A_108 = tpu.memref_slice %arg3[%add3A_9] : memref<16384xi32, #tpu.memory_space<hbm>> -> memref<128xi32, #tpu.memory_space<hbm>>
      tpu.wait_dma2 semaphore(%run_scoped3A_92 : memref<!tpu.dma_semaphore, #tpu.memory_space<semaphore_mem>>) src(%dma_wait3A_108 : memref<128xi32, #tpu.memory_space<hbm>>) dst(%dma_wait3A_107 : memref<128xi32, #tpu.memory_space<vmem>>)
      tpu.yield
    }) : () -> ()
    %add3A_11 = arith.constant 384 : i32
    %add3A_12 = arith.addi %mul3A_4, %add3A_11 : i32
    %run_scoped3A_13 = arith.constant 3 : i32
    "tpu.region"() ({
      %run_scoped3A_92 = tpu.sem_alloc : memref<!tpu.dma_semaphore, #tpu.memory_space<semaphore_mem>>
      %dma_start3A_93 = arith.constant 0 : i32
      %dma_start3A_94 = tpu.memref_slice %arg5[%run_scoped3A_13, %dma_start3A_93] : memref<4x128xi32, #tpu.memory_space<vmem>> -> memref<1x128xi32, #tpu.memory_space<vmem>>
      %dma_start3A_95 = tpu.memref_squeeze %dma_start3A_94 : memref<1x128xi32, #tpu.memory_space<vmem>> -> memref<128xi32, #tpu.memory_space<vmem>>
      %dma_start3A_96 = tpu.memref_slice %arg3[%add3A_12] : memref<16384xi32, #tpu.memory_space<hbm>> -> memref<128xi32, #tpu.memory_space<hbm>>
      %dma_start3A_97 = arith.constant 0 : i32
      %dma_start3A_98 = tpu.memref_slice %arg5[%run_scoped3A_13, %dma_start3A_97] : memref<4x128xi32, #tpu.memory_space<vmem>> -> memref<1x128xi32, #tpu.memory_space<vmem>>
      %dma_start3A_99 = tpu.memref_squeeze %dma_start3A_98 : memref<1x128xi32, #tpu.memory_space<vmem>> -> memref<128xi32, #tpu.memory_space<vmem>>
      %dma_start3A_100 = tpu.memref_slice %arg3[%add3A_12] : memref<16384xi32, #tpu.memory_space<hbm>> -> memref<128xi32, #tpu.memory_space<hbm>>
      tpu.enqueue_dma source(%dma_start3A_100 : memref<128xi32, #tpu.memory_space<hbm>>) target(%dma_start3A_99 : memref<128xi32, #tpu.memory_space<vmem>>) target_semaphore(%run_scoped3A_92 : memref<!tpu.dma_semaphore, #tpu.memory_space<semaphore_mem>>)
      %dma_wait3A_101 = arith.constant 0 : i32
      %dma_wait3A_102 = tpu.memref_slice %arg5[%run_scoped3A_13, %dma_wait3A_101] : memref<4x128xi32, #tpu.memory_space<vmem>> -> memref<1x128xi32, #tpu.memory_space<vmem>>
      %dma_wait3A_103 = tpu.memref_squeeze %dma_wait3A_102 : memref<1x128xi32, #tpu.memory_space<vmem>> -> memref<128xi32, #tpu.memory_space<vmem>>
      %dma_wait3A_104 = tpu.memref_slice %arg3[%add3A_12] : memref<16384xi32, #tpu.memory_space<hbm>> -> memref<128xi32, #tpu.memory_space<hbm>>
      %dma_wait3A_105 = arith.constant 0 : i32
      %dma_wait3A_106 = tpu.memref_slice %arg5[%run_scoped3A_13, %dma_wait3A_105] : memref<4x128xi32, #tpu.memory_space<vmem>> -> memref<1x128xi32, #tpu.memory_space<vmem>>
      %dma_wait3A_107 = tpu.memref_squeeze %dma_wait3A_106 : memref<1x128xi32, #tpu.memory_space<vmem>> -> memref<128xi32, #tpu.memory_space<vmem>>
      %dma_wait3A_108 = tpu.memref_slice %arg3[%add3A_12] : memref<16384xi32, #tpu.memory_space<hbm>> -> memref<128xi32, #tpu.memory_space<hbm>>
      tpu.wait_dma2 semaphore(%run_scoped3A_92 : memref<!tpu.dma_semaphore, #tpu.memory_space<semaphore_mem>>) src(%dma_wait3A_108 : memref<128xi32, #tpu.memory_space<hbm>>) dst(%dma_wait3A_107 : memref<128xi32, #tpu.memory_space<vmem>>)
      tpu.yield
    }) : () -> ()
    "tpu.region"() ({
      %run_scoped3A_92 = tpu.sem_alloc : memref<!tpu.dma_semaphore, #tpu.memory_space<semaphore_mem>>
      %dma_start3A_93 = arith.constant 0 : i32
      %dma_start3A_94 = tpu.memref_slice %arg2[%mul3A_2, %dma_start3A_93] : memref<8192x256xi32, #tpu.memory_space<hbm>> -> memref<256x256xi32, #tpu.memory_space<hbm>>
      %dma_start3A_95 = arith.constant 0 : i32
      %dma_start3A_96 = tpu.memref_slice %arg2[%mul3A_2, %dma_start3A_95] : memref<8192x256xi32, #tpu.memory_space<hbm>> -> memref<256x256xi32, #tpu.memory_space<hbm>>
      tpu.enqueue_dma source(%dma_start3A_96 : memref<256x256xi32, #tpu.memory_space<hbm>>) target(%arg6 : memref<256x256xi32, #tpu.memory_space<vmem>>) target_semaphore(%run_scoped3A_92 : memref<!tpu.dma_semaphore, #tpu.memory_space<semaphore_mem>>)
      %dma_wait3A_97 = arith.constant 0 : i32
      %dma_wait3A_98 = tpu.memref_slice %arg2[%mul3A_2, %dma_wait3A_97] : memref<8192x256xi32, #tpu.memory_space<hbm>> -> memref<256x256xi32, #tpu.memory_space<hbm>>
      %dma_wait3A_99 = arith.constant 0 : i32
      %dma_wait3A_100 = tpu.memref_slice %arg2[%mul3A_2, %dma_wait3A_99] : memref<8192x256xi32, #tpu.memory_space<hbm>> -> memref<256x256xi32, #tpu.memory_space<hbm>>
      tpu.wait_dma2 semaphore(%run_scoped3A_92 : memref<!tpu.dma_semaphore, #tpu.memory_space<semaphore_mem>>) src(%dma_wait3A_100 : memref<256x256xi32, #tpu.memory_space<hbm>>) dst(%arg6 : memref<256x256xi32, #tpu.memory_space<vmem>>)
      tpu.yield
    }) : () -> ()
    %dma_start3A = arith.constant 0 : i32
    %dma_start3A_14 = arith.constant 0 : i32
    %dma_start3A_15 = arith.constant 0 : i32
    %dma_start3A_16 = tpu.memref_slice %arg6[%dma_start3A_14, %dma_start3A_15] : memref<256x256xi32, #tpu.memory_space<vmem>> -> memref<128x256xi32, #tpu.memory_space<vmem>>
    %dma_start3A_17 = arith.constant 0 : i32
    %dma_start3A_18 = tpu.memref_slice %arg5[%dma_start3A, %dma_start3A_17] : memref<4x128xi32, #tpu.memory_space<vmem>> -> memref<1x128xi32, #tpu.memory_space<vmem>>
    %dma_start3A_19 = tpu.memref_squeeze %dma_start3A_18 : memref<1x128xi32, #tpu.memory_space<vmem>> -> memref<128xi32, #tpu.memory_space<vmem>>
    %dma_start3A_20 = arith.constant 0 : i32
    %dma_start3A_21 = arith.constant 0 : i32
    %dma_start3A_22 = tpu.memref_slice %arg4[%dma_start3A_20, %dma_start3A_21] : memref<18432x256xi32, #tpu.memory_space<hbm>> -> memref<18432x256xi32, #tpu.memory_space<hbm>>
    tpu.enqueue_indirect_dma source(%dma_start3A_16 : memref<128x256xi32, #tpu.memory_space<vmem>>) target(%dma_start3A_22 : memref<18432x256xi32, #tpu.memory_space<hbm>>) offsets(%dma_start3A_19 : memref<128xi32, #tpu.memory_space<vmem>>) semaphore(%arg7 : memref<!tpu.dma_semaphore, #tpu.memory_space<semaphore_mem>>)
    %dma_start3A_23 = arith.constant 1 : i32
    %dma_start3A_24 = arith.constant 128 : i32
    %dma_start3A_25 = arith.constant 0 : i32
    %dma_start3A_26 = tpu.memref_slice %arg6[%dma_start3A_24, %dma_start3A_25] : memref<256x256xi32, #tpu.memory_space<vmem>> -> memref<128x256xi32, #tpu.memory_space<vmem>>
    %dma_start3A_27 = arith.constant 0 : i32
    %dma_start3A_28 = tpu.memref_slice %arg5[%dma_start3A_23, %dma_start3A_27] : memref<4x128xi32, #tpu.memory_space<vmem>> -> memref<1x128xi32, #tpu.memory_space<vmem>>
    %dma_start3A_29 = tpu.memref_squeeze %dma_start3A_28 : memref<1x128xi32, #tpu.memory_space<vmem>> -> memref<128xi32, #tpu.memory_space<vmem>>
    %dma_start3A_30 = arith.constant 0 : i32
    %dma_start3A_31 = arith.constant 0 : i32
    %dma_start3A_32 = tpu.memref_slice %arg4[%dma_start3A_30, %dma_start3A_31] : memref<18432x256xi32, #tpu.memory_space<hbm>> -> memref<18432x256xi32, #tpu.memory_space<hbm>>
    tpu.enqueue_indirect_dma source(%dma_start3A_26 : memref<128x256xi32, #tpu.memory_space<vmem>>) target(%dma_start3A_32 : memref<18432x256xi32, #tpu.memory_space<hbm>>) offsets(%dma_start3A_29 : memref<128xi32, #tpu.memory_space<vmem>>) semaphore(%arg7 : memref<!tpu.dma_semaphore, #tpu.memory_space<semaphore_mem>>)
    %dma_start3A_33 = arith.constant 2 : i32
    %dma_start3A_34 = arith.constant 0 : i32
    %dma_start3A_35 = arith.constant 0 : i32
    %dma_start3A_36 = tpu.memref_slice %arg6[%dma_start3A_34, %dma_start3A_35] : memref<256x256xi32, #tpu.memory_space<vmem>> -> memref<128x256xi32, #tpu.memory_space<vmem>>
    %dma_start3A_37 = arith.constant 0 : i32
    %dma_start3A_38 = tpu.memref_slice %arg5[%dma_start3A_33, %dma_start3A_37] : memref<4x128xi32, #tpu.memory_space<vmem>> -> memref<1x128xi32, #tpu.memory_space<vmem>>
    %dma_start3A_39 = tpu.memref_squeeze %dma_start3A_38 : memref<1x128xi32, #tpu.memory_space<vmem>> -> memref<128xi32, #tpu.memory_space<vmem>>
    %dma_start3A_40 = arith.constant 0 : i32
    %dma_start3A_41 = arith.constant 0 : i32
    %dma_start3A_42 = tpu.memref_slice %arg4[%dma_start3A_40, %dma_start3A_41] : memref<18432x256xi32, #tpu.memory_space<hbm>> -> memref<18432x256xi32, #tpu.memory_space<hbm>>
    tpu.enqueue_indirect_dma source(%dma_start3A_36 : memref<128x256xi32, #tpu.memory_space<vmem>>) target(%dma_start3A_42 : memref<18432x256xi32, #tpu.memory_space<hbm>>) offsets(%dma_start3A_39 : memref<128xi32, #tpu.memory_space<vmem>>) semaphore(%arg7 : memref<!tpu.dma_semaphore, #tpu.memory_space<semaphore_mem>>)
    %dma_start3A_43 = arith.constant 3 : i32
    %dma_start3A_44 = arith.constant 128 : i32
    %dma_start3A_45 = arith.constant 0 : i32
    %dma_start3A_46 = tpu.memref_slice %arg6[%dma_start3A_44, %dma_start3A_45] : memref<256x256xi32, #tpu.memory_space<vmem>> -> memref<128x256xi32, #tpu.memory_space<vmem>>
    %dma_start3A_47 = arith.constant 0 : i32
    %dma_start3A_48 = tpu.memref_slice %arg5[%dma_start3A_43, %dma_start3A_47] : memref<4x128xi32, #tpu.memory_space<vmem>> -> memref<1x128xi32, #tpu.memory_space<vmem>>
    %dma_start3A_49 = tpu.memref_squeeze %dma_start3A_48 : memref<1x128xi32, #tpu.memory_space<vmem>> -> memref<128xi32, #tpu.memory_space<vmem>>
    %dma_start3A_50 = arith.constant 0 : i32
    %dma_start3A_51 = arith.constant 0 : i32
    %dma_start3A_52 = tpu.memref_slice %arg4[%dma_start3A_50, %dma_start3A_51] : memref<18432x256xi32, #tpu.memory_space<hbm>> -> memref<18432x256xi32, #tpu.memory_space<hbm>>
    tpu.enqueue_indirect_dma source(%dma_start3A_46 : memref<128x256xi32, #tpu.memory_space<vmem>>) target(%dma_start3A_52 : memref<18432x256xi32, #tpu.memory_space<hbm>>) offsets(%dma_start3A_49 : memref<128xi32, #tpu.memory_space<vmem>>) semaphore(%arg7 : memref<!tpu.dma_semaphore, #tpu.memory_space<semaphore_mem>>)
    %dma_wait3A = arith.constant 0 : i32
    %dma_wait3A_53 = arith.constant 0 : i32
    %dma_wait3A_54 = arith.constant 0 : i32
    %dma_wait3A_55 = tpu.memref_slice %arg6[%dma_wait3A_53, %dma_wait3A_54] : memref<256x256xi32, #tpu.memory_space<vmem>> -> memref<128x256xi32, #tpu.memory_space<vmem>>
    %dma_wait3A_56 = arith.constant 0 : i32
    %dma_wait3A_57 = tpu.memref_slice %arg5[%dma_wait3A, %dma_wait3A_56] : memref<4x128xi32, #tpu.memory_space<vmem>> -> memref<1x128xi32, #tpu.memory_space<vmem>>
    %dma_wait3A_58 = tpu.memref_squeeze %dma_wait3A_57 : memref<1x128xi32, #tpu.memory_space<vmem>> -> memref<128xi32, #tpu.memory_space<vmem>>
    %dma_wait3A_59 = arith.constant 0 : i32
    %dma_wait3A_60 = arith.constant 0 : i32
    %dma_wait3A_61 = tpu.memref_slice %arg4[%dma_wait3A_59, %dma_wait3A_60] : memref<18432x256xi32, #tpu.memory_space<hbm>> -> memref<18432x256xi32, #tpu.memory_space<hbm>>
    tpu.wait_indirect_dma semaphore(%arg7 : memref<!tpu.dma_semaphore, #tpu.memory_space<semaphore_mem>>) src(%dma_wait3A_55 : memref<128x256xi32, #tpu.memory_space<vmem>>) dst(%dma_wait3A_61 : memref<18432x256xi32, #tpu.memory_space<hbm>>)
    %dma_wait3A_62 = arith.constant 1 : i32
    %dma_wait3A_63 = arith.constant 128 : i32
    %dma_wait3A_64 = arith.constant 0 : i32
    %dma_wait3A_65 = tpu.memref_slice %arg6[%dma_wait3A_63, %dma_wait3A_64] : memref<256x256xi32, #tpu.memory_space<vmem>> -> memref<128x256xi32, #tpu.memory_space<vmem>>
    %dma_wait3A_66 = arith.constant 0 : i32
    %dma_wait3A_67 = tpu.memref_slice %arg5[%dma_wait3A_62, %dma_wait3A_66] : memref<4x128xi32, #tpu.memory_space<vmem>> -> memref<1x128xi32, #tpu.memory_space<vmem>>
    %dma_wait3A_68 = tpu.memref_squeeze %dma_wait3A_67 : memref<1x128xi32, #tpu.memory_space<vmem>> -> memref<128xi32, #tpu.memory_space<vmem>>
    %dma_wait3A_69 = arith.constant 0 : i32
    %dma_wait3A_70 = arith.constant 0 : i32
    %dma_wait3A_71 = tpu.memref_slice %arg4[%dma_wait3A_69, %dma_wait3A_70] : memref<18432x256xi32, #tpu.memory_space<hbm>> -> memref<18432x256xi32, #tpu.memory_space<hbm>>
    tpu.wait_indirect_dma semaphore(%arg7 : memref<!tpu.dma_semaphore, #tpu.memory_space<semaphore_mem>>) src(%dma_wait3A_65 : memref<128x256xi32, #tpu.memory_space<vmem>>) dst(%dma_wait3A_71 : memref<18432x256xi32, #tpu.memory_space<hbm>>)
    %dma_wait3A_72 = arith.constant 2 : i32
    %dma_wait3A_73 = arith.constant 0 : i32
    %dma_wait3A_74 = arith.constant 0 : i32
    %dma_wait3A_75 = tpu.memref_slice %arg6[%dma_wait3A_73, %dma_wait3A_74] : memref<256x256xi32, #tpu.memory_space<vmem>> -> memref<128x256xi32, #tpu.memory_space<vmem>>
    %dma_wait3A_76 = arith.constant 0 : i32
    %dma_wait3A_77 = tpu.memref_slice %arg5[%dma_wait3A_72, %dma_wait3A_76] : memref<4x128xi32, #tpu.memory_space<vmem>> -> memref<1x128xi32, #tpu.memory_space<vmem>>
    %dma_wait3A_78 = tpu.memref_squeeze %dma_wait3A_77 : memref<1x128xi32, #tpu.memory_space<vmem>> -> memref<128xi32, #tpu.memory_space<vmem>>
    %dma_wait3A_79 = arith.constant 0 : i32
    %dma_wait3A_80 = arith.constant 0 : i32
    %dma_wait3A_81 = tpu.memref_slice %arg4[%dma_wait3A_79, %dma_wait3A_80] : memref<18432x256xi32, #tpu.memory_space<hbm>> -> memref<18432x256xi32, #tpu.memory_space<hbm>>
    tpu.wait_indirect_dma semaphore(%arg7 : memref<!tpu.dma_semaphore, #tpu.memory_space<semaphore_mem>>) src(%dma_wait3A_75 : memref<128x256xi32, #tpu.memory_space<vmem>>) dst(%dma_wait3A_81 : memref<18432x256xi32, #tpu.memory_space<hbm>>)
    %dma_wait3A_82 = arith.constant 3 : i32
    %dma_wait3A_83 = arith.constant 128 : i32
    %dma_wait3A_84 = arith.constant 0 : i32
    %dma_wait3A_85 = tpu.memref_slice %arg6[%dma_wait3A_83, %dma_wait3A_84] : memref<256x256xi32, #tpu.memory_space<vmem>> -> memref<128x256xi32, #tpu.memory_space<vmem>>
    %dma_wait3A_86 = arith.constant 0 : i32
    %dma_wait3A_87 = tpu.memref_slice %arg5[%dma_wait3A_82, %dma_wait3A_86] : memref<4x128xi32, #tpu.memory_space<vmem>> -> memref<1x128xi32, #tpu.memory_space<vmem>>
    %dma_wait3A_88 = tpu.memref_squeeze %dma_wait3A_87 : memref<1x128xi32, #tpu.memory_space<vmem>> -> memref<128xi32, #tpu.memory_space<vmem>>
    %dma_wait3A_89 = arith.constant 0 : i32
    %dma_wait3A_90 = arith.constant 0 : i32
    %dma_wait3A_91 = tpu.memref_slice %arg4[%dma_wait3A_89, %dma_wait3A_90] : memref<18432x256xi32, #tpu.memory_space<hbm>> -> memref<18432x256xi32, #tpu.memory_space<hbm>>
    tpu.wait_indirect_dma semaphore(%arg7 : memref<!tpu.dma_semaphore, #tpu.memory_space<semaphore_mem>>) src(%dma_wait3A_85 : memref<128x256xi32, #tpu.memory_space<vmem>>) dst(%dma_wait3A_91 : memref<18432x256xi32, #tpu.memory_space<hbm>>)
    return
  }
}

module attributes {stable_mosaic.version = 14 : i64} {
  func.func @_dest_kernel(%arg0: i32, %arg1: memref<1x8x256xf32, #tpu.memory_space<vmem>>, %arg2: memref<32x1x128xf32, #tpu.memory_space<vmem>>, %arg3: memref<1x2x256xi32, #tpu.memory_space<vmem>>, %arg4: memref<1x128xi32, #tpu.memory_space<vmem>>) attributes {dimension_semantics = [#tpu.dimension_semantics<arbitrary>], iteration_bounds = array<i64: 32>, scalar_prefetch = 0 : i64, scratch_operands = 0 : i64, tpu.core_type = #tpu.core_type<tc>, window_params = [{transform_indices = @transform_0, window_bounds = array<i64: 1, 8, 256>}, {pipeline_mode = #tpu.pipeline_mode<synchronous>, transform_indices = @transform_1, window_bounds = array<i64: 32, 1, 128>}, {transform_indices = @transform_2, window_bounds = array<i64: 1, 2, 256>}, {pipeline_mode = #tpu.pipeline_mode<synchronous>, transform_indices = @transform_3, window_bounds = array<i64: 1, 128>}]} {
    %get3A = arith.constant 0 : index
    %get3A_0 = arith.constant 0 : index
    %get3A_1 = arith.constant 0 : index
    %get3A_2 = vector.load %arg2[%get3A, %get3A_0, %get3A_1] : memref<32x1x128xf32, #tpu.memory_space<vmem>>, vector<32x1x128xf32>
    %reshape3A = vector.shape_cast %get3A_2 : vector<32x1x128xf32> to vector<32x128xf32>
    %iota3A = tpu.iota {dimensions = array<i32: 0>} : vector<32x32xi32>
    %iota3A_3 = tpu.iota {dimensions = array<i32: 1>} : vector<32x32xi32>
    %lt3A = arith.cmpi slt, %iota3A_3, %iota3A : vector<32x32xi32>
    %convert_element_type3A = arith.extui %lt3A : vector<32x32xi1> to vector<32x32xi32>
    %convert_element_type3A_4 = arith.sitofp %convert_element_type3A : vector<32x32xi32> to vector<32x32xf32>
    %dot_general3A = arith.constant dense<0.000000e+00> : vector<32x128xf32>
    %dot_general3A_5 = tpu.matmul %convert_element_type3A_4, %reshape3A, %dot_general3A {dimension_numbers = #tpu.dot_dimension_numbers<[1], [0], [0], [1], [0, 0, 1, 1], [], []>, transpose_lhs_hint = false} : vector<32x32xf32>, vector<32x128xf32>, vector<32x128xf32> -> vector<32x128xf32>
    %reduce_sum3A = arith.constant dense<0.000000e+00> : vector<128xf32>
    %reduce_sum3A_6 = vector.multi_reduction <add>, %reshape3A, %reduce_sum3A [0] : vector<32x128xf32> to vector<128xf32>
    %broadcast_in_dim3A = vector.shape_cast %reduce_sum3A_6 : vector<128xf32> to vector<1x128xf32>
    %add3A = arith.constant 2.550000e+02 : f32
    %add3A_7 = vector.broadcast %add3A : f32 to vector<1x128xf32>
    %add3A_8 = arith.addf %broadcast_in_dim3A, %add3A_7 : vector<1x128xf32>
    %div3A = arith.constant 2.560000e+02 : f32
    %div3A_9 = vector.broadcast %div3A : f32 to vector<1x128xf32>
    %div3A_10 = arith.divf %add3A_8, %div3A_9 : vector<1x128xf32>
    %floor3A = math.floor %div3A_10 : vector<1x128xf32>
    %mul3A = arith.constant 2.560000e+02 : f32
    %mul3A_11 = vector.broadcast %mul3A : f32 to vector<1x128xf32>
    %mul3A_12 = arith.mulf %floor3A, %mul3A_11 : vector<1x128xf32>
    %iota3A_13 = tpu.iota {dimensions = array<i32: 0>} : vector<128x128xi32>
    %iota3A_14 = tpu.iota {dimensions = array<i32: 1>} : vector<128x128xi32>
    %lt3A_15 = arith.cmpi slt, %iota3A_13, %iota3A_14 : vector<128x128xi32>
    %convert_element_type3A_16 = arith.extui %lt3A_15 : vector<128x128xi1> to vector<128x128xi32>
    %convert_element_type3A_17 = arith.sitofp %convert_element_type3A_16 : vector<128x128xi32> to vector<128x128xf32>
    %dot_general3A_18 = arith.constant dense<0.000000e+00> : vector<1x128xf32>
    %dot_general3A_19 = tpu.matmul %mul3A_12, %convert_element_type3A_17, %dot_general3A_18 {dimension_numbers = #tpu.dot_dimension_numbers<[1], [0], [0], [1], [0, 0, 1, 1], [], []>, transpose_lhs_hint = false} : vector<1x128xf32>, vector<128x128xf32>, vector<1x128xf32> -> vector<1x128xf32>
    %eq3A = arith.cmpi eq, %iota3A_13, %iota3A_14 : vector<128x128xi32>
    %convert_element_type3A_20 = arith.extui %eq3A : vector<128x128xi1> to vector<128x128xi32>
    %convert_element_type3A_21 = arith.sitofp %convert_element_type3A_20 : vector<128x128xi32> to vector<128x128xf32>
    %dot_general3A_22 = arith.constant dense<0.000000e+00> : vector<128x1xf32>
    %dot_general3A_23 = tpu.matmul %convert_element_type3A_21, %dot_general3A_19, %dot_general3A_22 {dimension_numbers = #tpu.dot_dimension_numbers<[1], [1], [0], [0], [0, 0, 1, 0], [], []>, transpose_lhs_hint = false} : vector<128x128xf32>, vector<1x128xf32>, vector<128x1xf32> -> vector<128x1xf32>
    %mul3A_24 = arith.constant 3.906250e-03 : f32
    %mul3A_25 = vector.broadcast %mul3A_24 : f32 to vector<128x1xf32>
    %mul3A_26 = arith.mulf %dot_general3A_23, %mul3A_25 : vector<128x1xf32>
    %iota3A_27 = tpu.iota {dimensions = array<i32: 1>} : vector<1x128xi32>
    %convert_element_type3A_28 = arith.sitofp %iota3A_27 : vector<1x128xi32> to vector<1x128xf32>
    %ge3A = arith.constant 1 : i32
    %ge3A_29 = vector.broadcast %ge3A : i32 to vector<128x128xi32>
    %ge3A_30 = arith.cmpi sge, %iota3A_13, %ge3A_29 : vector<128x128xi32>
    %lt3A_31 = arith.constant 8 : i32
    %lt3A_32 = vector.broadcast %lt3A_31 : i32 to vector<128x128xi32>
    %lt3A_33 = arith.cmpi slt, %iota3A_13, %lt3A_32 : vector<128x128xi32>
    %and3A = arith.andi %ge3A_30, %lt3A_33 : vector<128x128xi1>
    %convert_element_type3A_34 = arith.extui %and3A : vector<128x128xi1> to vector<128x128xi32>
    %convert_element_type3A_35 = arith.sitofp %convert_element_type3A_34 : vector<128x128xi32> to vector<128x128xf32>
    %le3A = vector.broadcast %mul3A_26 : vector<128x1xf32> to vector<128x128xf32>
    %le3A_36 = vector.broadcast %convert_element_type3A_28 : vector<1x128xf32> to vector<128x128xf32>
    %le3A_37 = arith.cmpf ole, %le3A, %le3A_36 : vector<128x128xf32>
    %jit3A = arith.constant 1.000000e+00 : f32
    %jit3A_38 = arith.constant 0.000000e+00 : f32
    %broadcast_in_dim3A_39 = vector.broadcast %jit3A : f32 to vector<128x128xf32>
    %broadcast_in_dim3A_40 = vector.broadcast %jit3A_38 : f32 to vector<128x128xf32>
    %select_n3A = arith.select %le3A_37, %broadcast_in_dim3A_39, %broadcast_in_dim3A_40 : vector<128x128xi1>, vector<128x128xf32>
    %mul3A_41 = arith.mulf %select_n3A, %convert_element_type3A_35 : vector<128x128xf32>
    %broadcast_in_dim3A_42 = arith.constant 1.000000e+00 : f32
    %broadcast_in_dim3A_43 = vector.broadcast %broadcast_in_dim3A_42 : f32 to vector<1x128xf32>
    %dot_general3A_44 = arith.constant dense<0.000000e+00> : vector<1x128xf32>
    %dot_general3A_45 = tpu.matmul %broadcast_in_dim3A_43, %mul3A_41, %dot_general3A_44 {dimension_numbers = #tpu.dot_dimension_numbers<[1], [0], [0], [1], [0, 0, 1, 1], [], []>, transpose_lhs_hint = false} : vector<1x128xf32>, vector<128x128xf32>, vector<1x128xf32> -> vector<1x128xf32>
    %convert_element_type3A_46 = arith.fptosi %dot_general3A_45 : vector<1x128xf32> to vector<1x128xi32>
    %swap3A = arith.constant 0 : index
    %swap3A_47 = arith.constant 0 : index
    %swap3A_48 = vector.load %arg4[%swap3A, %swap3A_47] : memref<1x128xi32, #tpu.memory_space<vmem>>, vector<1x128xi32>
    tpu.vector_store %arg4[%swap3A, %swap3A_47], %convert_element_type3A_46 {strides = array<i32>} : memref<1x128xi32, #tpu.memory_space<vmem>>, vector<1x128xi32>,
    %iota3A_49 = tpu.iota {dimensions = array<i32: 1>} : vector<256x128xi32>
    %iota3A_50 = tpu.iota {dimensions = array<i32: 0>} : vector<32x1xi32>
    %eq3A_51 = vector.broadcast %arg0 : i32 to vector<32x1xi32>
    %eq3A_52 = arith.cmpi eq, %iota3A_50, %eq3A_51 : vector<32x1xi32>
    %convert_element_type3A_53 = arith.extui %eq3A_52 : vector<32x1xi1> to vector<32x1xi32>
    %convert_element_type3A_54 = arith.sitofp %convert_element_type3A_53 : vector<32x1xi32> to vector<32x1xf32>
    %mul3A_55 = vector.broadcast %convert_element_type3A_54 : vector<32x1xf32> to vector<32x128xf32>
    %mul3A_56 = arith.mulf %dot_general3A_5, %mul3A_55 : vector<32x128xf32>
    %reduce_sum3A_57 = arith.constant dense<0.000000e+00> : vector<128xf32>
    %reduce_sum3A_58 = vector.multi_reduction <add>, %mul3A_56, %reduce_sum3A_57 [0] : vector<32x128xf32> to vector<128xf32>
    %broadcast_in_dim3A_59 = vector.shape_cast %reduce_sum3A_58 : vector<128xf32> to vector<1x128xf32>
    %get3A_60 = arith.constant 0 : index
    %get3A_61 = arith.constant 0 : index
    %get3A_62 = arith.constant 0 : index
    %get3A_63 = vector.load %arg1[%get3A_60, %get3A_61, %get3A_62] : memref<1x8x256xf32, #tpu.memory_space<vmem>>, vector<1x8x256xf32>
    %get3A_64 = vector.shape_cast %get3A_63 : vector<1x8x256xf32> to vector<8x256xf32>
    %iota3A_65 = tpu.iota {dimensions = array<i32: 0>} : vector<256x256xi32>
    %iota3A_66 = tpu.iota {dimensions = array<i32: 1>} : vector<256x256xi32>
    %eq3A_67 = arith.cmpi eq, %iota3A_65, %iota3A_66 : vector<256x256xi32>
    %convert_element_type3A_68 = arith.extui %eq3A_67 : vector<256x256xi1> to vector<256x256xi32>
    %convert_element_type3A_69 = arith.sitofp %convert_element_type3A_68 : vector<256x256xi32> to vector<256x256xf32>
    %slice3A = vector.extract_strided_slice %get3A_64 {offsets = [0, 0], sizes = [1, 256], strides = [1, 1]} : vector<8x256xf32> to vector<1x256xf32>
    %dot_general3A_70 = arith.constant dense<0.000000e+00> : vector<256x1xf32>
    %dot_general3A_71 = tpu.matmul %convert_element_type3A_69, %slice3A, %dot_general3A_70 {dimension_numbers = #tpu.dot_dimension_numbers<[1], [1], [0], [0], [0, 0, 1, 0], [], []>, transpose_lhs_hint = false} : vector<256x256xf32>, vector<1x256xf32>, vector<256x1xf32> -> vector<256x1xf32>
    %convert_element_type3A_72 = arith.fptosi %dot_general3A_71 : vector<256x1xf32> to vector<256x1xi32>
    %slice3A_73 = vector.extract_strided_slice %get3A_64 {offsets = [1, 0], sizes = [1, 256], strides = [1, 1]} : vector<8x256xf32> to vector<1x256xf32>
    %dot_general3A_74 = arith.constant dense<0.000000e+00> : vector<256x1xf32>
    %dot_general3A_75 = tpu.matmul %convert_element_type3A_69, %slice3A_73, %dot_general3A_74 {dimension_numbers = #tpu.dot_dimension_numbers<[1], [1], [0], [0], [0, 0, 1, 0], [], []>, transpose_lhs_hint = false} : vector<256x256xf32>, vector<1x256xf32>, vector<256x1xf32> -> vector<256x1xf32>
    %convert_element_type3A_76 = arith.fptosi %dot_general3A_75 : vector<256x1xf32> to vector<256x1xi32>
    %slice3A_77 = vector.extract_strided_slice %get3A_64 {offsets = [4, 0], sizes = [1, 256], strides = [1, 1]} : vector<8x256xf32> to vector<1x256xf32>
    %dot_general3A_78 = arith.constant dense<0.000000e+00> : vector<256x1xf32>
    %dot_general3A_79 = tpu.matmul %convert_element_type3A_69, %slice3A_77, %dot_general3A_78 {dimension_numbers = #tpu.dot_dimension_numbers<[1], [1], [0], [0], [0, 0, 1, 0], [], []>, transpose_lhs_hint = false} : vector<256x256xf32>, vector<1x256xf32>, vector<256x1xf32> -> vector<256x1xf32>
    %slice3A_80 = vector.extract_strided_slice %get3A_64 {offsets = [5, 0], sizes = [1, 256], strides = [1, 1]} : vector<8x256xf32> to vector<1x256xf32>
    %dot_general3A_81 = arith.constant dense<0.000000e+00> : vector<256x1xf32>
    %dot_general3A_82 = tpu.matmul %convert_element_type3A_69, %slice3A_80, %dot_general3A_81 {dimension_numbers = #tpu.dot_dimension_numbers<[1], [1], [0], [0], [0, 0, 1, 0], [], []>, transpose_lhs_hint = false} : vector<256x256xf32>, vector<1x256xf32>, vector<256x1xf32> -> vector<256x1xf32>
    %eq3A_83 = vector.broadcast %convert_element_type3A_72 : vector<256x1xi32> to vector<256x128xi32>
    %eq3A_84 = arith.cmpi eq, %iota3A_49, %eq3A_83 : vector<256x128xi32>
    %convert_element_type3A_85 = arith.extui %eq3A_84 : vector<256x128xi1> to vector<256x128xi32>
    %convert_element_type3A_86 = arith.sitofp %convert_element_type3A_85 : vector<256x128xi32> to vector<256x128xf32>
    %eq3A_87 = vector.broadcast %convert_element_type3A_76 : vector<256x1xi32> to vector<256x128xi32>
    %eq3A_88 = arith.cmpi eq, %iota3A_49, %eq3A_87 : vector<256x128xi32>
    %convert_element_type3A_89 = arith.extui %eq3A_88 : vector<256x128xi1> to vector<256x128xi32>
    %convert_element_type3A_90 = arith.sitofp %convert_element_type3A_89 : vector<256x128xi32> to vector<256x128xf32>
    %add3A_91 = arith.addf %dot_general3A_19, %broadcast_in_dim3A_59 : vector<1x128xf32>
    %mul3A_92 = vector.broadcast %add3A_91 : vector<1x128xf32> to vector<256x128xf32>
    %mul3A_93 = arith.mulf %convert_element_type3A_86, %mul3A_92 : vector<256x128xf32>
    %reduce_sum3A_94 = arith.constant dense<0.000000e+00> : vector<256xf32>
    %reduce_sum3A_95 = vector.multi_reduction <add>, %mul3A_93, %reduce_sum3A_94 [1] : vector<256x128xf32> to vector<256xf32>
    %broadcast_in_dim3A_96 = vector.shape_cast %reduce_sum3A_95 : vector<256xf32> to vector<256x1xf32>
    %add3A_97 = arith.addf %broadcast_in_dim3A_96, %dot_general3A_79 : vector<256x1xf32>
    %add3A_98 = arith.addf %dot_general3A_19, %broadcast_in_dim3A_59 : vector<1x128xf32>
    %mul3A_99 = vector.broadcast %add3A_98 : vector<1x128xf32> to vector<256x128xf32>
    %mul3A_100 = arith.mulf %convert_element_type3A_90, %mul3A_99 : vector<256x128xf32>
    %reduce_sum3A_101 = arith.constant dense<0.000000e+00> : vector<256xf32>
    %reduce_sum3A_102 = vector.multi_reduction <add>, %mul3A_100, %reduce_sum3A_101 [1] : vector<256x128xf32> to vector<256xf32>
    %broadcast_in_dim3A_103 = vector.shape_cast %reduce_sum3A_102 : vector<256xf32> to vector<256x1xf32>
    %add3A_104 = arith.addf %broadcast_in_dim3A_103, %dot_general3A_82 : vector<256x1xf32>
    %mul3A_105 = arith.constant 3.906250e-03 : f32
    %mul3A_106 = vector.broadcast %mul3A_105 : f32 to vector<256x1xf32>
    %mul3A_107 = arith.mulf %add3A_97, %mul3A_106 : vector<256x1xf32>
    %floor3A_108 = math.floor %mul3A_107 : vector<256x1xf32>
    %mul3A_109 = arith.constant 3.906250e-03 : f32
    %mul3A_110 = vector.broadcast %mul3A_109 : f32 to vector<256x1xf32>
    %mul3A_111 = arith.mulf %add3A_104, %mul3A_110 : vector<256x1xf32>
    %floor3A_112 = math.floor %mul3A_111 : vector<256x1xf32>
    %dot_general3A_113 = arith.constant dense<0.000000e+00> : vector<1x256xf32>
    %dot_general3A_114 = tpu.matmul %floor3A_108, %convert_element_type3A_69, %dot_general3A_113 {dimension_numbers = #tpu.dot_dimension_numbers<[0], [0], [1], [1], [0, 1, 1, 1], [], []>, transpose_lhs_hint = false} : vector<256x1xf32>, vector<256x256xf32>, vector<1x256xf32> -> vector<1x256xf32>
    %mul3A_115 = arith.constant 2.560000e+02 : f32
    %mul3A_116 = vector.broadcast %mul3A_115 : f32 to vector<1x256xf32>
    %mul3A_117 = arith.mulf %dot_general3A_114, %mul3A_116 : vector<1x256xf32>
    %mul3A_118 = arith.constant 2.560000e+02 : f32
    %mul3A_119 = vector.broadcast %mul3A_118 : f32 to vector<256x1xf32>
    %mul3A_120 = arith.mulf %floor3A_108, %mul3A_119 : vector<256x1xf32>
    %sub3A = arith.subf %add3A_97, %mul3A_120 : vector<256x1xf32>
    %dot_general3A_121 = arith.constant dense<0.000000e+00> : vector<1x256xf32>
    %dot_general3A_122 = tpu.matmul %sub3A, %convert_element_type3A_69, %dot_general3A_121 {dimension_numbers = #tpu.dot_dimension_numbers<[0], [0], [1], [1], [0, 1, 1, 1], [], []>, transpose_lhs_hint = false} : vector<256x1xf32>, vector<256x256xf32>, vector<1x256xf32> -> vector<1x256xf32>
    %add3A_123 = arith.addf %mul3A_117, %dot_general3A_122 : vector<1x256xf32>
    %dot_general3A_124 = arith.constant dense<0.000000e+00> : vector<1x256xf32>
    %dot_general3A_125 = tpu.matmul %floor3A_112, %convert_element_type3A_69, %dot_general3A_124 {dimension_numbers = #tpu.dot_dimension_numbers<[0], [0], [1], [1], [0, 1, 1, 1], [], []>, transpose_lhs_hint = false} : vector<256x1xf32>, vector<256x256xf32>, vector<1x256xf32> -> vector<1x256xf32>
    %mul3A_126 = arith.constant 2.560000e+02 : f32
    %mul3A_127 = vector.broadcast %mul3A_126 : f32 to vector<1x256xf32>
    %mul3A_128 = arith.mulf %dot_general3A_125, %mul3A_127 : vector<1x256xf32>
    %mul3A_129 = arith.constant 2.560000e+02 : f32
    %mul3A_130 = vector.broadcast %mul3A_129 : f32 to vector<256x1xf32>
    %mul3A_131 = arith.mulf %floor3A_112, %mul3A_130 : vector<256x1xf32>
    %sub3A_132 = arith.subf %add3A_104, %mul3A_131 : vector<256x1xf32>
    %dot_general3A_133 = arith.constant dense<0.000000e+00> : vector<1x256xf32>
    %dot_general3A_134 = tpu.matmul %sub3A_132, %convert_element_type3A_69, %dot_general3A_133 {dimension_numbers = #tpu.dot_dimension_numbers<[0], [0], [1], [1], [0, 1, 1, 1], [], []>, transpose_lhs_hint = false} : vector<256x1xf32>, vector<256x256xf32>, vector<1x256xf32> -> vector<1x256xf32>
    %add3A_135 = arith.addf %mul3A_128, %dot_general3A_134 : vector<1x256xf32>
    %concatenate3A = tpu.concatenate %add3A_123, %add3A_135 in 0 : vector<1x256xf32>, vector<1x256xf32> -> vector<2x256xf32>
    %convert_element_type3A_136 = arith.fptosi %concatenate3A : vector<2x256xf32> to vector<2x256xi32>
    %swap3A_137 = arith.constant 0 : index
    %swap3A_138 = arith.constant 0 : index
    %swap3A_139 = arith.constant 0 : index
    %swap3A_140 = vector.load %arg3[%swap3A_137, %swap3A_138, %swap3A_139] : memref<1x2x256xi32, #tpu.memory_space<vmem>>, vector<1x2x256xi32>
    %swap3A_141 = vector.shape_cast %swap3A_140 : vector<1x2x256xi32> to vector<2x256xi32>
    %swap3A_142 = vector.shape_cast %convert_element_type3A_136 : vector<2x256xi32> to vector<1x2x256xi32>
    tpu.vector_store %arg3[%swap3A_137, %swap3A_138, %swap3A_139], %swap3A_142 {strides = array<i32>} : memref<1x2x256xi32, #tpu.memory_space<vmem>>, vector<1x2x256xi32>,
    return
  }
  func.func @transform_0(%arg0: i32) -> (i32, i32, i32) {
    %c0_i32 = arith.constant 0 : i32
    %c0_i32_0 = arith.constant 0 : i32
    %c0_i32_1 = arith.constant 0 : i32
    return %arg0, %c0_i32, %c0_i32_0 : i32, i32, i32
  }
  func.func @transform_1(%arg0: i32) -> (i32, i32, i32) {
    %c0_i32 = arith.constant 0 : i32
    %c0_i32_0 = arith.constant 0 : i32
    %c0_i32_1 = arith.constant 0 : i32
    %c0_i32_2 = arith.constant 0 : i32
    return %c0_i32, %c0_i32_0, %c0_i32_1 : i32, i32, i32
  }
  func.func @transform_2(%arg0: i32) -> (i32, i32, i32) {
    %c0_i32 = arith.constant 0 : i32
    %c0_i32_0 = arith.constant 0 : i32
    %c0_i32_1 = arith.constant 0 : i32
    return %arg0, %c0_i32, %c0_i32_0 : i32, i32, i32
  }
  func.func @transform_3(%arg0: i32) -> (i32, i32) {
    %c0_i32 = arith.constant 0 : i32
    %c0_i32_0 = arith.constant 0 : i32
    %c0_i32_1 = arith.constant 0 : i32
    return %c0_i32, %c0_i32_0 : i32, i32
  }
}

module attributes {stable_mosaic.version = 14 : i64} {
  func.func @_attn_kernel(%arg0: i32, %arg1: memref<1x256x512xf32, #tpu.memory_space<vmem>>, %arg2: memref<512x512xbf16, #tpu.memory_space<vmem>>, %arg3: memref<512x512xbf16, #tpu.memory_space<vmem>>, %arg4: memref<512x512xbf16, #tpu.memory_space<vmem>>, %arg5: memref<512x512xbf16, #tpu.memory_space<vmem>>, %arg6: memref<1x512xf32, #tpu.memory_space<vmem>>, %arg7: memref<1x512xf32, #tpu.memory_space<vmem>>, %arg8: memref<1x512xf32, #tpu.memory_space<vmem>>, %arg9: memref<1x512xf32, #tpu.memory_space<vmem>>, %arg10: memref<1x512xf32, #tpu.memory_space<vmem>>, %arg11: memref<512x128xf32, #tpu.memory_space<vmem>>, %arg12: memref<1x256x512xf32, #tpu.memory_space<vmem>>, %arg13: memref<1x256x256xi32, #tpu.memory_space<vmem>>, %arg14: memref<1x8x256xf32, #tpu.memory_space<vmem>>, %arg15: memref<1x1x128xf32, #tpu.memory_space<vmem>>) attributes {dimension_semantics = [#tpu.dimension_semantics<arbitrary>], iteration_bounds = array<i64: 32>, scalar_prefetch = 0 : i64, scratch_operands = 0 : i64, tpu.core_type = #tpu.core_type<tc>, window_params = [{transform_indices = @transform_0, window_bounds = array<i64: 1, 256, 512>}, {pipeline_mode = #tpu.pipeline_mode<synchronous>, transform_indices = @transform_1, window_bounds = array<i64: 512, 512>}, {pipeline_mode = #tpu.pipeline_mode<synchronous>, transform_indices = @transform_2, window_bounds = array<i64: 512, 512>}, {pipeline_mode = #tpu.pipeline_mode<synchronous>, transform_indices = @transform_3, window_bounds = array<i64: 512, 512>}, {pipeline_mode = #tpu.pipeline_mode<synchronous>, transform_indices = @transform_4, window_bounds = array<i64: 512, 512>}, {pipeline_mode = #tpu.pipeline_mode<synchronous>, transform_indices = @transform_5, window_bounds = array<i64: 1, 512>}, {pipeline_mode = #tpu.pipeline_mode<synchronous>, transform_indices = @transform_6, window_bounds = array<i64: 1, 512>}, {pipeline_mode = #tpu.pipeline_mode<synchronous>, transform_indices = @transform_7, window_bounds = array<i64: 1, 512>}, {pipeline_mode = #tpu.pipeline_mode<synchronous>, transform_indices = @transform_8, window_bounds = array<i64: 1, 512>}, {pipeline_mode = #tpu.pipeline_mode<synchronous>, transform_indices = @transform_9, window_bounds = array<i64: 1, 512>}, {pipeline_mode = #tpu.pipeline_mode<synchronous>, transform_indices = @transform_10, window_bounds = array<i64: 512, 128>}, {transform_indices = @transform_11, window_bounds = array<i64: 1, 256, 512>}, {transform_indices = @transform_12, window_bounds = array<i64: 1, 256, 256>}, {transform_indices = @transform_13, window_bounds = array<i64: 1, 8, 256>}, {transform_indices = @transform_14, window_bounds = array<i64: 1, 1, 128>}]} {
    %get3A = arith.constant 0 : index
    %get3A_0 = arith.constant 0 : index
    %get3A_1 = arith.constant 0 : index
    %get3A_2 = vector.load %arg1[%get3A, %get3A_0, %get3A_1] : memref<1x256x512xf32, #tpu.memory_space<vmem>>, vector<1x256x512xf32>
    %get3A_3 = vector.shape_cast %get3A_2 : vector<1x256x512xf32> to vector<256x512xf32>
    %reduce_sum3A = arith.constant dense<0.000000e+00> : vector<256xf32>
    %reduce_sum3A_4 = vector.multi_reduction <add>, %get3A_3, %reduce_sum3A [1] : vector<256x512xf32> to vector<256xf32>
    %broadcast_in_dim3A = vector.shape_cast %reduce_sum3A_4 : vector<256xf32> to vector<256x1xf32>
    %div3A = arith.constant 5.120000e+02 : f32
    %div3A_5 = vector.broadcast %div3A : f32 to vector<256x1xf32>
    %div3A_6 = arith.divf %broadcast_in_dim3A, %div3A_5 : vector<256x1xf32>
    %sub3A = vector.broadcast %div3A_6 : vector<256x1xf32> to vector<256x512xf32>
    %sub3A_7 = arith.subf %get3A_3, %sub3A : vector<256x512xf32>
    %mul3A = arith.mulf %sub3A_7, %sub3A_7 : vector<256x512xf32>
    %reduce_sum3A_8 = arith.constant dense<0.000000e+00> : vector<256xf32>
    %reduce_sum3A_9 = vector.multi_reduction <add>, %mul3A, %reduce_sum3A_8 [1] : vector<256x512xf32> to vector<256xf32>
    %broadcast_in_dim3A_10 = vector.shape_cast %reduce_sum3A_9 : vector<256xf32> to vector<256x1xf32>
    %div3A_11 = arith.constant 5.120000e+02 : f32
    %div3A_12 = vector.broadcast %div3A_11 : f32 to vector<256x1xf32>
    %div3A_13 = arith.divf %broadcast_in_dim3A_10, %div3A_12 : vector<256x1xf32>
    %add3A = arith.constant 9.99999974E-6 : f32
    %add3A_14 = vector.broadcast %add3A : f32 to vector<256x1xf32>
    %add3A_15 = arith.addf %div3A_13, %add3A_14 : vector<256x1xf32>
    %rsqrt3A = math.rsqrt %add3A_15 : vector<256x1xf32>
    %mul3A_16 = vector.broadcast %rsqrt3A : vector<256x1xf32> to vector<256x512xf32>
    %mul3A_17 = arith.mulf %sub3A_7, %mul3A_16 : vector<256x512xf32>
    %get3A_18 = arith.constant 0 : index
    %get3A_19 = arith.constant 0 : index
    %get3A_20 = vector.load %arg7[%get3A_18, %get3A_19] : memref<1x512xf32, #tpu.memory_space<vmem>>, vector<1x512xf32>
    %mul3A_21 = vector.broadcast %get3A_20 : vector<1x512xf32> to vector<256x512xf32>
    %mul3A_22 = arith.mulf %mul3A_17, %mul3A_21 : vector<256x512xf32>
    %get3A_23 = arith.constant 0 : index
    %get3A_24 = arith.constant 0 : index
    %get3A_25 = vector.load %arg8[%get3A_23, %get3A_24] : memref<1x512xf32, #tpu.memory_space<vmem>>, vector<1x512xf32>
    %add3A_26 = vector.broadcast %get3A_25 : vector<1x512xf32> to vector<256x512xf32>
    %add3A_27 = arith.addf %mul3A_22, %add3A_26 : vector<256x512xf32>
    %convert_element_type3A = arith.truncf %add3A_27 : vector<256x512xf32> to vector<256x512xbf16>
    %get3A_28 = arith.constant 0 : index
    %get3A_29 = arith.constant 0 : index
    %get3A_30 = vector.load %arg2[%get3A_28, %get3A_29] : memref<512x512xbf16, #tpu.memory_space<vmem>>, vector<512x512xbf16>
    %dot_general3A = arith.constant dense<0.000000e+00> : vector<256x512xf32>
    %dot_general3A_31 = tpu.matmul %convert_element_type3A, %get3A_30, %dot_general3A {dimension_numbers = #tpu.dot_dimension_numbers<[1], [0], [0], [1], [0, 0, 1, 1], [], []>, transpose_lhs_hint = false} : vector<256x512xbf16>, vector<512x512xbf16>, vector<256x512xf32> -> vector<256x512xf32>
    %mul3A_32 = arith.constant 1.250000e-01 : f32
    %mul3A_33 = vector.broadcast %mul3A_32 : f32 to vector<256x512xf32>
    %mul3A_34 = arith.mulf %dot_general3A_31, %mul3A_33 : vector<256x512xf32>
    %convert_element_type3A_35 = arith.truncf %mul3A_34 : vector<256x512xf32> to vector<256x512xbf16>
    %get3A_36 = arith.constant 0 : index
    %get3A_37 = arith.constant 0 : index
    %get3A_38 = vector.load %arg3[%get3A_36, %get3A_37] : memref<512x512xbf16, #tpu.memory_space<vmem>>, vector<512x512xbf16>
    %dot_general3A_39 = arith.constant dense<0.000000e+00> : vector<256x512xf32>
    %dot_general3A_40 = tpu.matmul %convert_element_type3A, %get3A_38, %dot_general3A_39 {dimension_numbers = #tpu.dot_dimension_numbers<[1], [0], [0], [1], [0, 0, 1, 1], [], []>, transpose_lhs_hint = false} : vector<256x512xbf16>, vector<512x512xbf16>, vector<256x512xf32> -> vector<256x512xf32>
    %convert_element_type3A_41 = arith.truncf %dot_general3A_40 : vector<256x512xf32> to vector<256x512xbf16>
    %get3A_42 = arith.constant 0 : index
    %get3A_43 = arith.constant 0 : index
    %get3A_44 = vector.load %arg4[%get3A_42, %get3A_43] : memref<512x512xbf16, #tpu.memory_space<vmem>>, vector<512x512xbf16>
    %dot_general3A_45 = arith.constant dense<0.000000e+00> : vector<256x512xf32>
    %dot_general3A_46 = tpu.matmul %convert_element_type3A, %get3A_44, %dot_general3A_45 {dimension_numbers = #tpu.dot_dimension_numbers<[1], [0], [0], [1], [0, 0, 1, 1], [], []>, transpose_lhs_hint = false} : vector<256x512xbf16>, vector<512x512xbf16>, vector<256x512xf32> -> vector<256x512xf32>
    %convert_element_type3A_47 = arith.truncf %dot_general3A_46 : vector<256x512xf32> to vector<256x512xbf16>
    %iota3A = tpu.iota {dimensions = array<i32: 0>} : vector<256x256xi32>
    %iota3A_48 = tpu.iota {dimensions = array<i32: 1>} : vector<256x256xi32>
    %ge3A = arith.cmpi sge, %iota3A, %iota3A_48 : vector<256x256xi32>
    %slice3A = vector.extract_strided_slice %convert_element_type3A_35 {offsets = [0, 0], sizes = [256, 64], strides = [1, 1]} : vector<256x512xbf16> to vector<256x64xbf16>
    %slice3A_49 = vector.extract_strided_slice %convert_element_type3A_41 {offsets = [0, 0], sizes = [256, 64], strides = [1, 1]} : vector<256x512xbf16> to vector<256x64xbf16>
    %slice3A_50 = vector.extract_strided_slice %convert_element_type3A_47 {offsets = [0, 0], sizes = [256, 64], strides = [1, 1]} : vector<256x512xbf16> to vector<256x64xbf16>
    %dot_general3A_51 = arith.constant dense<0.000000e+00> : vector<256x256xf32>
    %dot_general3A_52 = tpu.matmul %slice3A, %slice3A_49, %dot_general3A_51 {dimension_numbers = #tpu.dot_dimension_numbers<[1], [1], [0], [0], [0, 0, 1, 0], [], []>, transpose_lhs_hint = false} : vector<256x64xbf16>, vector<256x64xbf16>, vector<256x256xf32> -> vector<256x256xf32>
    %exp3A = math.exp %dot_general3A_52 : vector<256x256xf32>
    %jit3A = arith.constant 0.000000e+00 : f32
    %broadcast_in_dim3A_53 = vector.broadcast %jit3A : f32 to vector<256x256xf32>
    %select_n3A = arith.select %ge3A, %exp3A, %broadcast_in_dim3A_53 : vector<256x256xi1>, vector<256x256xf32>
    %reduce_sum3A_54 = arith.constant dense<0.000000e+00> : vector<256xf32>
    %reduce_sum3A_55 = vector.multi_reduction <add>, %select_n3A, %reduce_sum3A_54 [1] : vector<256x256xf32> to vector<256xf32>
    %broadcast_in_dim3A_56 = vector.shape_cast %reduce_sum3A_55 : vector<256xf32> to vector<256x1xf32>
    %div3A_57 = arith.constant 1.000000e+00 : f32
    %div3A_58 = vector.broadcast %div3A_57 : f32 to vector<256x1xf32>
    %div3A_59 = arith.divf %div3A_58, %broadcast_in_dim3A_56 : vector<256x1xf32>
    %mul3A_60 = vector.broadcast %div3A_59 : vector<256x1xf32> to vector<256x256xf32>
    %mul3A_61 = arith.mulf %select_n3A, %mul3A_60 : vector<256x256xf32>
    %convert_element_type3A_62 = arith.truncf %mul3A_61 : vector<256x256xf32> to vector<256x256xbf16>
    %dot_general3A_63 = arith.constant dense<0.000000e+00> : vector<256x64xf32>
    %dot_general3A_64 = tpu.matmul %convert_element_type3A_62, %slice3A_50, %dot_general3A_63 {dimension_numbers = #tpu.dot_dimension_numbers<[1], [0], [0], [1], [0, 0, 1, 1], [], []>, transpose_lhs_hint = false} : vector<256x256xbf16>, vector<256x64xbf16>, vector<256x64xf32> -> vector<256x64xf32>
    %slice3A_65 = vector.extract_strided_slice %convert_element_type3A_35 {offsets = [0, 64], sizes = [256, 64], strides = [1, 1]} : vector<256x512xbf16> to vector<256x64xbf16>
    %slice3A_66 = vector.extract_strided_slice %convert_element_type3A_41 {offsets = [0, 64], sizes = [256, 64], strides = [1, 1]} : vector<256x512xbf16> to vector<256x64xbf16>
    %slice3A_67 = vector.extract_strided_slice %convert_element_type3A_47 {offsets = [0, 64], sizes = [256, 64], strides = [1, 1]} : vector<256x512xbf16> to vector<256x64xbf16>
    %dot_general3A_68 = arith.constant dense<0.000000e+00> : vector<256x256xf32>
    %dot_general3A_69 = tpu.matmul %slice3A_65, %slice3A_66, %dot_general3A_68 {dimension_numbers = #tpu.dot_dimension_numbers<[1], [1], [0], [0], [0, 0, 1, 0], [], []>, transpose_lhs_hint = false} : vector<256x64xbf16>, vector<256x64xbf16>, vector<256x256xf32> -> vector<256x256xf32>
    %exp3A_70 = math.exp %dot_general3A_69 : vector<256x256xf32>
    %jit3A_71 = arith.constant 0.000000e+00 : f32
    %broadcast_in_dim3A_72 = vector.broadcast %jit3A_71 : f32 to vector<256x256xf32>
    %select_n3A_73 = arith.select %ge3A, %exp3A_70, %broadcast_in_dim3A_72 : vector<256x256xi1>, vector<256x256xf32>
    %reduce_sum3A_74 = arith.constant dense<0.000000e+00> : vector<256xf32>
    %reduce_sum3A_75 = vector.multi_reduction <add>, %select_n3A_73, %reduce_sum3A_74 [1] : vector<256x256xf32> to vector<256xf32>
    %broadcast_in_dim3A_76 = vector.shape_cast %reduce_sum3A_75 : vector<256xf32> to vector<256x1xf32>
    %div3A_77 = arith.constant 1.000000e+00 : f32
    %div3A_78 = vector.broadcast %div3A_77 : f32 to vector<256x1xf32>
    %div3A_79 = arith.divf %div3A_78, %broadcast_in_dim3A_76 : vector<256x1xf32>
    %mul3A_80 = vector.broadcast %div3A_79 : vector<256x1xf32> to vector<256x256xf32>
    %mul3A_81 = arith.mulf %select_n3A_73, %mul3A_80 : vector<256x256xf32>
    %convert_element_type3A_82 = arith.truncf %mul3A_81 : vector<256x256xf32> to vector<256x256xbf16>
    %dot_general3A_83 = arith.constant dense<0.000000e+00> : vector<256x64xf32>
    %dot_general3A_84 = tpu.matmul %convert_element_type3A_82, %slice3A_67, %dot_general3A_83 {dimension_numbers = #tpu.dot_dimension_numbers<[1], [0], [0], [1], [0, 0, 1, 1], [], []>, transpose_lhs_hint = false} : vector<256x256xbf16>, vector<256x64xbf16>, vector<256x64xf32> -> vector<256x64xf32>
    %slice3A_85 = vector.extract_strided_slice %convert_element_type3A_35 {offsets = [0, 128], sizes = [256, 64], strides = [1, 1]} : vector<256x512xbf16> to vector<256x64xbf16>
    %slice3A_86 = vector.extract_strided_slice %convert_element_type3A_41 {offsets = [0, 128], sizes = [256, 64], strides = [1, 1]} : vector<256x512xbf16> to vector<256x64xbf16>
    %slice3A_87 = vector.extract_strided_slice %convert_element_type3A_47 {offsets = [0, 128], sizes = [256, 64], strides = [1, 1]} : vector<256x512xbf16> to vector<256x64xbf16>
    %dot_general3A_88 = arith.constant dense<0.000000e+00> : vector<256x256xf32>
    %dot_general3A_89 = tpu.matmul %slice3A_85, %slice3A_86, %dot_general3A_88 {dimension_numbers = #tpu.dot_dimension_numbers<[1], [1], [0], [0], [0, 0, 1, 0], [], []>, transpose_lhs_hint = false} : vector<256x64xbf16>, vector<256x64xbf16>, vector<256x256xf32> -> vector<256x256xf32>
    %exp3A_90 = math.exp %dot_general3A_89 : vector<256x256xf32>
    %jit3A_91 = arith.constant 0.000000e+00 : f32
    %broadcast_in_dim3A_92 = vector.broadcast %jit3A_91 : f32 to vector<256x256xf32>
    %select_n3A_93 = arith.select %ge3A, %exp3A_90, %broadcast_in_dim3A_92 : vector<256x256xi1>, vector<256x256xf32>
    %reduce_sum3A_94 = arith.constant dense<0.000000e+00> : vector<256xf32>
    %reduce_sum3A_95 = vector.multi_reduction <add>, %select_n3A_93, %reduce_sum3A_94 [1] : vector<256x256xf32> to vector<256xf32>
    %broadcast_in_dim3A_96 = vector.shape_cast %reduce_sum3A_95 : vector<256xf32> to vector<256x1xf32>
    %div3A_97 = arith.constant 1.000000e+00 : f32
    %div3A_98 = vector.broadcast %div3A_97 : f32 to vector<256x1xf32>
    %div3A_99 = arith.divf %div3A_98, %broadcast_in_dim3A_96 : vector<256x1xf32>
    %mul3A_100 = vector.broadcast %div3A_99 : vector<256x1xf32> to vector<256x256xf32>
    %mul3A_101 = arith.mulf %select_n3A_93, %mul3A_100 : vector<256x256xf32>
    %convert_element_type3A_102 = arith.truncf %mul3A_101 : vector<256x256xf32> to vector<256x256xbf16>
    %dot_general3A_103 = arith.constant dense<0.000000e+00> : vector<256x64xf32>
    %dot_general3A_104 = tpu.matmul %convert_element_type3A_102, %slice3A_87, %dot_general3A_103 {dimension_numbers = #tpu.dot_dimension_numbers<[1], [0], [0], [1], [0, 0, 1, 1], [], []>, transpose_lhs_hint = false} : vector<256x256xbf16>, vector<256x64xbf16>, vector<256x64xf32> -> vector<256x64xf32>
    %slice3A_105 = vector.extract_strided_slice %convert_element_type3A_35 {offsets = [0, 192], sizes = [256, 64], strides = [1, 1]} : vector<256x512xbf16> to vector<256x64xbf16>
    %slice3A_106 = vector.extract_strided_slice %convert_element_type3A_41 {offsets = [0, 192], sizes = [256, 64], strides = [1, 1]} : vector<256x512xbf16> to vector<256x64xbf16>
    %slice3A_107 = vector.extract_strided_slice %convert_element_type3A_47 {offsets = [0, 192], sizes = [256, 64], strides = [1, 1]} : vector<256x512xbf16> to vector<256x64xbf16>
    %dot_general3A_108 = arith.constant dense<0.000000e+00> : vector<256x256xf32>
    %dot_general3A_109 = tpu.matmul %slice3A_105, %slice3A_106, %dot_general3A_108 {dimension_numbers = #tpu.dot_dimension_numbers<[1], [1], [0], [0], [0, 0, 1, 0], [], []>, transpose_lhs_hint = false} : vector<256x64xbf16>, vector<256x64xbf16>, vector<256x256xf32> -> vector<256x256xf32>
    %exp3A_110 = math.exp %dot_general3A_109 : vector<256x256xf32>
    %jit3A_111 = arith.constant 0.000000e+00 : f32
    %broadcast_in_dim3A_112 = vector.broadcast %jit3A_111 : f32 to vector<256x256xf32>
    %select_n3A_113 = arith.select %ge3A, %exp3A_110, %broadcast_in_dim3A_112 : vector<256x256xi1>, vector<256x256xf32>
    %reduce_sum3A_114 = arith.constant dense<0.000000e+00> : vector<256xf32>
    %reduce_sum3A_115 = vector.multi_reduction <add>, %select_n3A_113, %reduce_sum3A_114 [1] : vector<256x256xf32> to vector<256xf32>
    %broadcast_in_dim3A_116 = vector.shape_cast %reduce_sum3A_115 : vector<256xf32> to vector<256x1xf32>
    %div3A_117 = arith.constant 1.000000e+00 : f32
    %div3A_118 = vector.broadcast %div3A_117 : f32 to vector<256x1xf32>
    %div3A_119 = arith.divf %div3A_118, %broadcast_in_dim3A_116 : vector<256x1xf32>
    %mul3A_120 = vector.broadcast %div3A_119 : vector<256x1xf32> to vector<256x256xf32>
    %mul3A_121 = arith.mulf %select_n3A_113, %mul3A_120 : vector<256x256xf32>
    %convert_element_type3A_122 = arith.truncf %mul3A_121 : vector<256x256xf32> to vector<256x256xbf16>
    %dot_general3A_123 = arith.constant dense<0.000000e+00> : vector<256x64xf32>
    %dot_general3A_124 = tpu.matmul %convert_element_type3A_122, %slice3A_107, %dot_general3A_123 {dimension_numbers = #tpu.dot_dimension_numbers<[1], [0], [0], [1], [0, 0, 1, 1], [], []>, transpose_lhs_hint = false} : vector<256x256xbf16>, vector<256x64xbf16>, vector<256x64xf32> -> vector<256x64xf32>
    %slice3A_125 = vector.extract_strided_slice %convert_element_type3A_35 {offsets = [0, 256], sizes = [256, 64], strides = [1, 1]} : vector<256x512xbf16> to vector<256x64xbf16>
    %slice3A_126 = vector.extract_strided_slice %convert_element_type3A_41 {offsets = [0, 256], sizes = [256, 64], strides = [1, 1]} : vector<256x512xbf16> to vector<256x64xbf16>
    %slice3A_127 = vector.extract_strided_slice %convert_element_type3A_47 {offsets = [0, 256], sizes = [256, 64], strides = [1, 1]} : vector<256x512xbf16> to vector<256x64xbf16>
    %dot_general3A_128 = arith.constant dense<0.000000e+00> : vector<256x256xf32>
    %dot_general3A_129 = tpu.matmul %slice3A_125, %slice3A_126, %dot_general3A_128 {dimension_numbers = #tpu.dot_dimension_numbers<[1], [1], [0], [0], [0, 0, 1, 0], [], []>, transpose_lhs_hint = false} : vector<256x64xbf16>, vector<256x64xbf16>, vector<256x256xf32> -> vector<256x256xf32>
    %exp3A_130 = math.exp %dot_general3A_129 : vector<256x256xf32>
    %jit3A_131 = arith.constant 0.000000e+00 : f32
    %broadcast_in_dim3A_132 = vector.broadcast %jit3A_131 : f32 to vector<256x256xf32>
    %select_n3A_133 = arith.select %ge3A, %exp3A_130, %broadcast_in_dim3A_132 : vector<256x256xi1>, vector<256x256xf32>
    %reduce_sum3A_134 = arith.constant dense<0.000000e+00> : vector<256xf32>
    %reduce_sum3A_135 = vector.multi_reduction <add>, %select_n3A_133, %reduce_sum3A_134 [1] : vector<256x256xf32> to vector<256xf32>
    %broadcast_in_dim3A_136 = vector.shape_cast %reduce_sum3A_135 : vector<256xf32> to vector<256x1xf32>
    %div3A_137 = arith.constant 1.000000e+00 : f32
    %div3A_138 = vector.broadcast %div3A_137 : f32 to vector<256x1xf32>
    %div3A_139 = arith.divf %div3A_138, %broadcast_in_dim3A_136 : vector<256x1xf32>
    %mul3A_140 = vector.broadcast %div3A_139 : vector<256x1xf32> to vector<256x256xf32>
    %mul3A_141 = arith.mulf %select_n3A_133, %mul3A_140 : vector<256x256xf32>
    %convert_element_type3A_142 = arith.truncf %mul3A_141 : vector<256x256xf32> to vector<256x256xbf16>
    %dot_general3A_143 = arith.constant dense<0.000000e+00> : vector<256x64xf32>
    %dot_general3A_144 = tpu.matmul %convert_element_type3A_142, %slice3A_127, %dot_general3A_143 {dimension_numbers = #tpu.dot_dimension_numbers<[1], [0], [0], [1], [0, 0, 1, 1], [], []>, transpose_lhs_hint = false} : vector<256x256xbf16>, vector<256x64xbf16>, vector<256x64xf32> -> vector<256x64xf32>
    %slice3A_145 = vector.extract_strided_slice %convert_element_type3A_35 {offsets = [0, 320], sizes = [256, 64], strides = [1, 1]} : vector<256x512xbf16> to vector<256x64xbf16>
    %slice3A_146 = vector.extract_strided_slice %convert_element_type3A_41 {offsets = [0, 320], sizes = [256, 64], strides = [1, 1]} : vector<256x512xbf16> to vector<256x64xbf16>
    %slice3A_147 = vector.extract_strided_slice %convert_element_type3A_47 {offsets = [0, 320], sizes = [256, 64], strides = [1, 1]} : vector<256x512xbf16> to vector<256x64xbf16>
    %dot_general3A_148 = arith.constant dense<0.000000e+00> : vector<256x256xf32>
    %dot_general3A_149 = tpu.matmul %slice3A_145, %slice3A_146, %dot_general3A_148 {dimension_numbers = #tpu.dot_dimension_numbers<[1], [1], [0], [0], [0, 0, 1, 0], [], []>, transpose_lhs_hint = false} : vector<256x64xbf16>, vector<256x64xbf16>, vector<256x256xf32> -> vector<256x256xf32>
    %exp3A_150 = math.exp %dot_general3A_149 : vector<256x256xf32>
    %jit3A_151 = arith.constant 0.000000e+00 : f32
    %broadcast_in_dim3A_152 = vector.broadcast %jit3A_151 : f32 to vector<256x256xf32>
    %select_n3A_153 = arith.select %ge3A, %exp3A_150, %broadcast_in_dim3A_152 : vector<256x256xi1>, vector<256x256xf32>
    %reduce_sum3A_154 = arith.constant dense<0.000000e+00> : vector<256xf32>
    %reduce_sum3A_155 = vector.multi_reduction <add>, %select_n3A_153, %reduce_sum3A_154 [1] : vector<256x256xf32> to vector<256xf32>
    %broadcast_in_dim3A_156 = vector.shape_cast %reduce_sum3A_155 : vector<256xf32> to vector<256x1xf32>
    %div3A_157 = arith.constant 1.000000e+00 : f32
    %div3A_158 = vector.broadcast %div3A_157 : f32 to vector<256x1xf32>
    %div3A_159 = arith.divf %div3A_158, %broadcast_in_dim3A_156 : vector<256x1xf32>
    %mul3A_160 = vector.broadcast %div3A_159 : vector<256x1xf32> to vector<256x256xf32>
    %mul3A_161 = arith.mulf %select_n3A_153, %mul3A_160 : vector<256x256xf32>
    %convert_element_type3A_162 = arith.truncf %mul3A_161 : vector<256x256xf32> to vector<256x256xbf16>
    %dot_general3A_163 = arith.constant dense<0.000000e+00> : vector<256x64xf32>
    %dot_general3A_164 = tpu.matmul %convert_element_type3A_162, %slice3A_147, %dot_general3A_163 {dimension_numbers = #tpu.dot_dimension_numbers<[1], [0], [0], [1], [0, 0, 1, 1], [], []>, transpose_lhs_hint = false} : vector<256x256xbf16>, vector<256x64xbf16>, vector<256x64xf32> -> vector<256x64xf32>
    %slice3A_165 = vector.extract_strided_slice %convert_element_type3A_35 {offsets = [0, 384], sizes = [256, 64], strides = [1, 1]} : vector<256x512xbf16> to vector<256x64xbf16>
    %slice3A_166 = vector.extract_strided_slice %convert_element_type3A_41 {offsets = [0, 384], sizes = [256, 64], strides = [1, 1]} : vector<256x512xbf16> to vector<256x64xbf16>
    %slice3A_167 = vector.extract_strided_slice %convert_element_type3A_47 {offsets = [0, 384], sizes = [256, 64], strides = [1, 1]} : vector<256x512xbf16> to vector<256x64xbf16>
    %dot_general3A_168 = arith.constant dense<0.000000e+00> : vector<256x256xf32>
    %dot_general3A_169 = tpu.matmul %slice3A_165, %slice3A_166, %dot_general3A_168 {dimension_numbers = #tpu.dot_dimension_numbers<[1], [1], [0], [0], [0, 0, 1, 0], [], []>, transpose_lhs_hint = false} : vector<256x64xbf16>, vector<256x64xbf16>, vector<256x256xf32> -> vector<256x256xf32>
    %exp3A_170 = math.exp %dot_general3A_169 : vector<256x256xf32>
    %jit3A_171 = arith.constant 0.000000e+00 : f32
    %broadcast_in_dim3A_172 = vector.broadcast %jit3A_171 : f32 to vector<256x256xf32>
    %select_n3A_173 = arith.select %ge3A, %exp3A_170, %broadcast_in_dim3A_172 : vector<256x256xi1>, vector<256x256xf32>
    %reduce_sum3A_174 = arith.constant dense<0.000000e+00> : vector<256xf32>
    %reduce_sum3A_175 = vector.multi_reduction <add>, %select_n3A_173, %reduce_sum3A_174 [1] : vector<256x256xf32> to vector<256xf32>
    %broadcast_in_dim3A_176 = vector.shape_cast %reduce_sum3A_175 : vector<256xf32> to vector<256x1xf32>
    %div3A_177 = arith.constant 1.000000e+00 : f32
    %div3A_178 = vector.broadcast %div3A_177 : f32 to vector<256x1xf32>
    %div3A_179 = arith.divf %div3A_178, %broadcast_in_dim3A_176 : vector<256x1xf32>
    %mul3A_180 = vector.broadcast %div3A_179 : vector<256x1xf32> to vector<256x256xf32>
    %mul3A_181 = arith.mulf %select_n3A_173, %mul3A_180 : vector<256x256xf32>
    %convert_element_type3A_182 = arith.truncf %mul3A_181 : vector<256x256xf32> to vector<256x256xbf16>
    %dot_general3A_183 = arith.constant dense<0.000000e+00> : vector<256x64xf32>
    %dot_general3A_184 = tpu.matmul %convert_element_type3A_182, %slice3A_167, %dot_general3A_183 {dimension_numbers = #tpu.dot_dimension_numbers<[1], [0], [0], [1], [0, 0, 1, 1], [], []>, transpose_lhs_hint = false} : vector<256x256xbf16>, vector<256x64xbf16>, vector<256x64xf32> -> vector<256x64xf32>
    %slice3A_185 = vector.extract_strided_slice %convert_element_type3A_35 {offsets = [0, 448], sizes = [256, 64], strides = [1, 1]} : vector<256x512xbf16> to vector<256x64xbf16>
    %slice3A_186 = vector.extract_strided_slice %convert_element_type3A_41 {offsets = [0, 448], sizes = [256, 64], strides = [1, 1]} : vector<256x512xbf16> to vector<256x64xbf16>
    %slice3A_187 = vector.extract_strided_slice %convert_element_type3A_47 {offsets = [0, 448], sizes = [256, 64], strides = [1, 1]} : vector<256x512xbf16> to vector<256x64xbf16>
    %dot_general3A_188 = arith.constant dense<0.000000e+00> : vector<256x256xf32>
    %dot_general3A_189 = tpu.matmul %slice3A_185, %slice3A_186, %dot_general3A_188 {dimension_numbers = #tpu.dot_dimension_numbers<[1], [1], [0], [0], [0, 0, 1, 0], [], []>, transpose_lhs_hint = false} : vector<256x64xbf16>, vector<256x64xbf16>, vector<256x256xf32> -> vector<256x256xf32>
    %exp3A_190 = math.exp %dot_general3A_189 : vector<256x256xf32>
    %jit3A_191 = arith.constant 0.000000e+00 : f32
    %broadcast_in_dim3A_192 = vector.broadcast %jit3A_191 : f32 to vector<256x256xf32>
    %select_n3A_193 = arith.select %ge3A, %exp3A_190, %broadcast_in_dim3A_192 : vector<256x256xi1>, vector<256x256xf32>
    %reduce_sum3A_194 = arith.constant dense<0.000000e+00> : vector<256xf32>
    %reduce_sum3A_195 = vector.multi_reduction <add>, %select_n3A_193, %reduce_sum3A_194 [1] : vector<256x256xf32> to vector<256xf32>
    %broadcast_in_dim3A_196 = vector.shape_cast %reduce_sum3A_195 : vector<256xf32> to vector<256x1xf32>
    %div3A_197 = arith.constant 1.000000e+00 : f32
    %div3A_198 = vector.broadcast %div3A_197 : f32 to vector<256x1xf32>
    %div3A_199 = arith.divf %div3A_198, %broadcast_in_dim3A_196 : vector<256x1xf32>
    %mul3A_200 = vector.broadcast %div3A_199 : vector<256x1xf32> to vector<256x256xf32>
    %mul3A_201 = arith.mulf %select_n3A_193, %mul3A_200 : vector<256x256xf32>
    %convert_element_type3A_202 = arith.truncf %mul3A_201 : vector<256x256xf32> to vector<256x256xbf16>
    %dot_general3A_203 = arith.constant dense<0.000000e+00> : vector<256x64xf32>
    %dot_general3A_204 = tpu.matmul %convert_element_type3A_202, %slice3A_187, %dot_general3A_203 {dimension_numbers = #tpu.dot_dimension_numbers<[1], [0], [0], [1], [0, 0, 1, 1], [], []>, transpose_lhs_hint = false} : vector<256x256xbf16>, vector<256x64xbf16>, vector<256x64xf32> -> vector<256x64xf32>
    %concatenate3A = tpu.concatenate %dot_general3A_64, %dot_general3A_84, %dot_general3A_104, %dot_general3A_124, %dot_general3A_144, %dot_general3A_164, %dot_general3A_184, %dot_general3A_204 in 1 : vector<256x64xf32>, vector<256x64xf32>, vector<256x64xf32>, vector<256x64xf32>, vector<256x64xf32>, vector<256x64xf32>, vector<256x64xf32>, vector<256x64xf32> -> vector<256x512xf32>
    %convert_element_type3A_205 = arith.truncf %concatenate3A : vector<256x512xf32> to vector<256x512xbf16>
    %get3A_206 = arith.constant 0 : index
    %get3A_207 = arith.constant 0 : index
    %get3A_208 = vector.load %arg5[%get3A_206, %get3A_207] : memref<512x512xbf16, #tpu.memory_space<vmem>>, vector<512x512xbf16>
    %dot_general3A_209 = arith.constant dense<0.000000e+00> : vector<256x512xf32>
    %dot_general3A_210 = tpu.matmul %convert_element_type3A_205, %get3A_208, %dot_general3A_209 {dimension_numbers = #tpu.dot_dimension_numbers<[1], [0], [0], [1], [0, 0, 1, 1], [], []>, transpose_lhs_hint = false} : vector<256x512xbf16>, vector<512x512xbf16>, vector<256x512xf32> -> vector<256x512xf32>
    %get3A_211 = arith.constant 0 : index
    %get3A_212 = arith.constant 0 : index
    %get3A_213 = vector.load %arg6[%get3A_211, %get3A_212] : memref<1x512xf32, #tpu.memory_space<vmem>>, vector<1x512xf32>
    %add3A_214 = vector.broadcast %get3A_213 : vector<1x512xf32> to vector<256x512xf32>
    %add3A_215 = arith.addf %dot_general3A_210, %add3A_214 : vector<256x512xf32>
    %add3A_216 = arith.addf %get3A_3, %add3A_215 : vector<256x512xf32>
    %swap3A = arith.constant 0 : index
    %swap3A_217 = arith.constant 0 : index
    %swap3A_218 = arith.constant 0 : index
    %swap3A_219 = vector.load %arg12[%swap3A, %swap3A_217, %swap3A_218] : memref<1x256x512xf32, #tpu.memory_space<vmem>>, vector<1x256x512xf32>
    %swap3A_220 = vector.shape_cast %swap3A_219 : vector<1x256x512xf32> to vector<256x512xf32>
    %swap3A_221 = vector.shape_cast %add3A_216 : vector<256x512xf32> to vector<1x256x512xf32>
    tpu.vector_store %arg12[%swap3A, %swap3A_217, %swap3A_218], %swap3A_221 {strides = array<i32>} : memref<1x256x512xf32, #tpu.memory_space<vmem>>, vector<1x256x512xf32>,
    %reduce_sum3A_222 = arith.constant dense<0.000000e+00> : vector<256xf32>
    %reduce_sum3A_223 = vector.multi_reduction <add>, %add3A_216, %reduce_sum3A_222 [1] : vector<256x512xf32> to vector<256xf32>
    %broadcast_in_dim3A_224 = vector.shape_cast %reduce_sum3A_223 : vector<256xf32> to vector<256x1xf32>
    %div3A_225 = arith.constant 5.120000e+02 : f32
    %div3A_226 = vector.broadcast %div3A_225 : f32 to vector<256x1xf32>
    %div3A_227 = arith.divf %broadcast_in_dim3A_224, %div3A_226 : vector<256x1xf32>
    %sub3A_228 = vector.broadcast %div3A_227 : vector<256x1xf32> to vector<256x512xf32>
    %sub3A_229 = arith.subf %add3A_216, %sub3A_228 : vector<256x512xf32>
    %mul3A_230 = arith.mulf %sub3A_229, %sub3A_229 : vector<256x512xf32>
    %reduce_sum3A_231 = arith.constant dense<0.000000e+00> : vector<256xf32>
    %reduce_sum3A_232 = vector.multi_reduction <add>, %mul3A_230, %reduce_sum3A_231 [1] : vector<256x512xf32> to vector<256xf32>
    %broadcast_in_dim3A_233 = vector.shape_cast %reduce_sum3A_232 : vector<256xf32> to vector<256x1xf32>
    %div3A_234 = arith.constant 5.120000e+02 : f32
    %div3A_235 = vector.broadcast %div3A_234 : f32 to vector<256x1xf32>
    %div3A_236 = arith.divf %broadcast_in_dim3A_233, %div3A_235 : vector<256x1xf32>
    %add3A_237 = arith.constant 9.99999974E-6 : f32
    %add3A_238 = vector.broadcast %add3A_237 : f32 to vector<256x1xf32>
    %add3A_239 = arith.addf %div3A_236, %add3A_238 : vector<256x1xf32>
    %rsqrt3A_240 = math.rsqrt %add3A_239 : vector<256x1xf32>
    %mul3A_241 = vector.broadcast %rsqrt3A_240 : vector<256x1xf32> to vector<256x512xf32>
    %mul3A_242 = arith.mulf %sub3A_229, %mul3A_241 : vector<256x512xf32>
    %get3A_243 = arith.constant 0 : index
    %get3A_244 = arith.constant 0 : index
    %get3A_245 = vector.load %arg9[%get3A_243, %get3A_244] : memref<1x512xf32, #tpu.memory_space<vmem>>, vector<1x512xf32>
    %mul3A_246 = vector.broadcast %get3A_245 : vector<1x512xf32> to vector<256x512xf32>
    %mul3A_247 = arith.mulf %mul3A_242, %mul3A_246 : vector<256x512xf32>
    %get3A_248 = arith.constant 0 : index
    %get3A_249 = arith.constant 0 : index
    %get3A_250 = vector.load %arg10[%get3A_248, %get3A_249] : memref<1x512xf32, #tpu.memory_space<vmem>>, vector<1x512xf32>
    %add3A_251 = vector.broadcast %get3A_250 : vector<1x512xf32> to vector<256x512xf32>
    %add3A_252 = arith.addf %mul3A_247, %add3A_251 : vector<256x512xf32>
    %convert_element_type3A_253 = arith.truncf %add3A_252 : vector<256x512xf32> to vector<256x512xbf16>
    %slice3A_254 = vector.extract_strided_slice %convert_element_type3A_253 {offsets = [0, 0], sizes = [256, 256], strides = [1, 1]} : vector<256x512xbf16> to vector<256x256xbf16>
    %slice3A_255 = vector.extract_strided_slice %convert_element_type3A_253 {offsets = [0, 256], sizes = [256, 256], strides = [1, 1]} : vector<256x512xbf16> to vector<256x256xbf16>
    %bitcast_convert_type3A = tpu.bitcast %slice3A_254 : vector<256x256xbf16> -> vector<256x256xi16>
    %convert_element_type3A_256 = arith.extui %bitcast_convert_type3A : vector<256x256xi16> to vector<256x256xi32>
    %bitcast_convert_type3A_257 = tpu.bitcast %slice3A_255 : vector<256x256xbf16> -> vector<256x256xi16>
    %convert_element_type3A_258 = arith.extui %bitcast_convert_type3A_257 : vector<256x256xi16> to vector<256x256xi32>
    %shift_left3A = arith.constant 16 : i32
    %shift_left3A_259 = vector.broadcast %shift_left3A : i32 to vector<256x256xi32>
    %shift_left3A_260 = arith.shli %convert_element_type3A_258, %shift_left3A_259 : vector<256x256xi32>
    %or3A = arith.ori %convert_element_type3A_256, %shift_left3A_260 : vector<256x256xi32>
    %bitcast_convert_type3A_261 = tpu.bitcast %or3A : vector<256x256xi32> -> vector<256x256xi32>
    %swap3A_262 = arith.constant 0 : index
    %swap3A_263 = arith.constant 0 : index
    %swap3A_264 = arith.constant 0 : index
    %swap3A_265 = vector.load %arg13[%swap3A_262, %swap3A_263, %swap3A_264] : memref<1x256x256xi32, #tpu.memory_space<vmem>>, vector<1x256x256xi32>
    %swap3A_266 = vector.shape_cast %swap3A_265 : vector<1x256x256xi32> to vector<256x256xi32>
    %swap3A_267 = vector.shape_cast %bitcast_convert_type3A_261 : vector<256x256xi32> to vector<1x256x256xi32>
    tpu.vector_store %arg13[%swap3A_262, %swap3A_263, %swap3A_264], %swap3A_267 {strides = array<i32>} : memref<1x256x256xi32, #tpu.memory_space<vmem>>, vector<1x256x256xi32>,
    %get3A_268 = arith.constant 0 : index
    %get3A_269 = arith.constant 0 : index
    %get3A_270 = vector.load %arg11[%get3A_268, %get3A_269] : memref<512x128xf32, #tpu.memory_space<vmem>>, vector<512x128xf32>
    %dot_general3A_271 = arith.constant dense<0.000000e+00> : vector<256x128xf32>
    %dot_general3A_272 = tpu.matmul %add3A_252, %get3A_270, %dot_general3A_271 {dimension_numbers = #tpu.dot_dimension_numbers<[1], [0], [0], [1], [0, 0, 1, 1], [], []>, transpose_lhs_hint = false} : vector<256x512xf32>, vector<512x128xf32>, vector<256x128xf32> -> vector<256x128xf32>
    %iota3A_273 = tpu.iota {dimensions = array<i32: 1>} : vector<256x128xi32>
    %lt3A = arith.constant 8 : i32
    %lt3A_274 = vector.broadcast %lt3A : i32 to vector<256x128xi32>
    %lt3A_275 = arith.cmpi slt, %iota3A_273, %lt3A_274 : vector<256x128xi32>
    %jit3A_276 = arith.constant -1.000000e+30 : f32
    %broadcast_in_dim3A_277 = vector.broadcast %jit3A_276 : f32 to vector<256x128xf32>
    %select_n3A_278 = arith.select %lt3A_275, %dot_general3A_272, %broadcast_in_dim3A_277 : vector<256x128xi1>, vector<256x128xf32>
    %reduce_max3A = arith.constant dense<0xFF800000> : vector<256xf32>
    %reduce_max3A_279 = vector.multi_reduction <maximumf>, %select_n3A_278, %reduce_max3A [1] : vector<256x128xf32> to vector<256xf32>
    %broadcast_in_dim3A_280 = vector.shape_cast %reduce_max3A_279 : vector<256xf32> to vector<256x1xf32>
    %sub3A_281 = vector.broadcast %broadcast_in_dim3A_280 : vector<256x1xf32> to vector<256x128xf32>
    %sub3A_282 = arith.subf %select_n3A_278, %sub3A_281 : vector<256x128xf32>
    %exp3A_283 = math.exp %sub3A_282 : vector<256x128xf32>
    %reduce_sum3A_284 = arith.constant dense<0.000000e+00> : vector<256xf32>
    %reduce_sum3A_285 = vector.multi_reduction <add>, %exp3A_283, %reduce_sum3A_284 [1] : vector<256x128xf32> to vector<256xf32>
    %broadcast_in_dim3A_286 = vector.shape_cast %reduce_sum3A_285 : vector<256xf32> to vector<256x1xf32>
    %div3A_287 = vector.broadcast %broadcast_in_dim3A_286 : vector<256x1xf32> to vector<256x128xf32>
    %div3A_288 = arith.divf %exp3A_283, %div3A_287 : vector<256x128xf32>
    %reduce_max3A_289 = arith.constant dense<0xFF800000> : vector<256xf32>
    %reduce_max3A_290 = vector.multi_reduction <maximumf>, %div3A_288, %reduce_max3A_289 [1] : vector<256x128xf32> to vector<256xf32>
    %broadcast_in_dim3A_291 = vector.shape_cast %reduce_max3A_290 : vector<256xf32> to vector<256x1xf32>
    %eq3A = vector.broadcast %broadcast_in_dim3A_291 : vector<256x1xf32> to vector<256x128xf32>
    %eq3A_292 = arith.cmpf oeq, %div3A_288, %eq3A : vector<256x128xf32>
    %jit3A_293 = arith.constant 128 : i32
    %broadcast_in_dim3A_294 = vector.broadcast %jit3A_293 : i32 to vector<256x128xi32>
    %select_n3A_295 = arith.select %eq3A_292, %iota3A_273, %broadcast_in_dim3A_294 : vector<256x128xi1>, vector<256x128xi32>
    %reduce_min3A = arith.constant dense<2147483647> : vector<256xi32>
    %reduce_min3A_296 = vector.multi_reduction <minsi>, %select_n3A_295, %reduce_min3A [1] : vector<256x128xi32> to vector<256xi32>
    %broadcast_in_dim3A_297 = vector.shape_cast %reduce_min3A_296 : vector<256xi32> to vector<256x1xi32>
    %eq3A_298 = vector.broadcast %broadcast_in_dim3A_297 : vector<256x1xi32> to vector<256x128xi32>
    %eq3A_299 = arith.cmpi eq, %iota3A_273, %eq3A_298 : vector<256x128xi32>
    %jit3A_300 = arith.constant -1.000000e+00 : f32
    %broadcast_in_dim3A_301 = vector.broadcast %jit3A_300 : f32 to vector<256x128xf32>
    %select_n3A_302 = arith.select %eq3A_299, %broadcast_in_dim3A_301, %div3A_288 : vector<256x128xi1>, vector<256x128xf32>
    %reduce_max3A_303 = arith.constant dense<0xFF800000> : vector<256xf32>
    %reduce_max3A_304 = vector.multi_reduction <maximumf>, %select_n3A_302, %reduce_max3A_303 [1] : vector<256x128xf32> to vector<256xf32>
    %broadcast_in_dim3A_305 = vector.shape_cast %reduce_max3A_304 : vector<256xf32> to vector<256x1xf32>
    %eq3A_306 = vector.broadcast %broadcast_in_dim3A_305 : vector<256x1xf32> to vector<256x128xf32>
    %eq3A_307 = arith.cmpf oeq, %select_n3A_302, %eq3A_306 : vector<256x128xf32>
    %jit3A_308 = arith.constant 128 : i32
    %broadcast_in_dim3A_309 = vector.broadcast %jit3A_308 : i32 to vector<256x128xi32>
    %select_n3A_310 = arith.select %eq3A_307, %iota3A_273, %broadcast_in_dim3A_309 : vector<256x128xi1>, vector<256x128xi32>
    %reduce_min3A_311 = arith.constant dense<2147483647> : vector<256xi32>
    %reduce_min3A_312 = vector.multi_reduction <minsi>, %select_n3A_310, %reduce_min3A_311 [1] : vector<256x128xi32> to vector<256xi32>
    %broadcast_in_dim3A_313 = vector.shape_cast %reduce_min3A_312 : vector<256xi32> to vector<256x1xi32>
    %add3A_314 = arith.addf %broadcast_in_dim3A_291, %broadcast_in_dim3A_305 : vector<256x1xf32>
    %eq3A_315 = vector.broadcast %broadcast_in_dim3A_297 : vector<256x1xi32> to vector<256x128xi32>
    %eq3A_316 = arith.cmpi eq, %iota3A_273, %eq3A_315 : vector<256x128xi32>
    %convert_element_type3A_317 = arith.extui %eq3A_316 : vector<256x128xi1> to vector<256x128xi32>
    %convert_element_type3A_318 = arith.sitofp %convert_element_type3A_317 : vector<256x128xi32> to vector<256x128xf32>
    %eq3A_319 = vector.broadcast %broadcast_in_dim3A_313 : vector<256x1xi32> to vector<256x128xi32>
    %eq3A_320 = arith.cmpi eq, %iota3A_273, %eq3A_319 : vector<256x128xi32>
    %convert_element_type3A_321 = arith.extui %eq3A_320 : vector<256x128xi1> to vector<256x128xi32>
    %convert_element_type3A_322 = arith.sitofp %convert_element_type3A_321 : vector<256x128xi32> to vector<256x128xf32>
    %iota3A_323 = tpu.iota {dimensions = array<i32: 0>} : vector<256x256xi32>
    %iota3A_324 = tpu.iota {dimensions = array<i32: 1>} : vector<256x256xi32>
    %lt3A_325 = arith.cmpi slt, %iota3A_324, %iota3A_323 : vector<256x256xi32>
    %convert_element_type3A_326 = arith.extui %lt3A_325 : vector<256x256xi1> to vector<256x256xi32>
    %convert_element_type3A_327 = arith.sitofp %convert_element_type3A_326 : vector<256x256xi32> to vector<256x256xf32>
    %dot_general3A_328 = arith.constant dense<0.000000e+00> : vector<256x128xf32>
    %dot_general3A_329 = tpu.matmul %convert_element_type3A_327, %convert_element_type3A_318, %dot_general3A_328 {dimension_numbers = #tpu.dot_dimension_numbers<[1], [0], [0], [1], [0, 0, 1, 1], [], []>, transpose_lhs_hint = false} : vector<256x256xf32>, vector<256x128xf32>, vector<256x128xf32> -> vector<256x128xf32>
    %reduce_sum3A_330 = arith.constant dense<0.000000e+00> : vector<128xf32>
    %reduce_sum3A_331 = vector.multi_reduction <add>, %convert_element_type3A_318, %reduce_sum3A_330 [0] : vector<256x128xf32> to vector<128xf32>
    %broadcast_in_dim3A_332 = vector.shape_cast %reduce_sum3A_331 : vector<128xf32> to vector<1x128xf32>
    %dot_general3A_333 = arith.constant dense<0.000000e+00> : vector<256x128xf32>
    %dot_general3A_334 = tpu.matmul %convert_element_type3A_327, %convert_element_type3A_322, %dot_general3A_333 {dimension_numbers = #tpu.dot_dimension_numbers<[1], [0], [0], [1], [0, 0, 1, 1], [], []>, transpose_lhs_hint = false} : vector<256x256xf32>, vector<256x128xf32>, vector<256x128xf32> -> vector<256x128xf32>
    %add3A_335 = vector.broadcast %broadcast_in_dim3A_332 : vector<1x128xf32> to vector<256x128xf32>
    %add3A_336 = arith.addf %dot_general3A_334, %add3A_335 : vector<256x128xf32>
    %mul3A_337 = arith.mulf %convert_element_type3A_318, %dot_general3A_329 : vector<256x128xf32>
    %reduce_sum3A_338 = arith.constant dense<0.000000e+00> : vector<256xf32>
    %reduce_sum3A_339 = vector.multi_reduction <add>, %mul3A_337, %reduce_sum3A_338 [1] : vector<256x128xf32> to vector<256xf32>
    %broadcast_in_dim3A_340 = vector.shape_cast %reduce_sum3A_339 : vector<256xf32> to vector<256x1xf32>
    %mul3A_341 = arith.mulf %convert_element_type3A_322, %add3A_336 : vector<256x128xf32>
    %reduce_sum3A_342 = arith.constant dense<0.000000e+00> : vector<256xf32>
    %reduce_sum3A_343 = vector.multi_reduction <add>, %mul3A_341, %reduce_sum3A_342 [1] : vector<256x128xf32> to vector<256xf32>
    %broadcast_in_dim3A_344 = vector.shape_cast %reduce_sum3A_343 : vector<256xf32> to vector<256x1xf32>
    %eq3A_345 = arith.cmpi eq, %iota3A, %iota3A_48 : vector<256x256xi32>
    %convert_element_type3A_346 = arith.extui %eq3A_345 : vector<256x256xi1> to vector<256x256xi32>
    %convert_element_type3A_347 = arith.sitofp %convert_element_type3A_346 : vector<256x256xi32> to vector<256x256xf32>
    %convert_element_type3A_348 = arith.sitofp %broadcast_in_dim3A_297 : vector<256x1xi32> to vector<256x1xf32>
    %dot_general3A_349 = arith.constant dense<0.000000e+00> : vector<1x256xf32>
    %dot_general3A_350 = tpu.matmul %convert_element_type3A_348, %convert_element_type3A_347, %dot_general3A_349 {dimension_numbers = #tpu.dot_dimension_numbers<[0], [0], [1], [1], [0, 1, 1, 1], [], []>, transpose_lhs_hint = false} : vector<256x1xf32>, vector<256x256xf32>, vector<1x256xf32> -> vector<1x256xf32>
    %convert_element_type3A_351 = arith.sitofp %broadcast_in_dim3A_313 : vector<256x1xi32> to vector<256x1xf32>
    %dot_general3A_352 = arith.constant dense<0.000000e+00> : vector<1x256xf32>
    %dot_general3A_353 = tpu.matmul %convert_element_type3A_351, %convert_element_type3A_347, %dot_general3A_352 {dimension_numbers = #tpu.dot_dimension_numbers<[0], [0], [1], [1], [0, 1, 1, 1], [], []>, transpose_lhs_hint = false} : vector<256x1xf32>, vector<256x256xf32>, vector<1x256xf32> -> vector<1x256xf32>
    %div3A_354 = arith.divf %broadcast_in_dim3A_291, %add3A_314 : vector<256x1xf32>
    %dot_general3A_355 = arith.constant dense<0.000000e+00> : vector<1x256xf32>
    %dot_general3A_356 = tpu.matmul %div3A_354, %convert_element_type3A_347, %dot_general3A_355 {dimension_numbers = #tpu.dot_dimension_numbers<[0], [0], [1], [1], [0, 1, 1, 1], [], []>, transpose_lhs_hint = false} : vector<256x1xf32>, vector<256x256xf32>, vector<1x256xf32> -> vector<1x256xf32>
    %div3A_357 = arith.divf %broadcast_in_dim3A_305, %add3A_314 : vector<256x1xf32>
    %dot_general3A_358 = arith.constant dense<0.000000e+00> : vector<1x256xf32>
    %dot_general3A_359 = tpu.matmul %div3A_357, %convert_element_type3A_347, %dot_general3A_358 {dimension_numbers = #tpu.dot_dimension_numbers<[0], [0], [1], [1], [0, 1, 1, 1], [], []>, transpose_lhs_hint = false} : vector<256x1xf32>, vector<256x256xf32>, vector<1x256xf32> -> vector<1x256xf32>
    %dot_general3A_360 = arith.constant dense<0.000000e+00> : vector<1x256xf32>
    %dot_general3A_361 = tpu.matmul %broadcast_in_dim3A_340, %convert_element_type3A_347, %dot_general3A_360 {dimension_numbers = #tpu.dot_dimension_numbers<[0], [0], [1], [1], [0, 1, 1, 1], [], []>, transpose_lhs_hint = false} : vector<256x1xf32>, vector<256x256xf32>, vector<1x256xf32> -> vector<1x256xf32>
    %dot_general3A_362 = arith.constant dense<0.000000e+00> : vector<1x256xf32>
    %dot_general3A_363 = tpu.matmul %broadcast_in_dim3A_344, %convert_element_type3A_347, %dot_general3A_362 {dimension_numbers = #tpu.dot_dimension_numbers<[0], [0], [1], [1], [0, 1, 1, 1], [], []>, transpose_lhs_hint = false} : vector<256x1xf32>, vector<256x256xf32>, vector<1x256xf32> -> vector<1x256xf32>
    %broadcast_in_dim3A_364 = arith.constant 0.000000e+00 : f32
    %broadcast_in_dim3A_365 = vector.broadcast %broadcast_in_dim3A_364 : f32 to vector<2x256xf32>
    %concatenate3A_366 = tpu.concatenate %dot_general3A_350, %dot_general3A_353, %dot_general3A_356, %dot_general3A_359, %dot_general3A_361, %dot_general3A_363, %broadcast_in_dim3A_365 in 0 : vector<1x256xf32>, vector<1x256xf32>, vector<1x256xf32>, vector<1x256xf32>, vector<1x256xf32>, vector<1x256xf32>, vector<2x256xf32> -> vector<8x256xf32>
    %swap3A_367 = arith.constant 0 : index
    %swap3A_368 = arith.constant 0 : index
    %swap3A_369 = arith.constant 0 : index
    %swap3A_370 = vector.load %arg14[%swap3A_367, %swap3A_368, %swap3A_369] : memref<1x8x256xf32, #tpu.memory_space<vmem>>, vector<1x8x256xf32>
    %swap3A_371 = vector.shape_cast %swap3A_370 : vector<1x8x256xf32> to vector<8x256xf32>
    %swap3A_372 = vector.shape_cast %concatenate3A_366 : vector<8x256xf32> to vector<1x8x256xf32>
    tpu.vector_store %arg14[%swap3A_367, %swap3A_368, %swap3A_369], %swap3A_372 {strides = array<i32>} : memref<1x8x256xf32, #tpu.memory_space<vmem>>, vector<1x8x256xf32>,
    %reduce_sum3A_373 = arith.constant dense<0.000000e+00> : vector<128xf32>
    %reduce_sum3A_374 = vector.multi_reduction <add>, %convert_element_type3A_322, %reduce_sum3A_373 [0] : vector<256x128xf32> to vector<128xf32>
    %broadcast_in_dim3A_375 = vector.shape_cast %reduce_sum3A_374 : vector<128xf32> to vector<1x128xf32>
    %add3A_376 = arith.addf %broadcast_in_dim3A_332, %broadcast_in_dim3A_375 : vector<1x128xf32>
    %swap3A_377 = arith.constant 0 : index
    %swap3A_378 = arith.constant 0 : index
    %swap3A_379 = arith.constant 0 : index
    %swap3A_380 = vector.load %arg15[%swap3A_377, %swap3A_378, %swap3A_379] : memref<1x1x128xf32, #tpu.memory_space<vmem>>, vector<1x1x128xf32>
    %swap3A_381 = vector.shape_cast %swap3A_380 : vector<1x1x128xf32> to vector<1x128xf32>
    %swap3A_382 = vector.shape_cast %add3A_376 : vector<1x128xf32> to vector<1x1x128xf32>
    tpu.vector_store %arg15[%swap3A_377, %swap3A_378, %swap3A_379], %swap3A_382 {strides = array<i32>} : memref<1x1x128xf32, #tpu.memory_space<vmem>>, vector<1x1x128xf32>,
    return
  }
  func.func @transform_0(%arg0: i32) -> (i32, i32, i32) {
    %c0_i32 = arith.constant 0 : i32
    %c0_i32_0 = arith.constant 0 : i32
    %c0_i32_1 = arith.constant 0 : i32
    return %arg0, %c0_i32, %c0_i32_0 : i32, i32, i32
  }
  func.func @transform_1(%arg0: i32) -> (i32, i32) {
    %c0_i32 = arith.constant 0 : i32
    %c0_i32_0 = arith.constant 0 : i32
    %c0_i32_1 = arith.constant 0 : i32
    return %c0_i32, %c0_i32_0 : i32, i32
  }
  func.func @transform_2(%arg0: i32) -> (i32, i32) {
    %c0_i32 = arith.constant 0 : i32
    %c0_i32_0 = arith.constant 0 : i32
    %c0_i32_1 = arith.constant 0 : i32
    return %c0_i32, %c0_i32_0 : i32, i32
  }
  func.func @transform_3(%arg0: i32) -> (i32, i32) {
    %c0_i32 = arith.constant 0 : i32
    %c0_i32_0 = arith.constant 0 : i32
    %c0_i32_1 = arith.constant 0 : i32
    return %c0_i32, %c0_i32_0 : i32, i32
  }
  func.func @transform_4(%arg0: i32) -> (i32, i32) {
    %c0_i32 = arith.constant 0 : i32
    %c0_i32_0 = arith.constant 0 : i32
    %c0_i32_1 = arith.constant 0 : i32
    return %c0_i32, %c0_i32_0 : i32, i32
  }
  func.func @transform_5(%arg0: i32) -> (i32, i32) {
    %c0_i32 = arith.constant 0 : i32
    %c0_i32_0 = arith.constant 0 : i32
    %c0_i32_1 = arith.constant 0 : i32
    return %c0_i32, %c0_i32_0 : i32, i32
  }
  func.func @transform_6(%arg0: i32) -> (i32, i32) {
    %c0_i32 = arith.constant 0 : i32
    %c0_i32_0 = arith.constant 0 : i32
    %c0_i32_1 = arith.constant 0 : i32
    return %c0_i32, %c0_i32_0 : i32, i32
  }
  func.func @transform_7(%arg0: i32) -> (i32, i32) {
    %c0_i32 = arith.constant 0 : i32
    %c0_i32_0 = arith.constant 0 : i32
    %c0_i32_1 = arith.constant 0 : i32
    return %c0_i32, %c0_i32_0 : i32, i32
  }
  func.func @transform_8(%arg0: i32) -> (i32, i32) {
    %c0_i32 = arith.constant 0 : i32
    %c0_i32_0 = arith.constant 0 : i32
    %c0_i32_1 = arith.constant 0 : i32
    return %c0_i32, %c0_i32_0 : i32, i32
  }
  func.func @transform_9(%arg0: i32) -> (i32, i32) {
    %c0_i32 = arith.constant 0 : i32
    %c0_i32_0 = arith.constant 0 : i32
    %c0_i32_1 = arith.constant 0 : i32
    return %c0_i32, %c0_i32_0 : i32, i32
  }
  func.func @transform_10(%arg0: i32) -> (i32, i32) {
    %c0_i32 = arith.constant 0 : i32
    %c0_i32_0 = arith.constant 0 : i32
    %c0_i32_1 = arith.constant 0 : i32
    return %c0_i32, %c0_i32_0 : i32, i32
  }
  func.func @transform_11(%arg0: i32) -> (i32, i32, i32) {
    %c0_i32 = arith.constant 0 : i32
    %c0_i32_0 = arith.constant 0 : i32
    %c0_i32_1 = arith.constant 0 : i32
    return %arg0, %c0_i32, %c0_i32_0 : i32, i32, i32
  }
  func.func @transform_12(%arg0: i32) -> (i32, i32, i32) {
    %c0_i32 = arith.constant 0 : i32
    %c0_i32_0 = arith.constant 0 : i32
    %c0_i32_1 = arith.constant 0 : i32
    return %arg0, %c0_i32, %c0_i32_0 : i32, i32, i32
  }
  func.func @transform_13(%arg0: i32) -> (i32, i32, i32) {
    %c0_i32 = arith.constant 0 : i32
    %c0_i32_0 = arith.constant 0 : i32
    %c0_i32_1 = arith.constant 0 : i32
    return %arg0, %c0_i32, %c0_i32_0 : i32, i32, i32
  }
  func.func @transform_14(%arg0: i32) -> (i32, i32, i32) {
    %c0_i32 = arith.constant 0 : i32
    %c0_i32_0 = arith.constant 0 : i32
    %c0_i32_1 = arith.constant 0 : i32
    return %arg0, %c0_i32, %c0_i32_0 : i32, i32, i32
  }
}

module attributes {stable_mosaic.version = 14 : i64} {
  func.func @_expert_kernel(%arg0: i32, %arg1: memref<128xi32, #tpu.memory_space<smem>>, %arg2: memref<256x256xi32, #tpu.memory_space<vmem>>, %arg3: memref<1x512x2048xf32, #tpu.memory_space<vmem>>, %arg4: memref<1x1x2048xf32, #tpu.memory_space<vmem>>, %arg5: memref<1x2048x512xf32, #tpu.memory_space<vmem>>, %arg6: memref<1x1x512xf32, #tpu.memory_space<vmem>>, %arg7: memref<256x256xi32, #tpu.memory_space<vmem>>, %arg8: memref<512x2048xbf16, #tpu.memory_space<vmem>>, %arg9: memref<2048x512xbf16, #tpu.memory_space<vmem>>) attributes {dimension_semantics = [#tpu.dimension_semantics<arbitrary>], iteration_bounds = array<i64: 72>, scalar_prefetch = 1 : i64, scratch_operands = 2 : i64, tpu.core_type = #tpu.core_type<tc>, window_params = [{transform_indices = @transform_0, window_bounds = array<i64: 256, 256>}, {transform_indices = @transform_1, window_bounds = array<i64: 1, 512, 2048>}, {transform_indices = @transform_2, window_bounds = array<i64: 1, 1, 2048>}, {transform_indices = @transform_3, window_bounds = array<i64: 1, 2048, 512>}, {transform_indices = @transform_4, window_bounds = array<i64: 1, 1, 512>}, {transform_indices = @transform_5, window_bounds = array<i64: 256, 256>}]} {
    %sub3A = arith.constant 1 : i32
    %sub3A_0 = arith.subi %arg0, %sub3A : i32
    %max3A = arith.constant 0 : i32
    %max3A_1 = arith.maxsi %sub3A_0, %max3A : i32
    %eq3A = arith.constant 0 : i32
    %eq3A_2 = arith.cmpi eq, %arg0, %eq3A : i32
    %get3A = arith.index_cast %arg0 : i32 to index
    %get3A_3 = memref.load %arg1[%get3A] : memref<128xi32, #tpu.memory_space<smem>>
    %get3A_4 = arith.index_cast %max3A_1 : i32 to index
    %get3A_5 = memref.load %arg1[%get3A_4] : memref<128xi32, #tpu.memory_space<smem>>
    %ne3A = arith.cmpi ne, %get3A_3, %get3A_5 : i32
    %or3A = arith.ori %eq3A_2, %ne3A : i1
    %convert_element_type3A = arith.extui %or3A : i1 to i32
    %cond3A = arith.constant 0 : i32
    %cond3A_6 = arith.cmpi ne, %convert_element_type3A, %cond3A : i32
    scf.if %cond3A_6 {
      %get3A_56 = arith.constant 0 : index
      %get3A_57 = arith.constant 0 : index
      %get3A_58 = arith.constant 0 : index
      %get3A_59 = vector.load %arg3[%get3A_56, %get3A_57, %get3A_58] : memref<1x512x2048xf32, #tpu.memory_space<vmem>>, vector<1x512x2048xf32>
      %get3A_60 = vector.shape_cast %get3A_59 : vector<1x512x2048xf32> to vector<512x2048xf32>
      %convert_element_type3A_61 = arith.truncf %get3A_60 : vector<512x2048xf32> to vector<512x2048xbf16>
      %swap3A_62 = arith.constant 0 : index
      %swap3A_63 = arith.constant 0 : index
      %swap3A_64 = vector.load %arg8[%swap3A_62, %swap3A_63] : memref<512x2048xbf16, #tpu.memory_space<vmem>>, vector<512x2048xbf16>
      tpu.vector_store %arg8[%swap3A_62, %swap3A_63], %convert_element_type3A_61 {strides = array<i32>} : memref<512x2048xbf16, #tpu.memory_space<vmem>>, vector<512x2048xbf16>,
      %get3A_65 = arith.constant 0 : index
      %get3A_66 = arith.constant 0 : index
      %get3A_67 = arith.constant 0 : index
      %get3A_68 = vector.load %arg5[%get3A_65, %get3A_66, %get3A_67] : memref<1x2048x512xf32, #tpu.memory_space<vmem>>, vector<1x2048x512xf32>
      %get3A_69 = vector.shape_cast %get3A_68 : vector<1x2048x512xf32> to vector<2048x512xf32>
      %convert_element_type3A_70 = arith.truncf %get3A_69 : vector<2048x512xf32> to vector<2048x512xbf16>
      %swap3A_71 = arith.constant 0 : index
      %swap3A_72 = arith.constant 0 : index
      %swap3A_73 = vector.load %arg9[%swap3A_71, %swap3A_72] : memref<2048x512xbf16, #tpu.memory_space<vmem>>, vector<2048x512xbf16>
      tpu.vector_store %arg9[%swap3A_71, %swap3A_72], %convert_element_type3A_70 {strides = array<i32>} : memref<2048x512xbf16, #tpu.memory_space<vmem>>, vector<2048x512xbf16>,
    } else {
    }
    %get3A_7 = arith.constant 0 : index
    %get3A_8 = arith.constant 0 : index
    %get3A_9 = vector.load %arg2[%get3A_7, %get3A_8] : memref<256x256xi32, #tpu.memory_space<vmem>>, vector<256x256xi32>
    %bitcast_convert_type3A = tpu.bitcast %get3A_9 : vector<256x256xi32> -> vector<256x256xi32>
    %and3A = arith.constant 65535 : i32
    %and3A_10 = vector.broadcast %and3A : i32 to vector<256x256xi32>
    %and3A_11 = arith.andi %bitcast_convert_type3A, %and3A_10 : vector<256x256xi32>
    %convert_element_type3A_12 = arith.trunci %and3A_11 : vector<256x256xi32> to vector<256x256xi16>
    %bitcast_convert_type3A_13 = tpu.bitcast %convert_element_type3A_12 : vector<256x256xi16> -> vector<256x256xbf16>
    %shift_right_logical3A = arith.constant 16 : i32
    %shift_right_logical3A_14 = vector.broadcast %shift_right_logical3A : i32 to vector<256x256xi32>
    %shift_right_logical3A_15 = arith.shrui %bitcast_convert_type3A, %shift_right_logical3A_14 : vector<256x256xi32>
    %convert_element_type3A_16 = arith.trunci %shift_right_logical3A_15 : vector<256x256xi32> to vector<256x256xi16>
    %bitcast_convert_type3A_17 = tpu.bitcast %convert_element_type3A_16 : vector<256x256xi16> -> vector<256x256xbf16>
    %concatenate3A = tpu.concatenate %bitcast_convert_type3A_13, %bitcast_convert_type3A_17 in 1 : vector<256x256xbf16>, vector<256x256xbf16> -> vector<256x512xbf16>
    %get3A_18 = arith.constant 0 : index
    %get3A_19 = arith.constant 0 : index
    %get3A_20 = vector.load %arg8[%get3A_18, %get3A_19] : memref<512x2048xbf16, #tpu.memory_space<vmem>>, vector<512x2048xbf16>
    %dot_general3A = arith.constant dense<0.000000e+00> : vector<256x2048xf32>
    %dot_general3A_21 = tpu.matmul %concatenate3A, %get3A_20, %dot_general3A {dimension_numbers = #tpu.dot_dimension_numbers<[1], [0], [0], [1], [0, 0, 1, 1], [], []>, transpose_lhs_hint = false} : vector<256x512xbf16>, vector<512x2048xbf16>, vector<256x2048xf32> -> vector<256x2048xf32>
    %get3A_22 = arith.constant 0 : index
    %get3A_23 = arith.constant 0 : index
    %get3A_24 = arith.constant 0 : index
    %get3A_25 = vector.load %arg4[%get3A_22, %get3A_23, %get3A_24] : memref<1x1x2048xf32, #tpu.memory_space<vmem>>, vector<1x1x2048xf32>
    %get3A_26 = vector.shape_cast %get3A_25 : vector<1x1x2048xf32> to vector<1x2048xf32>
    %add3A = vector.broadcast %get3A_26 : vector<1x2048xf32> to vector<256x2048xf32>
    %add3A_27 = arith.addf %dot_general3A_21, %add3A : vector<256x2048xf32>
    %max3A_28 = arith.constant 0.000000e+00 : f32
    %max3A_29 = vector.broadcast %max3A_28 : f32 to vector<256x2048xf32>
    %max3A_30 = arith.maximumf %add3A_27, %max3A_29 : vector<256x2048xf32>
    %convert_element_type3A_31 = arith.truncf %max3A_30 : vector<256x2048xf32> to vector<256x2048xbf16>
    %get3A_32 = arith.constant 0 : index
    %get3A_33 = arith.constant 0 : index
    %get3A_34 = vector.load %arg9[%get3A_32, %get3A_33] : memref<2048x512xbf16, #tpu.memory_space<vmem>>, vector<2048x512xbf16>
    %dot_general3A_35 = arith.constant dense<0.000000e+00> : vector<256x512xf32>
    %dot_general3A_36 = tpu.matmul %convert_element_type3A_31, %get3A_34, %dot_general3A_35 {dimension_numbers = #tpu.dot_dimension_numbers<[1], [0], [0], [1], [0, 0, 1, 1], [], []>, transpose_lhs_hint = false} : vector<256x2048xbf16>, vector<2048x512xbf16>, vector<256x512xf32> -> vector<256x512xf32>
    %get3A_37 = arith.constant 0 : index
    %get3A_38 = arith.constant 0 : index
    %get3A_39 = arith.constant 0 : index
    %get3A_40 = vector.load %arg6[%get3A_37, %get3A_38, %get3A_39] : memref<1x1x512xf32, #tpu.memory_space<vmem>>, vector<1x1x512xf32>
    %get3A_41 = vector.shape_cast %get3A_40 : vector<1x1x512xf32> to vector<1x512xf32>
    %add3A_42 = vector.broadcast %get3A_41 : vector<1x512xf32> to vector<256x512xf32>
    %add3A_43 = arith.addf %dot_general3A_36, %add3A_42 : vector<256x512xf32>
    %convert_element_type3A_44 = arith.truncf %add3A_43 : vector<256x512xf32> to vector<256x512xbf16>
    %slice3A = vector.extract_strided_slice %convert_element_type3A_44 {offsets = [0, 0], sizes = [256, 256], strides = [1, 1]} : vector<256x512xbf16> to vector<256x256xbf16>
    %slice3A_45 = vector.extract_strided_slice %convert_element_type3A_44 {offsets = [0, 256], sizes = [256, 256], strides = [1, 1]} : vector<256x512xbf16> to vector<256x256xbf16>
    %bitcast_convert_type3A_46 = tpu.bitcast %slice3A : vector<256x256xbf16> -> vector<256x256xi16>
    %convert_element_type3A_47 = arith.extui %bitcast_convert_type3A_46 : vector<256x256xi16> to vector<256x256xi32>
    %bitcast_convert_type3A_48 = tpu.bitcast %slice3A_45 : vector<256x256xbf16> -> vector<256x256xi16>
    %convert_element_type3A_49 = arith.extui %bitcast_convert_type3A_48 : vector<256x256xi16> to vector<256x256xi32>
    %shift_left3A = arith.constant 16 : i32
    %shift_left3A_50 = vector.broadcast %shift_left3A : i32 to vector<256x256xi32>
    %shift_left3A_51 = arith.shli %convert_element_type3A_49, %shift_left3A_50 : vector<256x256xi32>
    %or3A_52 = arith.ori %convert_element_type3A_47, %shift_left3A_51 : vector<256x256xi32>
    %bitcast_convert_type3A_53 = tpu.bitcast %or3A_52 : vector<256x256xi32> -> vector<256x256xi32>
    %swap3A = arith.constant 0 : index
    %swap3A_54 = arith.constant 0 : index
    %swap3A_55 = vector.load %arg7[%swap3A, %swap3A_54] : memref<256x256xi32, #tpu.memory_space<vmem>>, vector<256x256xi32>
    tpu.vector_store %arg7[%swap3A, %swap3A_54], %bitcast_convert_type3A_53 {strides = array<i32>} : memref<256x256xi32, #tpu.memory_space<vmem>>, vector<256x256xi32>,
    return
  }
  func.func @transform_0(%arg0: i32, %arg1: memref<128xi32, #tpu.memory_space<smem>>) -> (i32, i32) {
    %c0_i32 = arith.constant 0 : i32
    %c0_i32_0 = arith.constant 0 : i32
    return %arg0, %c0_i32 : i32, i32
  }
  func.func @transform_1(%arg0: i32, %arg1: memref<128xi32, #tpu.memory_space<smem>>) -> (i32, i32, i32) {
    %get3A = arith.index_cast %arg0 : i32 to index
    %get3A_0 = memref.load %arg1[%get3A] : memref<128xi32, #tpu.memory_space<smem>>
    %c0_i32 = arith.constant 0 : i32
    %c0_i32_1 = arith.constant 0 : i32
    %c0_i32_2 = arith.constant 0 : i32
    return %get3A_0, %c0_i32, %c0_i32_1 : i32, i32, i32
  }
  func.func @transform_2(%arg0: i32, %arg1: memref<128xi32, #tpu.memory_space<smem>>) -> (i32, i32, i32) {
    %get3A = arith.index_cast %arg0 : i32 to index
    %get3A_0 = memref.load %arg1[%get3A] : memref<128xi32, #tpu.memory_space<smem>>
    %c0_i32 = arith.constant 0 : i32
    %c0_i32_1 = arith.constant 0 : i32
    %c0_i32_2 = arith.constant 0 : i32
    return %get3A_0, %c0_i32, %c0_i32_1 : i32, i32, i32
  }
  func.func @transform_3(%arg0: i32, %arg1: memref<128xi32, #tpu.memory_space<smem>>) -> (i32, i32, i32) {
    %get3A = arith.index_cast %arg0 : i32 to index
    %get3A_0 = memref.load %arg1[%get3A] : memref<128xi32, #tpu.memory_space<smem>>
    %c0_i32 = arith.constant 0 : i32
    %c0_i32_1 = arith.constant 0 : i32
    %c0_i32_2 = arith.constant 0 : i32
    return %get3A_0, %c0_i32, %c0_i32_1 : i32, i32, i32
  }
  func.func @transform_4(%arg0: i32, %arg1: memref<128xi32, #tpu.memory_space<smem>>) -> (i32, i32, i32) {
    %get3A = arith.index_cast %arg0 : i32 to index
    %get3A_0 = memref.load %arg1[%get3A] : memref<128xi32, #tpu.memory_space<smem>>
    %c0_i32 = arith.constant 0 : i32
    %c0_i32_1 = arith.constant 0 : i32
    %c0_i32_2 = arith.constant 0 : i32
    return %get3A_0, %c0_i32, %c0_i32_1 : i32, i32, i32
  }
  func.func @transform_5(%arg0: i32, %arg1: memref<128xi32, #tpu.memory_space<smem>>) -> (i32, i32) {
    %c0_i32 = arith.constant 0 : i32
    %c0_i32_0 = arith.constant 0 : i32
    return %arg0, %c0_i32 : i32, i32
  }
}

module attributes {stable_mosaic.version = 14 : i64} {
  func.func @_combine_kernel(%arg0: i32, %arg1: memref<256x512xf32, #tpu.memory_space<vmem>>, %arg2: memref<256x256xi32, #tpu.memory_space<vmem>>, %arg3: memref<256x256xi32, #tpu.memory_space<vmem>>, %arg4: memref<1x8x256xf32, #tpu.memory_space<vmem>>, %arg5: memref<256x512xf32, #tpu.memory_space<vmem>>) attributes {dimension_semantics = [#tpu.dimension_semantics<arbitrary>], iteration_bounds = array<i64: 32>, scalar_prefetch = 0 : i64, scratch_operands = 0 : i64, tpu.core_type = #tpu.core_type<tc>, window_params = [{transform_indices = @transform_0, window_bounds = array<i64: 256, 512>}, {transform_indices = @transform_1, window_bounds = array<i64: 256, 256>}, {transform_indices = @transform_2, window_bounds = array<i64: 256, 256>}, {transform_indices = @transform_3, window_bounds = array<i64: 1, 8, 256>}, {transform_indices = @transform_4, window_bounds = array<i64: 256, 512>}]} {
    %get3A = arith.constant 0 : index
    %get3A_0 = arith.constant 0 : index
    %get3A_1 = vector.load %arg2[%get3A, %get3A_0] : memref<256x256xi32, #tpu.memory_space<vmem>>, vector<256x256xi32>
    %bitcast_convert_type3A = tpu.bitcast %get3A_1 : vector<256x256xi32> -> vector<256x256xi32>
    %and3A = arith.constant 65535 : i32
    %and3A_2 = vector.broadcast %and3A : i32 to vector<256x256xi32>
    %and3A_3 = arith.andi %bitcast_convert_type3A, %and3A_2 : vector<256x256xi32>
    %convert_element_type3A = arith.trunci %and3A_3 : vector<256x256xi32> to vector<256x256xi16>
    %bitcast_convert_type3A_4 = tpu.bitcast %convert_element_type3A : vector<256x256xi16> -> vector<256x256xbf16>
    %shift_right_logical3A = arith.constant 16 : i32
    %shift_right_logical3A_5 = vector.broadcast %shift_right_logical3A : i32 to vector<256x256xi32>
    %shift_right_logical3A_6 = arith.shrui %bitcast_convert_type3A, %shift_right_logical3A_5 : vector<256x256xi32>
    %convert_element_type3A_7 = arith.trunci %shift_right_logical3A_6 : vector<256x256xi32> to vector<256x256xi16>
    %bitcast_convert_type3A_8 = tpu.bitcast %convert_element_type3A_7 : vector<256x256xi16> -> vector<256x256xbf16>
    %concatenate3A = tpu.concatenate %bitcast_convert_type3A_4, %bitcast_convert_type3A_8 in 1 : vector<256x256xbf16>, vector<256x256xbf16> -> vector<256x512xbf16>
    %convert_element_type3A_9 = arith.extf %concatenate3A : vector<256x512xbf16> to vector<256x512xf32>
    %get3A_10 = arith.constant 0 : index
    %get3A_11 = arith.constant 0 : index
    %get3A_12 = vector.load %arg3[%get3A_10, %get3A_11] : memref<256x256xi32, #tpu.memory_space<vmem>>, vector<256x256xi32>
    %bitcast_convert_type3A_13 = tpu.bitcast %get3A_12 : vector<256x256xi32> -> vector<256x256xi32>
    %and3A_14 = arith.constant 65535 : i32
    %and3A_15 = vector.broadcast %and3A_14 : i32 to vector<256x256xi32>
    %and3A_16 = arith.andi %bitcast_convert_type3A_13, %and3A_15 : vector<256x256xi32>
    %convert_element_type3A_17 = arith.trunci %and3A_16 : vector<256x256xi32> to vector<256x256xi16>
    %bitcast_convert_type3A_18 = tpu.bitcast %convert_element_type3A_17 : vector<256x256xi16> -> vector<256x256xbf16>
    %shift_right_logical3A_19 = arith.constant 16 : i32
    %shift_right_logical3A_20 = vector.broadcast %shift_right_logical3A_19 : i32 to vector<256x256xi32>
    %shift_right_logical3A_21 = arith.shrui %bitcast_convert_type3A_13, %shift_right_logical3A_20 : vector<256x256xi32>
    %convert_element_type3A_22 = arith.trunci %shift_right_logical3A_21 : vector<256x256xi32> to vector<256x256xi16>
    %bitcast_convert_type3A_23 = tpu.bitcast %convert_element_type3A_22 : vector<256x256xi16> -> vector<256x256xbf16>
    %concatenate3A_24 = tpu.concatenate %bitcast_convert_type3A_18, %bitcast_convert_type3A_23 in 1 : vector<256x256xbf16>, vector<256x256xbf16> -> vector<256x512xbf16>
    %convert_element_type3A_25 = arith.extf %concatenate3A_24 : vector<256x512xbf16> to vector<256x512xf32>
    %get3A_26 = arith.constant 0 : index
    %get3A_27 = arith.constant 0 : index
    %get3A_28 = arith.constant 0 : index
    %get3A_29 = vector.load %arg4[%get3A_26, %get3A_27, %get3A_28] : memref<1x8x256xf32, #tpu.memory_space<vmem>>, vector<1x8x256xf32>
    %get3A_30 = vector.shape_cast %get3A_29 : vector<1x8x256xf32> to vector<8x256xf32>
    %iota3A = tpu.iota {dimensions = array<i32: 0>} : vector<256x256xi32>
    %iota3A_31 = tpu.iota {dimensions = array<i32: 1>} : vector<256x256xi32>
    %eq3A = arith.cmpi eq, %iota3A, %iota3A_31 : vector<256x256xi32>
    %convert_element_type3A_32 = arith.extui %eq3A : vector<256x256xi1> to vector<256x256xi32>
    %convert_element_type3A_33 = arith.sitofp %convert_element_type3A_32 : vector<256x256xi32> to vector<256x256xf32>
    %slice3A = vector.extract_strided_slice %get3A_30 {offsets = [2, 0], sizes = [1, 256], strides = [1, 1]} : vector<8x256xf32> to vector<1x256xf32>
    %dot_general3A = arith.constant dense<0.000000e+00> : vector<256x1xf32>
    %dot_general3A_34 = tpu.matmul %convert_element_type3A_33, %slice3A, %dot_general3A {dimension_numbers = #tpu.dot_dimension_numbers<[1], [1], [0], [0], [0, 0, 1, 0], [], []>, transpose_lhs_hint = false} : vector<256x256xf32>, vector<1x256xf32>, vector<256x1xf32> -> vector<256x1xf32>
    %slice3A_35 = vector.extract_strided_slice %get3A_30 {offsets = [3, 0], sizes = [1, 256], strides = [1, 1]} : vector<8x256xf32> to vector<1x256xf32>
    %dot_general3A_36 = arith.constant dense<0.000000e+00> : vector<256x1xf32>
    %dot_general3A_37 = tpu.matmul %convert_element_type3A_33, %slice3A_35, %dot_general3A_36 {dimension_numbers = #tpu.dot_dimension_numbers<[1], [1], [0], [0], [0, 0, 1, 0], [], []>, transpose_lhs_hint = false} : vector<256x256xf32>, vector<1x256xf32>, vector<256x1xf32> -> vector<256x1xf32>
    %get3A_38 = arith.constant 0 : index
    %get3A_39 = arith.constant 0 : index
    %get3A_40 = vector.load %arg1[%get3A_38, %get3A_39] : memref<256x512xf32, #tpu.memory_space<vmem>>, vector<256x512xf32>
    %mul3A = vector.broadcast %dot_general3A_34 : vector<256x1xf32> to vector<256x512xf32>
    %mul3A_41 = arith.mulf %mul3A, %convert_element_type3A_9 : vector<256x512xf32>
    %add3A = arith.addf %get3A_40, %mul3A_41 : vector<256x512xf32>
    %mul3A_42 = vector.broadcast %dot_general3A_37 : vector<256x1xf32> to vector<256x512xf32>
    %mul3A_43 = arith.mulf %mul3A_42, %convert_element_type3A_25 : vector<256x512xf32>
    %add3A_44 = arith.addf %add3A, %mul3A_43 : vector<256x512xf32>
    %swap3A = arith.constant 0 : index
    %swap3A_45 = arith.constant 0 : index
    %swap3A_46 = vector.load %arg5[%swap3A, %swap3A_45] : memref<256x512xf32, #tpu.memory_space<vmem>>, vector<256x512xf32>
    tpu.vector_store %arg5[%swap3A, %swap3A_45], %add3A_44 {strides = array<i32>} : memref<256x512xf32, #tpu.memory_space<vmem>>, vector<256x512xf32>,
    return
  }
  func.func @transform_0(%arg0: i32) -> (i32, i32) {
    %c0_i32 = arith.constant 0 : i32
    %c0_i32_0 = arith.constant 0 : i32
    return %arg0, %c0_i32 : i32, i32
  }
  func.func @transform_1(%arg0: i32) -> (i32, i32) {
    %mul3A = arith.constant 2 : i32
    %mul3A_0 = arith.muli %mul3A, %arg0 : i32
    %c0_i32 = arith.constant 0 : i32
    %c0_i32_1 = arith.constant 0 : i32
    return %mul3A_0, %c0_i32 : i32, i32
  }
  func.func @transform_2(%arg0: i32) -> (i32, i32) {
    %mul3A = arith.constant 2 : i32
    %mul3A_0 = arith.muli %mul3A, %arg0 : i32
    %add3A = arith.constant 1 : i32
    %add3A_1 = arith.addi %mul3A_0, %add3A : i32
    %c0_i32 = arith.constant 0 : i32
    %c0_i32_2 = arith.constant 0 : i32
    return %add3A_1, %c0_i32 : i32, i32
  }
  func.func @transform_3(%arg0: i32) -> (i32, i32, i32) {
    %c0_i32 = arith.constant 0 : i32
    %c0_i32_0 = arith.constant 0 : i32
    %c0_i32_1 = arith.constant 0 : i32
    return %arg0, %c0_i32, %c0_i32_0 : i32, i32, i32
  }
  func.func @transform_4(%arg0: i32) -> (i32, i32) {
    %c0_i32 = arith.constant 0 : i32
    %c0_i32_0 = arith.constant 0 : i32
    return %arg0, %c0_i32 : i32, i32
  }
}

</mosaic_0001>

<sc_bundles>
// kernel: kernel.11.cloned.1.call-start
scs
__scs_entry_jumppad:
0x0: {  	(pc) =	sbr.rel $0x88, $3  }
0x1: {  	(tag) =	ssettag $0x0;
	lr =	simm.s32 $0x1  }
0x2: {  	[smem:$0x3F92] =	sst lr;
	_ =	strace $0xD0000000  }
0x3: {  	_ = 	snop  }
0x4: {  	_ = 	snop  }
0x5: {  	_ = 	snop  }
0x6: {  	_ = 	snop  }
0x7: {  	_ = 	snop  }
__scs_overlays_trampoline_lowered:
0x8: {  	[smem:$0x3FA1] =	sst s0  }
0x9: {  	[smem:$0x3FA2] =	sst s1  }
0xa: {  	[smem:$0x3FA3] =	sst s2  }
0xb: {  	[smem:$0x3FA4] =	sst s3  }
0xc: {  	[smem:$0x3FA5] =	sst s4  }
0xd: {  	[smem:$0x3FA6] =	sst s5  }
0xe: {  	[smem:$0x3FA7] =	sst s6  }
0xf: {  	[smem:$0x3FA8] =	sst s7  }
0x10: {  	[smem:$0x3FA9] =	sst s8  }
0x11: {  	[smem:$0x3FAA] =	sst s9;
	s0 =	simm.s32 @!p0 $0x0  }
0x12: {  	s1 =	sld [smem:$0x3F90];
	s0 =	simm.s32 @p0 $0x1  }
0x13: {  	[smem:$0x3FAB] =	sst s0;
	s0 =	simm.s32 @!p1 $0x0  }
0x14: {  	s2 =	sld [smem:$0x3F8F];
	s0 =	simm.s32 @p1 $0x1  }
0x15: {  	[smem:$0x3FAC] =	sst s0;
	s0 =	simm.s32 @!p2 $0x0  }
0x16: {  	s3 =	sld [smem:$0x3FDB];
	s0 =	simm.s32 @p2 $0x1  }
0x17: {  	s4 =	simm.s32 $0x1BF5;
	[smem:$0x3FAE] =	sst s0  }
0x18: {  	s0 =	sld [smem:$0x3F91];
	_ =	swait.ge [sflag:s4], $0x0  }
0x19: {  	s7 =	sld [smem:$0x3F92]  }
0x1a: {  	s8 =	sadd.s32 $0xFFFFE003, lr  }
0x1b: {  	s9 =	sadd.s32 $0xFFFFFEF7, lr;
	s5 =	simm.s32 $0xFFFFFFFF;
	p2 =	slt.u32 s8, $0xFFFFF086  }
0x1c: {  	p1 =	slt.u32 s9, $0xF7A;
	s5 =	simm.s32 @!p2 $0x0  }
0x1d: {  	s5 =	simm.s32 @p1 $0x1;
	p0 =	seq.s32 s7, s2  }
0x1e: {  	s7 =	smul.u32 @!p0 $0xF7A, s2;
	p2 =	seq.s32 @!p0 s5, $0x0  }
0x1f: {  	s9 =	smul.u32 $0xF7A, s1;
	s8 =	simm.s32 @!p0 $0x1BF5;
	p2 =	por !p2, p0  }
0x20: {  	[sflag:s8] =	ssyncset.s32 @!p0 $0xFFFFF086;
	s6 =	sadd.s32 @!p0 s3, s7;
	s7 =	simm.s32 @!p0 $0x108  }
0x21: {  	s3 =	sadd.s32 s3, s9;
	s6 =	sadd.s32 @!p0 $0x88, s6;
	s7 =	simm.s32 @p2 $0x1082  }
0x22: {  	[simem:s7], [sflag:s8] =	dma.local @!p0 [hbm:s6], $0xF7A  }
0x23: {  	s9 =	sor.u32 $0xD0000000, s2;
	s6 =	simm.s32 $0x108;
	_ =	swait.ge @!p0 [sflag:s8], $0x0  }
0x24: {  	s3 =	sadd.s32 $0x88, s3;
	s6 =	simm.s32 @!p1 $0x1082;
	[sflag:s4] =	ssyncset.s32 $0xFFFFF086  }
0x25: {  	[simem:s6], [sflag:s4] =	dma.local [hbm:s3], $0xF7A  }
0x26: {  	[smem:$0x3F92] =	sst s1;
	(tag) =	ssettag s2;
	_ =	strace s9  }
0x27: {  	s1 =	sld [smem:$0x3FA2]  }
0x28: {  	s2 =	sld [smem:$0x3FA3]  }
0x29: {  	s4 =	sld [smem:$0x3FA5]  }
0x2a: {  	p0 =	seq.s32 s5, $0x0;
	s5 =	sld [smem:$0x3FA6]  }
0x2b: {  	s6 =	sld [smem:$0x3FA7]  }
0x2c: {  	s7 =	sld [smem:$0x3FA8]  }
0x2d: {  	s3 =	simm.s32 $0x108;
	s8 =	sld [smem:$0x3FA9]  }
0x2e: {  	s3 =	simm.s32 @!p0 $0x1082;
	s9 =	sld [smem:$0x3FAA]  }
0x2f: {  	lr =	sadd.s32 s0, s3;
	s0 =	sld [smem:$0x3FA1]  }
0x30: {  	s3 =	sld [smem:$0x3FA4]  }
0x31: {  	[smem:$0x3FAD] =	sst s10  }
0x32: {  	s10 =	sld [smem:$0x3FAB];
	_ =	sdelay $0x3  }
0x33: {  	p0 =	seq.s32 s10, $0x1;
	s10 =	sld [smem:$0x3FAD];
	_ =	sdelay $0x3  }
0x34: {  	[smem:$0x3FAD] =	sst s10  }
0x35: {  	s10 =	sld [smem:$0x3FAC];
	_ =	sdelay $0x3  }
0x36: {  	p1 =	seq.s32 s10, $0x1;
	s10 =	sld [smem:$0x3FAD];
	_ =	sdelay $0x3  }
0x37: {  	[smem:$0x3FAD] =	sst s10  }
0x38: {  	s10 =	sld [smem:$0x3FAE]  }
0x39: {  	_ = 	snop;
	(pc) =	sbr.ind lr, $3  }
0x3a: {  	_ = 	snop  }
0x3b: {  	_ = 	snop  }
0x3c: {  	p2 =	seq.s32 s10, $0x1;
	s10 =	sld [smem:$0x3FAD]  }
0x3d: {  	_ =	shalt  }
0x3e: {  	_ =	shalt  }
0x3f: {  	_ =	shalt  }
0x40: {  	_ =	shalt  }
0x41: {  	_ =	shalt  }
0x42: {  	_ =	shalt  }
0x43: {  	_ =	shalt  }
0x44: {  	_ =	shalt  }
0x45: {  	_ =	shalt  }
0x46: {  	_ =	shalt  }
0x47: {  	_ =	shalt  }
0x48: {  	_ =	shalt  }
0x49: {  	_ =	shalt  }
0x4a: {  	_ =	shalt  }
0x4b: {  	_ =	shalt  }
0x4c: {  	_ =	shalt  }
0x4d: {  	_ =	shalt  }
0x4e: {  	_ =	shalt  }
0x4f: {  	_ =	shalt  }
0x50: {  	_ =	shalt  }
0x51: {  	_ =	shalt  }
0x52: {  	_ =	shalt  }
0x53: {  	_ =	shalt  }
0x54: {  	_ =	shalt  }
0x55: {  	_ =	shalt  }
0x56: {  	_ =	shalt  }
0x57: {  	_ =	shalt  }
0x58: {  	_ =	shalt  }
0x59: {  	_ =	shalt  }
0x5a: {  	_ =	shalt  }
0x5b: {  	_ =	shalt  }
0x5c: {  	_ =	shalt  }
0x5d: {  	_ =	shalt  }
0x5e: {  	_ =	shalt  }
0x5f: {  	_ =	shalt  }
0x60: {  	_ =	shalt  }
0x61: {  	_ =	shalt  }
0x62: {  	_ =	shalt  }
0x63: {  	_ =	shalt  }
0x64: {  	_ =	shalt  }
0x65: {  	_ =	shalt  }
0x66: {  	_ =	shalt  }
0x67: {  	_ =	shalt  }
0x68: {  	_ =	shalt  }
0x69: {  	_ =	shalt  }
0x6a: {  	_ =	shalt  }
0x6b: {  	_ =	shalt  }
0x6c: {  	_ =	shalt  }
0x6d: {  	_ =	shalt  }
0x6e: {  	_ =	shalt  }
0x6f: {  	_ =	shalt  }
0x70: {  	_ =	shalt  }
0x71: {  	_ =	shalt  }
0x72: {  	_ =	shalt  }
0x73: {  	_ =	shalt  }
0x74: {  	_ =	shalt  }
0x75: {  	_ =	shalt  }
0x76: {  	_ =	shalt  }
0x77: {  	_ =	shalt  }
0x78: {  	_ =	shalt  }
0x79: {  	_ =	shalt  }
0x7a: {  	_ =	shalt  }
0x7b: {  	_ =	shalt  }
0x7c: {  	_ =	shalt  }
0x7d: {  	_ =	shalt  }
0x7e: {  	_ =	shalt  }
0x7f: {  	_ =	shalt  }
0x80: {  	_ =	shalt  }
0x81: {  	_ =	shalt  }
0x82: {  	_ =	shalt  }
0x83: {  	_ =	shalt  }
0x84: {  	_ =	shalt  }
0x85: {  	_ =	shalt  }
0x86: {  	_ =	shalt  }
0x87: {  	_ =	shalt  }
.Lfunc_end0:
.L_simem_size_0:
called_computation.1_lowered:
.L_overlay_start_0:
0x88: {  	s2 =	sld [smem:$0x3FD9]  }
0x89: {  	s3 =	sld [smem:$0x3FFE];
	_ =	sdelay $0x1  }
0x8a: {  	s1 =	srdreg.scid  }
0x8b: {  	s0 =	sand.u32 $0x1, s1  }
0x8c: {  	s16 =	sshll.u32 s0, $0xA;
	s2 =	sadd.s32 s3, s2  }
0x8d: {  	s2 =	sadd.s32 s2, s16  }
0x8e: {  	[smem:$0x3FB9] =	sst s2  }
0x8f: {  	_ = 	snop  }
0x90: {  	(tm) =	ssettm $0x1  }
0x91: {  	s17 =	sld [smem:$0x3FFB];
	_ =	sdelay $0x3  }
0x92: {  	_ =	strace s17  }
0x93: {  	s2 =	sld [smem:$0x3FFC];
	_ =	sdelay $0x3  }
0x94: {  	_ =	strace s2  }
0x95: {  	s2 =	sld [smem:$0x3FFD];
	_ =	sdelay $0x3  }
0x96: {  	_ =	strace s2  }
0x97: {  	_ =	strace $0x8FFFFFFF  }
0x98: {  	s18 =	sld [smem:$0x3FDB];
	_ =	sdelay $0x1  }
0x99: {  	s19 =	simm.s32 $_scs_section_size  }
0x9a: {  	s4 =	simm.s32 $_size__tile_overlayer_lowered;
	s5 =	simm.s32 $_tile_overlayer_lowered  }
0x9b: {  	s22 =	simm.s32 $0x1BFF;
	s21 =	sshll.u32 s5, $0x1;
	s2 =	sadd.s32 s19, s18  }
0x9c: {  	s6 =	simm.s32 $0x0;
	s20 =	sshll.u32 s4, $0x1;
	s4 =	sadd.s32 s21, s2  }
0x9d: {  	[timem:s6], [sflag:s22] =	dma.local [hbm:s4], s20  }
0x9e: {  	_ =	swait.ge [sflag:s22], s20  }
0x9f: {  	s3 =	ssub.s32 $0x0, s20;
	[sflag:s22] =	ssyncset.done $0x0  }
0xa0: {  	[sflag:s22] =	ssyncadd.s32 s3;
	_ =	sdelay $0x1  }
0xa1: {  	s23 =	simm.s32 $0x1B8B  }
0xa2: {  	_ =	swait.ge [sflag:s23], $0x1  }
0xa3: {  	[sflag:s23] =	ssyncset.done $0x0  }
0xa4: {  	s25 =	simm.s32 $0x1B8E;
	s24 =	sld [smem:$0x3FFE];
	[sflag:s23] =	ssyncadd.s32 $0xFFFFFFFF  }
0xa5: {  	s26 =	simm.s32 $execute0_lowered;
	[smem:$0x3FD2] =	sst s25  }
0xa6: {  	s4 =	sshll.u32 s26, $0x1;
	_ =	strace $0x80000049;
	[dreg:$0x1] =	wrdreg $0xFFFFFFFF  }
0xa7: {  	s28 =	simm.s32 $_size_execute0_lowered;
	s2 =	sadd.s32 s2, s4;
	[dreg:$0x0] =	wrdreg $0x0  }
0xa8: {  	s4 =	sshll.u32 s28, $0x1;
	[dreg:$0x2] =	wrdreg s2  }
0xa9: {  	[dreg:$0x3] =	wrdreg s4  }
0xaa: {  	[dreg:$0x4] =	wrdreg $0xC0  }
0xab: {  	_ =	task [dreg:s6], $0x5FFFF  }
0xac: {  	[dreg:$0x1] =	wrdreg $0xFFFFFFFF  }
0xad: {  	[dreg:$0x0] =	wrdreg $0x60  }
0xae: {  	[dreg:$0x2] =	wrdreg s24  }
0xaf: {  	[dreg:$0x3] =	wrdreg $0x9  }
0xb0: {  	_ =	task.clear_ibuf [dreg:s6], $0x4FFFF;
	_ =	strace $0x90000049  }
0xb1: {  	s29 =	simm.s32 $0x9;
	_ =	strace $0x8000004B  }
0xb2: {  	_ =	swait.ge [sflag:s29], $0x1  }
0xb3: {  	[sflag:s29] =	ssyncadd.s32 $0xFFFFFFFF  }
0xb4: {  	_ =	strace $0x9000004B  }
0xb5: {  	_ =	sfence  }
0xb6: {  	s30 =	sld [smem:$0x0];
	_ =	sdelay $0x2  }
0xb7: {  	s31 =	sshll.u32 s1, $0xD;
	s1 =	sshrl.u32 s1, $0x2  }
0xb8: {  	s3 =	sand.u32 $0x4000, s31;
	s1 =	sadd.s32 s1, s30  }
0xb9: {  	s0 =	sor.u32 s3, s0;
	s1 =	sshll.u32 s1, $0x11  }
0xba: {  	s0 =	sor.u32 s1, s0  }
0xbb: {  	s0 =	sadd.s32 $0x8F2B, s0  }
0xbc: {  	[sflag:s0] =	ssyncadd.remote.s32 $0x1  }
0xbd: {  	_ =	sfence.sel $0xFFFF  }
0xbe: {  	[dreg:$0x0] =	wrdreg $0xFFFFFFFF;
	(pc) =	sbr.abs _section_cstart, $3  }
0xbf: {  	[dreg:$0x1] =	wrdreg $0xFFFFFFFF  }
0xc0: {  	_ =	task.clear_ibuf [dreg:s6], $0x2FFFF;
	_ =	strace $0x9FFFFFFF  }
0xc1: {  	(tm) =	ssettm $0x7FFFFFFF  }
tec
execute0_lowered:
.L_overlay_start_1:
0x0: {  	(tag) =	ssettag $0x1  }
0x1: {  	s0 =	srdreg.scid;
	s1 =	stileid.u32  }
0x2: {  	s3 =	rddreg [dreg:$0x0];
	s13 =	simm.s32 $0x2;
	s15 =	simm.s32 $0xA00  }
0x3: {  	s16 =	simm.s32 $0x1200;
	s17 =	simm.s32 $0x1A00;
	s18 =	simm.s32 $0x2200  }
0x4: {  	s19 =	simm.s32 $0x2A00;
	s20 =	simm.s32 $0x3200;
	s21 =	simm.s32 $0x3A00  }
0x5: {  	s23 =	simm.s32 $0x4200;
	s28 =	simm.s32 $0x6200;
	s29 =	simm.s32 $0x6A00  }
0x6: {  	s30 =	simm.s32 $0x7200;
	s31 =	simm.s32 $0x7A00;
	s22 =	simm.s32 $0x9200  }
0x7: {  	s7 =	simm.s32 $0x9A00;
	s8 =	simm.s32 $0xA200;
	s0 =	sand.u32 $0x1, s0  }
0x8: {  	s9 =	simm.s32 $0xAA00;
	s1 =	sshll.u32 s1, $0xA;
	s2 =	sshll.u32 s0, $0x9  }
0x9: {  	s10 =	simm.s32 $0xB200;
	s11 =	simm.s32 $0xBA00;
	s1 =	sor.u32 s2, s1  }
0xa: {  	s0 =	ssub.s32 $0x2, s0;
	s2 =	simm.s32 $0x0;
	s4 =	sshrl.u32 s1, $0x3  }
0xb: {  	s5 =	sshrl.u32 s0, $0x1;
	s1 =	sshll.u32 s1, $0x5;
	s4 =	sadd.s32 s4, s3  }
0xc: {  	[smem:$0x7FF] =	sst s2;
	s1 =	sadd.s32 s1, s3;
	s4 =	sadd.s32 $0x42000, s4  }
0xd: {  	_ =	strace $0x8000004A;
	s24 =	sadd.s32 $0xD2800, s1;
	[dreg:$0x2] =	wrdreg s4  }
0xe: {  	s0 =	ssub.s32 s0, s5;
	s25 =	sadd.s32 $0xD3800, s1;
	[dreg:$0x3] =	wrdreg s24  }
0xf: {  	s5 =	simm.s32 $0x3;
	s26 =	sadd.s32 $0xD4800, s1;
	[dreg:$0x4] =	wrdreg s25  }
0x10: {  	v2 =	vlaneseq.u32;
	s3 =	sadd.s32 $0x42800, s3;
	s1 =	sadd.s32 $0xD5800, s1;
	[dreg:$0x5] =	wrdreg s26  }
0x11: {  	vm0 =	vmmov $0xffff;
	v1 =	vshrl.u32 v2, $0x3;
	[dreg:$0x6] =	wrdreg s1;
	s4 =	smax.u32 s0, $0x1;
	s1 =	simm.s32 $0x1  }
0x12: {  	v0 =	vand.u32 $0x7, v2;
	v2 =	vor.u32 $0x8, v2;
	v1 =	vmul.u32 $0x8, v1;
	s24 =	simm.s32 $0x4A00;
	s25 =	simm.s32 $0x5200;
	s26 =	simm.s32 $0x5A00  }
.LBB2_1:
0x13: {  	s14 =	rddreg [dreg:$0x2]  }
0x14: {  	[tilespmem:s2], [sflag:$0x3] =	stream.linear.gather [hbm4b:s14+s2], $0x200, $0x38;
	[tilespmem:$0x10200] =	vst v63  }
0x15: {  	_ =	swait.ge [sflag:s5], $0x200  }
0x16: {  	[sflag:s5] =	ssyncset.done $0x0  }
0x17: {  	[sflag:s5] =	ssyncadd.s32 $0xFFFFFE00  }
0x18: {  	v3 =	vld [tilespmem:$0x0];
	_ =	sdelay $0x4  }
0x19: {  	v4 =	vshll.u32 v3, $0x1  }
0x1a: {  	v3 =	vand.u32 $0x7, v3;
	v4 =	vand.u32 $0xFFFFFFF0, v4  }
0x1b: {  	v3 =	vor.u32 v3, v4  }
0x1c: {  	v4 =	vperm.xlane v3, v0;
	_ =	sdelay $0x1  }
0x1d: {  	v3 =	vperm.xlane v3, v2;
	v4 =	vadd.s32 v1, v4;
	_ =	sdelay $0x1  }
0x1e: {  	v3 =	vadd.s32 v1, v3;
	_ =	sdelay $0x1  }
0x1f: {  	s0 =	simm.s32 $0x200  }
0x20: {  	[tilespmem:s0], [sflag:$0x1] =	stream.indirect_vreg.gather [hbm4b:s3+s2], $0x80, v4, vm0, $0xb8;
	[tilespmem:$0x10200] =	vst v63  }
0x21: {  	_ = 	snop  }
0x22: {  	[tilespmem:s15], [sflag:$0x1] =	stream.indirect_vreg.gather [hbm4b:s3+s2], $0x80, v3, vm0, $0xb8;
	[tilespmem:$0x10200] =	vst v63  }
0x23: {  	v3 =	vld [tilespmem:$0x10];
	_ =	sdelay $0x4  }
0x24: {  	v33 =	vshll.u32 v3, $0x1  }
0x25: {  	v3 =	vand.u32 $0x7, v3;
	v4 =	vand.u32 $0xFFFFFFF0, v33  }
0x26: {  	v3 =	vor.u32 v3, v4  }
0x27: {  	v4 =	vperm.xlane v3, v0;
	_ =	sdelay $0x1  }
0x28: {  	v3 =	vperm.xlane v3, v2;
	v4 =	vadd.s32 v1, v4;
	_ =	sdelay $0x1  }
0x29: {  	v3 =	vadd.s32 v1, v3;
	_ =	sdelay $0x2  }
0x2a: {  	[tilespmem:s16], [sflag:$0x1] =	stream.indirect_vreg.gather [hbm4b:s3+s2], $0x80, v4, vm0, $0xb8;
	[tilespmem:$0x10200] =	vst v63  }
0x2b: {  	_ = 	snop  }
0x2c: {  	[tilespmem:s17], [sflag:$0x1] =	stream.indirect_vreg.gather [hbm4b:s3+s2], $0x80, v3, vm0, $0xb8;
	[tilespmem:$0x10200] =	vst v63  }
0x2d: {  	v3 =	vld [tilespmem:$0x20];
	_ =	sdelay $0x4  }
0x2e: {  	v34 =	vshll.u32 v3, $0x1  }
0x2f: {  	v3 =	vand.u32 $0x7, v3;
	v4 =	vand.u32 $0xFFFFFFF0, v34  }
0x30: {  	v3 =	vor.u32 v3, v4  }
0x31: {  	v4 =	vperm.xlane v3, v0;
	_ =	sdelay $0x1  }
0x32: {  	v3 =	vperm.xlane v3, v2;
	v4 =	vadd.s32 v1, v4;
	_ =	sdelay $0x1  }
0x33: {  	v3 =	vadd.s32 v1, v3;
	_ =	sdelay $0x2  }
0x34: {  	[tilespmem:s18], [sflag:$0x1] =	stream.indirect_vreg.gather [hbm4b:s3+s2], $0x80, v4, vm0, $0xb8;
	[tilespmem:$0x10200] =	vst v63  }
0x35: {  	_ = 	snop  }
0x36: {  	[tilespmem:s19], [sflag:$0x1] =	stream.indirect_vreg.gather [hbm4b:s3+s2], $0x80, v3, vm0, $0xb8;
	[tilespmem:$0x10200] =	vst v63  }
0x37: {  	v3 =	vld [tilespmem:$0x30];
	_ =	sdelay $0x4  }
0x38: {  	v35 =	vshll.u32 v3, $0x1  }
0x39: {  	v3 =	vand.u32 $0x7, v3;
	v4 =	vand.u32 $0xFFFFFFF0, v35  }
0x3a: {  	v3 =	vor.u32 v3, v4  }
0x3b: {  	v4 =	vperm.xlane v3, v0;
	_ =	sdelay $0x1  }
0x3c: {  	v3 =	vperm.xlane v3, v2;
	v4 =	vadd.s32 v1, v4;
	_ =	sdelay $0x1  }
0x3d: {  	v3 =	vadd.s32 v1, v3;
	_ =	sdelay $0x2  }
0x3e: {  	[tilespmem:s20], [sflag:$0x1] =	stream.indirect_vreg.gather [hbm4b:s3+s2], $0x80, v4, vm0, $0xb8;
	[tilespmem:$0x10200] =	vst v63  }
0x3f: {  	_ = 	snop  }
0x40: {  	[tilespmem:s21], [sflag:$0x1] =	stream.indirect_vreg.gather [hbm4b:s3+s2], $0x80, v3, vm0, $0xb8;
	[tilespmem:$0x10200] =	vst v63  }
0x41: {  	v3 =	vld [tilespmem:$0x40];
	_ =	sdelay $0x4  }
0x42: {  	v36 =	vshll.u32 v3, $0x1  }
0x43: {  	v3 =	vand.u32 $0x7, v3;
	v4 =	vand.u32 $0xFFFFFFF0, v36  }
0x44: {  	v3 =	vor.u32 v3, v4  }
0x45: {  	v4 =	vperm.xlane v3, v0;
	_ =	sdelay $0x1  }
0x46: {  	v3 =	vperm.xlane v3, v2;
	v4 =	vadd.s32 v1, v4;
	_ =	sdelay $0x1  }
0x47: {  	v3 =	vadd.s32 v1, v3;
	_ =	sdelay $0x2  }
0x48: {  	[tilespmem:s23], [sflag:$0x1] =	stream.indirect_vreg.gather [hbm4b:s3+s2], $0x80, v4, vm0, $0xb8;
	[tilespmem:$0x10200] =	vst v63  }
0x49: {  	_ = 	snop  }
0x4a: {  	[tilespmem:s24], [sflag:$0x1] =	stream.indirect_vreg.gather [hbm4b:s3+s2], $0x80, v3, vm0, $0xb8;
	[tilespmem:$0x10200] =	vst v63  }
0x4b: {  	v3 =	vld [tilespmem:$0x50];
	_ =	sdelay $0x4  }
0x4c: {  	v37 =	vshll.u32 v3, $0x1  }
0x4d: {  	v3 =	vand.u32 $0x7, v3;
	v4 =	vand.u32 $0xFFFFFFF0, v37  }
0x4e: {  	v3 =	vor.u32 v3, v4  }
0x4f: {  	v4 =	vperm.xlane v3, v0;
	_ =	sdelay $0x1  }
0x50: {  	v3 =	vperm.xlane v3, v2;
	v4 =	vadd.s32 v1, v4;
	_ =	sdelay $0x1  }
0x51: {  	v3 =	vadd.s32 v1, v3;
	_ =	sdelay $0x2  }
0x52: {  	[tilespmem:s25], [sflag:$0x1] =	stream.indirect_vreg.gather [hbm4b:s3+s2], $0x80, v4, vm0, $0xb8;
	[tilespmem:$0x10200] =	vst v63  }
0x53: {  	_ = 	snop  }
0x54: {  	[tilespmem:s26], [sflag:$0x1] =	stream.indirect_vreg.gather [hbm4b:s3+s2], $0x80, v3, vm0, $0xb8;
	[tilespmem:$0x10200] =	vst v63  }
0x55: {  	v3 =	vld [tilespmem:$0x60];
	_ =	sdelay $0x4  }
0x56: {  	v38 =	vshll.u32 v3, $0x1  }
0x57: {  	v3 =	vand.u32 $0x7, v3;
	v4 =	vand.u32 $0xFFFFFFF0, v38  }
0x58: {  	v3 =	vor.u32 v3, v4  }
0x59: {  	v4 =	vperm.xlane v3, v0;
	_ =	sdelay $0x1  }
0x5a: {  	v3 =	vperm.xlane v3, v2;
	v4 =	vadd.s32 v1, v4;
	_ =	sdelay $0x1  }
0x5b: {  	v3 =	vadd.s32 v1, v3;
	_ =	sdelay $0x2  }
0x5c: {  	[tilespmem:s28], [sflag:$0x1] =	stream.indirect_vreg.gather [hbm4b:s3+s2], $0x80, v4, vm0, $0xb8;
	[tilespmem:$0x10200] =	vst v63  }
0x5d: {  	_ = 	snop  }
0x5e: {  	[tilespmem:s29], [sflag:$0x1] =	stream.indirect_vreg.gather [hbm4b:s3+s2], $0x80, v3, vm0, $0xb8;
	[tilespmem:$0x10200] =	vst v63  }
0x5f: {  	v3 =	vld [tilespmem:$0x70];
	_ =	sdelay $0x4  }
0x60: {  	v39 =	vshll.u32 v3, $0x1  }
0x61: {  	v3 =	vand.u32 $0x7, v3;
	v4 =	vand.u32 $0xFFFFFFF0, v39  }
0x62: {  	v3 =	vor.u32 v3, v4  }
0x63: {  	v4 =	vperm.xlane v3, v0;
	_ =	sdelay $0x1  }
0x64: {  	v3 =	vperm.xlane v3, v2;
	v4 =	vadd.s32 v1, v4;
	_ =	sdelay $0x1  }
0x65: {  	v3 =	vadd.s32 v1, v3;
	_ =	sdelay $0x2  }
0x66: {  	[tilespmem:s30], [sflag:$0x1] =	stream.indirect_vreg.gather [hbm4b:s3+s2], $0x80, v4, vm0, $0xb8;
	[tilespmem:$0x10200] =	vst v63  }
0x67: {  	_ = 	snop  }
0x68: {  	[tilespmem:s31], [sflag:$0x1] =	stream.indirect_vreg.gather [hbm4b:s3+s2], $0x80, v3, vm0, $0xb8;
	[tilespmem:$0x10200] =	vst v63  }
0x69: {  	v3 =	vld [tilespmem:$0x80];
	_ =	sdelay $0x4  }
0x6a: {  	v40 =	vshll.u32 v3, $0x1  }
0x6b: {  	v3 =	vand.u32 $0x7, v3;
	v4 =	vand.u32 $0xFFFFFFF0, v40  }
0x6c: {  	v3 =	vor.u32 v3, v4  }
0x6d: {  	v4 =	vperm.xlane v3, v0;
	_ =	sdelay $0x1  }
0x6e: {  	v3 =	vperm.xlane v3, v2;
	v4 =	vadd.s32 v1, v4;
	_ =	sdelay $0x1  }
0x6f: {  	v3 =	vadd.s32 v1, v3;
	_ =	sdelay $0x1  }
0x70: {  	s0 =	simm.s32 $0x8200  }
0x71: {  	[tilespmem:s0], [sflag:$0x2] =	stream.indirect_vreg.gather [hbm4b:s3+s2], $0x80, v4, vm0, $0xb8;
	[tilespmem:$0x10200] =	vst v63  }
0x72: {  	s6 =	simm.s32 $0x8A00  }
0x73: {  	[tilespmem:s6], [sflag:$0x2] =	stream.indirect_vreg.gather [hbm4b:s3+s2], $0x80, v3, vm0, $0xb8;
	[tilespmem:$0x10200] =	vst v63  }
0x74: {  	v3 =	vld [tilespmem:$0x90];
	_ =	sdelay $0x4  }
0x75: {  	v41 =	vshll.u32 v3, $0x1  }
0x76: {  	v3 =	vand.u32 $0x7, v3;
	v4 =	vand.u32 $0xFFFFFFF0, v41  }
0x77: {  	v3 =	vor.u32 v3, v4  }
0x78: {  	v4 =	vperm.xlane v3, v0;
	_ =	sdelay $0x1  }
0x79: {  	v3 =	vperm.xlane v3, v2;
	v4 =	vadd.s32 v1, v4;
	_ =	sdelay $0x1  }
0x7a: {  	v3 =	vadd.s32 v1, v3;
	_ =	sdelay $0x2  }
0x7b: {  	[tilespmem:s22], [sflag:$0x2] =	stream.indirect_vreg.gather [hbm4b:s3+s2], $0x80, v4, vm0, $0xb8;
	[tilespmem:$0x10200] =	vst v63  }
0x7c: {  	_ = 	snop  }
0x7d: {  	[tilespmem:s7], [sflag:$0x2] =	stream.indirect_vreg.gather [hbm4b:s3+s2], $0x80, v3, vm0, $0xb8;
	[tilespmem:$0x10200] =	vst v63  }
0x7e: {  	v3 =	vld [tilespmem:$0xA0];
	_ =	sdelay $0x4  }
0x7f: {  	v42 =	vshll.u32 v3, $0x1  }
0x80: {  	v3 =	vand.u32 $0x7, v3;
	v4 =	vand.u32 $0xFFFFFFF0, v42  }
0x81: {  	v3 =	vor.u32 v3, v4  }
0x82: {  	v4 =	vperm.xlane v3, v0;
	_ =	sdelay $0x1  }
0x83: {  	v3 =	vperm.xlane v3, v2;
	v4 =	vadd.s32 v1, v4;
	_ =	sdelay $0x1  }
0x84: {  	v3 =	vadd.s32 v1, v3;
	_ =	sdelay $0x2  }
0x85: {  	[tilespmem:s8], [sflag:$0x2] =	stream.indirect_vreg.gather [hbm4b:s3+s2], $0x80, v4, vm0, $0xb8;
	[tilespmem:$0x10200] =	vst v63  }
0x86: {  	_ = 	snop  }
0x87: {  	[tilespmem:s9], [sflag:$0x2] =	stream.indirect_vreg.gather [hbm4b:s3+s2], $0x80, v3, vm0, $0xb8;
	[tilespmem:$0x10200] =	vst v63  }
0x88: {  	v3 =	vld [tilespmem:$0xB0];
	_ =	sdelay $0x4  }
0x89: {  	v43 =	vshll.u32 v3, $0x1  }
0x8a: {  	v3 =	vand.u32 $0x7, v3;
	v4 =	vand.u32 $0xFFFFFFF0, v43  }
0x8b: {  	v3 =	vor.u32 v3, v4  }
0x8c: {  	v4 =	vperm.xlane v3, v0;
	_ =	sdelay $0x1  }
0x8d: {  	v3 =	vperm.xlane v3, v2;
	v4 =	vadd.s32 v1, v4;
	_ =	sdelay $0x1  }
0x8e: {  	v3 =	vadd.s32 v1, v3;
	_ =	sdelay $0x2  }
0x8f: {  	[tilespmem:s10], [sflag:$0x2] =	stream.indirect_vreg.gather [hbm4b:s3+s2], $0x80, v4, vm0, $0xb8;
	[tilespmem:$0x10200] =	vst v63  }
0x90: {  	_ = 	snop  }
0x91: {  	[tilespmem:s11], [sflag:$0x2] =	stream.indirect_vreg.gather [hbm4b:s3+s2], $0x80, v3, vm0, $0xb8;
	[tilespmem:$0x10200] =	vst v63  }
0x92: {  	v3 =	vld [tilespmem:$0xC0];
	_ =	sdelay $0x4  }
0x93: {  	v44 =	vshll.u32 v3, $0x1  }
0x94: {  	v3 =	vand.u32 $0x7, v3;
	v4 =	vand.u32 $0xFFFFFFF0, v44  }
0x95: {  	v3 =	vor.u32 v3, v4  }
0x96: {  	v4 =	vperm.xlane v3, v0;
	_ =	sdelay $0x1  }
0x97: {  	v3 =	vperm.xlane v3, v2;
	v4 =	vadd.s32 v1, v4;
	_ =	sdelay $0x1  }
0x98: {  	v3 =	vadd.s32 v1, v3;
	_ =	sdelay $0x1  }
0x99: {  	s6 =	simm.s32 $0xC200  }
0x9a: {  	[tilespmem:s6], [sflag:$0x2] =	stream.indirect_vreg.gather [hbm4b:s3+s2], $0x80, v4, vm0, $0xb8;
	[tilespmem:$0x10200] =	vst v63  }
0x9b: {  	s12 =	simm.s32 $0xCA00  }
0x9c: {  	[tilespmem:s12], [sflag:$0x2] =	stream.indirect_vreg.gather [hbm4b:s3+s2], $0x80, v3, vm0, $0xb8;
	[tilespmem:$0x10200] =	vst v63  }
0x9d: {  	v3 =	vld [tilespmem:$0xD0];
	_ =	sdelay $0x4  }
0x9e: {  	v45 =	vshll.u32 v3, $0x1  }
0x9f: {  	v3 =	vand.u32 $0x7, v3;
	v4 =	vand.u32 $0xFFFFFFF0, v45  }
0xa0: {  	v3 =	vor.u32 v3, v4  }
0xa1: {  	v4 =	vperm.xlane v3, v0;
	_ =	sdelay $0x1  }
0xa2: {  	v3 =	vperm.xlane v3, v2;
	v4 =	vadd.s32 v1, v4;
	_ =	sdelay $0x1  }
0xa3: {  	v3 =	vadd.s32 v1, v3;
	_ =	sdelay $0x1  }
0xa4: {  	s14 =	simm.s32 $0xD200  }
0xa5: {  	[tilespmem:s14], [sflag:$0x2] =	stream.indirect_vreg.gather [hbm4b:s3+s2], $0x80, v4, vm0, $0xb8;
	[tilespmem:$0x10200] =	vst v63  }
0xa6: {  	s14 =	simm.s32 $0xDA00  }
0xa7: {  	[tilespmem:s14], [sflag:$0x2] =	stream.indirect_vreg.gather [hbm4b:s3+s2], $0x80, v3, vm0, $0xb8;
	[tilespmem:$0x10200] =	vst v63  }
0xa8: {  	v3 =	vld [tilespmem:$0xE0];
	_ =	sdelay $0x4  }
0xa9: {  	v46 =	vshll.u32 v3, $0x1  }
0xaa: {  	v3 =	vand.u32 $0x7, v3;
	v4 =	vand.u32 $0xFFFFFFF0, v46  }
0xab: {  	v3 =	vor.u32 v3, v4  }
0xac: {  	v4 =	vperm.xlane v3, v0;
	_ =	sdelay $0x1  }
0xad: {  	v3 =	vperm.xlane v3, v2;
	v4 =	vadd.s32 v1, v4;
	_ =	sdelay $0x1  }
0xae: {  	v3 =	vadd.s32 v1, v3;
	_ =	sdelay $0x1  }
0xaf: {  	s14 =	simm.s32 $0xE200  }
0xb0: {  	[tilespmem:s14], [sflag:$0x2] =	stream.indirect_vreg.gather [hbm4b:s3+s2], $0x80, v4, vm0, $0xb8;
	[tilespmem:$0x10200] =	vst v63  }
0xb1: {  	s14 =	simm.s32 $0xEA00  }
0xb2: {  	[tilespmem:s14], [sflag:$0x2] =	stream.indirect_vreg.gather [hbm4b:s3+s2], $0x80, v3, vm0, $0xb8;
	[tilespmem:$0x10200] =	vst v63  }
0xb3: {  	v3 =	vld [tilespmem:$0xF0];
	_ =	sdelay $0x4  }
0xb4: {  	v47 =	vshll.u32 v3, $0x1  }
0xb5: {  	v3 =	vand.u32 $0x7, v3;
	v4 =	vand.u32 $0xFFFFFFF0, v47  }
0xb6: {  	v3 =	vor.u32 v3, v4  }
0xb7: {  	v4 =	vperm.xlane v3, v0;
	_ =	sdelay $0x1  }
0xb8: {  	v3 =	vperm.xlane v3, v2;
	v4 =	vadd.s32 v1, v4;
	_ =	sdelay $0x1  }
0xb9: {  	v3 =	vadd.s32 v1, v3;
	_ =	sdelay $0x1  }
0xba: {  	s14 =	simm.s32 $0xF200  }
0xbb: {  	[tilespmem:s14], [sflag:$0x2] =	stream.indirect_vreg.gather [hbm4b:s3+s2], $0x80, v4, vm0, $0xb8;
	[tilespmem:$0x10200] =	vst v63  }
0xbc: {  	s14 =	simm.s32 $0xFA00  }
0xbd: {  	[tilespmem:s14], [sflag:$0x2] =	stream.indirect_vreg.gather [hbm4b:s3+s2], $0x80, v3, vm0, $0xb8;
	[tilespmem:$0x10200] =	vst v63  }
0xbe: {  	_ =	swait.ge [sflag:s1], $0x8000  }
0xbf: {  	[sflag:s1] =	ssyncset.done $0x0  }
0xc0: {  	s12 =	simm.s32 $0x200;
	s14 =	rddreg [dreg:$0x3];
	[sflag:s1] =	ssyncadd.s32 $0xFFFF8000  }
0xc1: {  	[hbm4b:s14+s2] =	stream.linear.scatter [tilespmem:s12], [sflag:$0x3], $0x8000, $0x38;
	[tilespmem:$0x10200] =	vst v63  }
0xc2: {  	_ =	swait.ge [sflag:s5], $0x8000  }
0xc3: {  	[sflag:s5] =	ssyncset.done $0x0  }
0xc4: {  	[sflag:s5] =	ssyncadd.s32 $0xFFFF8000  }
0xc5: {  	v3 =	vld [tilespmem:$0x100];
	_ =	sdelay $0x4  }
0xc6: {  	v48 =	vshll.u32 v3, $0x1  }
0xc7: {  	v3 =	vand.u32 $0x7, v3;
	v4 =	vand.u32 $0xFFFFFFF0, v48  }
0xc8: {  	v3 =	vor.u32 v3, v4  }
0xc9: {  	v4 =	vperm.xlane v3, v0;
	_ =	sdelay $0x1  }
0xca: {  	v3 =	vperm.xlane v3, v2;
	v4 =	vadd.s32 v1, v4;
	_ =	sdelay $0x1  }
0xcb: {  	v3 =	vadd.s32 v1, v3;
	_ =	sdelay $0x2  }
0xcc: {  	[tilespmem:s12], [sflag:$0x1] =	stream.indirect_vreg.gather [hbm4b:s3+s2], $0x80, v4, vm0, $0xb8;
	[tilespmem:$0x10200] =	vst v63  }
0xcd: {  	_ = 	snop  }
0xce: {  	[tilespmem:s15], [sflag:$0x1] =	stream.indirect_vreg.gather [hbm4b:s3+s2], $0x80, v3, vm0, $0xb8;
	[tilespmem:$0x10200] =	vst v63  }
0xcf: {  	v3 =	vld [tilespmem:$0x110];
	_ =	sdelay $0x4  }
0xd0: {  	v49 =	vshll.u32 v3, $0x1  }
0xd1: {  	v3 =	vand.u32 $0x7, v3;
	v4 =	vand.u32 $0xFFFFFFF0, v49  }
0xd2: {  	v3 =	vor.u32 v3, v4  }
0xd3: {  	v4 =	vperm.xlane v3, v0;
	_ =	sdelay $0x1  }
0xd4: {  	v3 =	vperm.xlane v3, v2;
	v4 =	vadd.s32 v1, v4;
	_ =	sdelay $0x1  }
0xd5: {  	v3 =	vadd.s32 v1, v3;
	_ =	sdelay $0x2  }
0xd6: {  	[tilespmem:s16], [sflag:$0x1] =	stream.indirect_vreg.gather [hbm4b:s3+s2], $0x80, v4, vm0, $0xb8;
	[tilespmem:$0x10200] =	vst v63  }
0xd7: {  	_ = 	snop  }
0xd8: {  	[tilespmem:s17], [sflag:$0x1] =	stream.indirect_vreg.gather [hbm4b:s3+s2], $0x80, v3, vm0, $0xb8;
	[tilespmem:$0x10200] =	vst v63  }
0xd9: {  	v3 =	vld [tilespmem:$0x120];
	_ =	sdelay $0x4  }
0xda: {  	v50 =	vshll.u32 v3, $0x1  }
0xdb: {  	v3 =	vand.u32 $0x7, v3;
	v4 =	vand.u32 $0xFFFFFFF0, v50  }
0xdc: {  	v3 =	vor.u32 v3, v4  }
0xdd: {  	v4 =	vperm.xlane v3, v0;
	_ =	sdelay $0x1  }
0xde: {  	v3 =	vperm.xlane v3, v2;
	v4 =	vadd.s32 v1, v4;
	_ =	sdelay $0x1  }
0xdf: {  	v3 =	vadd.s32 v1, v3;
	_ =	sdelay $0x2  }
0xe0: {  	[tilespmem:s18], [sflag:$0x1] =	stream.indirect_vreg.gather [hbm4b:s3+s2], $0x80, v4, vm0, $0xb8;
	[tilespmem:$0x10200] =	vst v63  }
0xe1: {  	_ = 	snop  }
0xe2: {  	[tilespmem:s19], [sflag:$0x1] =	stream.indirect_vreg.gather [hbm4b:s3+s2], $0x80, v3, vm0, $0xb8;
	[tilespmem:$0x10200] =	vst v63  }
0xe3: {  	v3 =	vld [tilespmem:$0x130];
	_ =	sdelay $0x4  }
0xe4: {  	v51 =	vshll.u32 v3, $0x1  }
0xe5: {  	v3 =	vand.u32 $0x7, v3;
	v4 =	vand.u32 $0xFFFFFFF0, v51  }
0xe6: {  	v3 =	vor.u32 v3, v4  }
0xe7: {  	v4 =	vperm.xlane v3, v0;
	_ =	sdelay $0x1  }
0xe8: {  	v3 =	vperm.xlane v3, v2;
	v4 =	vadd.s32 v1, v4;
	_ =	sdelay $0x1  }
0xe9: {  	v3 =	vadd.s32 v1, v3;
	_ =	sdelay $0x2  }
0xea: {  	[tilespmem:s20], [sflag:$0x1] =	stream.indirect_vreg.gather [hbm4b:s3+s2], $0x80, v4, vm0, $0xb8;
	[tilespmem:$0x10200] =	vst v63  }
0xeb: {  	_ = 	snop  }
0xec: {  	[tilespmem:s21], [sflag:$0x1] =	stream.indirect_vreg.gather [hbm4b:s3+s2], $0x80, v3, vm0, $0xb8;
	[tilespmem:$0x10200] =	vst v63  }
0xed: {  	v3 =	vld [tilespmem:$0x140];
	_ =	sdelay $0x4  }
0xee: {  	v52 =	vshll.u32 v3, $0x1  }
0xef: {  	v3 =	vand.u32 $0x7, v3;
	v4 =	vand.u32 $0xFFFFFFF0, v52  }
0xf0: {  	v3 =	vor.u32 v3, v4  }
0xf1: {  	v4 =	vperm.xlane v3, v0;
	_ =	sdelay $0x1  }
0xf2: {  	v3 =	vperm.xlane v3, v2;
	v4 =	vadd.s32 v1, v4;
	_ =	sdelay $0x1  }
0xf3: {  	v3 =	vadd.s32 v1, v3;
	_ =	sdelay $0x2  }
0xf4: {  	[tilespmem:s23], [sflag:$0x1] =	stream.indirect_vreg.gather [hbm4b:s3+s2], $0x80, v4, vm0, $0xb8;
	[tilespmem:$0x10200] =	vst v63  }
0xf5: {  	_ = 	snop  }
0xf6: {  	[tilespmem:s24], [sflag:$0x1] =	stream.indirect_vreg.gather [hbm4b:s3+s2], $0x80, v3, vm0, $0xb8;
	[tilespmem:$0x10200] =	vst v63  }
0xf7: {  	v3 =	vld [tilespmem:$0x150];
	_ =	sdelay $0x4  }
0xf8: {  	v53 =	vshll.u32 v3, $0x1  }
0xf9: {  	v3 =	vand.u32 $0x7, v3;
	v4 =	vand.u32 $0xFFFFFFF0, v53  }
0xfa: {  	v3 =	vor.u32 v3, v4  }
0xfb: {  	v4 =	vperm.xlane v3, v0;
	_ =	sdelay $0x1  }
0xfc: {  	v3 =	vperm.xlane v3, v2;
	v4 =	vadd.s32 v1, v4;
	_ =	sdelay $0x1  }
0xfd: {  	v3 =	vadd.s32 v1, v3;
	_ =	sdelay $0x2  }
0xfe: {  	[tilespmem:s25], [sflag:$0x1] =	stream.indirect_vreg.gather [hbm4b:s3+s2], $0x80, v4, vm0, $0xb8;
	[tilespmem:$0x10200] =	vst v63  }
0xff: {  	_ = 	snop  }
0x100: {  	[tilespmem:s26], [sflag:$0x1] =	stream.indirect_vreg.gather [hbm4b:s3+s2], $0x80, v3, vm0, $0xb8;
	[tilespmem:$0x10200] =	vst v63  }
0x101: {  	v3 =	vld [tilespmem:$0x160];
	_ =	sdelay $0x4  }
0x102: {  	v54 =	vshll.u32 v3, $0x1  }
0x103: {  	v3 =	vand.u32 $0x7, v3;
	v4 =	vand.u32 $0xFFFFFFF0, v54  }
0x104: {  	v3 =	vor.u32 v3, v4  }
0x105: {  	v4 =	vperm.xlane v3, v0;
	_ =	sdelay $0x1  }
0x106: {  	v3 =	vperm.xlane v3, v2;
	v4 =	vadd.s32 v1, v4;
	_ =	sdelay $0x1  }
0x107: {  	v3 =	vadd.s32 v1, v3;
	_ =	sdelay $0x2  }
0x108: {  	[tilespmem:s28], [sflag:$0x1] =	stream.indirect_vreg.gather [hbm4b:s3+s2], $0x80, v4, vm0, $0xb8;
	[tilespmem:$0x10200] =	vst v63  }
0x109: {  	_ = 	snop  }
0x10a: {  	[tilespmem:s29], [sflag:$0x1] =	stream.indirect_vreg.gather [hbm4b:s3+s2], $0x80, v3, vm0, $0xb8;
	[tilespmem:$0x10200] =	vst v63  }
0x10b: {  	v3 =	vld [tilespmem:$0x170];
	_ =	sdelay $0x4  }
0x10c: {  	v55 =	vshll.u32 v3, $0x1  }
0x10d: {  	v3 =	vand.u32 $0x7, v3;
	v4 =	vand.u32 $0xFFFFFFF0, v55  }
0x10e: {  	v3 =	vor.u32 v3, v4  }
0x10f: {  	v4 =	vperm.xlane v3, v0;
	_ =	sdelay $0x1  }
0x110: {  	v3 =	vperm.xlane v3, v2;
	v4 =	vadd.s32 v1, v4;
	_ =	sdelay $0x1  }
0x111: {  	v3 =	vadd.s32 v1, v3;
	_ =	sdelay $0x2  }
0x112: {  	[tilespmem:s30], [sflag:$0x1] =	stream.indirect_vreg.gather [hbm4b:s3+s2], $0x80, v4, vm0, $0xb8;
	[tilespmem:$0x10200] =	vst v63  }
0x113: {  	_ = 	snop  }
0x114: {  	[tilespmem:s31], [sflag:$0x1] =	stream.indirect_vreg.gather [hbm4b:s3+s2], $0x80, v3, vm0, $0xb8;
	[tilespmem:$0x10200] =	vst v63  }
0x115: {  	_ =	swait.ge [sflag:s13], $0x8000  }
0x116: {  	[sflag:s13] =	ssyncset.done $0x0  }
0x117: {  	s12 =	rddreg [dreg:$0x4];
	[sflag:s13] =	ssyncadd.s32 $0xFFFF8000  }
0x118: {  	[hbm4b:s12+s2] =	stream.linear.scatter [tilespmem:s0], [sflag:$0x3], $0x8000, $0x38;
	[tilespmem:$0x10200] =	vst v63  }
0x119: {  	_ =	swait.ge [sflag:s5], $0x8000  }
0x11a: {  	[sflag:s5] =	ssyncset.done $0x0  }
0x11b: {  	[sflag:s5] =	ssyncadd.s32 $0xFFFF8000  }
0x11c: {  	v3 =	vld [tilespmem:$0x180];
	_ =	sdelay $0x4  }
0x11d: {  	v56 =	vshll.u32 v3, $0x1  }
0x11e: {  	v3 =	vand.u32 $0x7, v3;
	v4 =	vand.u32 $0xFFFFFFF0, v56  }
0x11f: {  	v3 =	vor.u32 v3, v4  }
0x120: {  	v4 =	vperm.xlane v3, v0;
	_ =	sdelay $0x1  }
0x121: {  	v3 =	vperm.xlane v3, v2;
	v4 =	vadd.s32 v1, v4;
	_ =	sdelay $0x1  }
0x122: {  	v3 =	vadd.s32 v1, v3;
	_ =	sdelay $0x2  }
0x123: {  	[tilespmem:s0], [sflag:$0x2] =	stream.indirect_vreg.gather [hbm4b:s3+s2], $0x80, v4, vm0, $0xb8;
	[tilespmem:$0x10200] =	vst v63  }
0x124: {  	s14 =	simm.s32 $0x8A00  }
0x125: {  	[tilespmem:s14], [sflag:$0x2] =	stream.indirect_vreg.gather [hbm4b:s3+s2], $0x80, v3, vm0, $0xb8;
	[tilespmem:$0x10200] =	vst v63  }
0x126: {  	v3 =	vld [tilespmem:$0x190];
	_ =	sdelay $0x4  }
0x127: {  	v57 =	vshll.u32 v3, $0x1  }
0x128: {  	v3 =	vand.u32 $0x7, v3;
	v4 =	vand.u32 $0xFFFFFFF0, v57  }
0x129: {  	v3 =	vor.u32 v3, v4  }
0x12a: {  	v4 =	vperm.xlane v3, v0;
	_ =	sdelay $0x1  }
0x12b: {  	v3 =	vperm.xlane v3, v2;
	v4 =	vadd.s32 v1, v4;
	_ =	sdelay $0x1  }
0x12c: {  	v3 =	vadd.s32 v1, v3;
	_ =	sdelay $0x2  }
0x12d: {  	[tilespmem:s22], [sflag:$0x2] =	stream.indirect_vreg.gather [hbm4b:s3+s2], $0x80, v4, vm0, $0xb8;
	[tilespmem:$0x10200] =	vst v63  }
0x12e: {  	_ = 	snop  }
0x12f: {  	[tilespmem:s7], [sflag:$0x2] =	stream.indirect_vreg.gather [hbm4b:s3+s2], $0x80, v3, vm0, $0xb8;
	[tilespmem:$0x10200] =	vst v63  }
0x130: {  	v3 =	vld [tilespmem:$0x1A0];
	_ =	sdelay $0x4  }
0x131: {  	v58 =	vshll.u32 v3, $0x1  }
0x132: {  	v3 =	vand.u32 $0x7, v3;
	v4 =	vand.u32 $0xFFFFFFF0, v58  }
0x133: {  	v3 =	vor.u32 v3, v4  }
0x134: {  	v4 =	vperm.xlane v3, v0;
	_ =	sdelay $0x1  }
0x135: {  	v3 =	vperm.xlane v3, v2;
	v4 =	vadd.s32 v1, v4;
	_ =	sdelay $0x1  }
0x136: {  	v3 =	vadd.s32 v1, v3;
	_ =	sdelay $0x2  }
0x137: {  	[tilespmem:s8], [sflag:$0x2] =	stream.indirect_vreg.gather [hbm4b:s3+s2], $0x80, v4, vm0, $0xb8;
	[tilespmem:$0x10200] =	vst v63  }
0x138: {  	_ = 	snop  }
0x139: {  	[tilespmem:s9], [sflag:$0x2] =	stream.indirect_vreg.gather [hbm4b:s3+s2], $0x80, v3, vm0, $0xb8;
	[tilespmem:$0x10200] =	vst v63  }
0x13a: {  	v3 =	vld [tilespmem:$0x1B0];
	_ =	sdelay $0x4  }
0x13b: {  	v59 =	vshll.u32 v3, $0x1  }
0x13c: {  	v3 =	vand.u32 $0x7, v3;
	v4 =	vand.u32 $0xFFFFFFF0, v59  }
0x13d: {  	v3 =	vor.u32 v3, v4  }
0x13e: {  	v4 =	vperm.xlane v3, v0;
	_ =	sdelay $0x1  }
0x13f: {  	v3 =	vperm.xlane v3, v2;
	v4 =	vadd.s32 v1, v4;
	_ =	sdelay $0x1  }
0x140: {  	v3 =	vadd.s32 v1, v3;
	_ =	sdelay $0x2  }
0x141: {  	[tilespmem:s10], [sflag:$0x2] =	stream.indirect_vreg.gather [hbm4b:s3+s2], $0x80, v4, vm0, $0xb8;
	[tilespmem:$0x10200] =	vst v63  }
0x142: {  	_ = 	snop  }
0x143: {  	[tilespmem:s11], [sflag:$0x2] =	stream.indirect_vreg.gather [hbm4b:s3+s2], $0x80, v3, vm0, $0xb8;
	[tilespmem:$0x10200] =	vst v63  }
0x144: {  	v3 =	vld [tilespmem:$0x1C0];
	_ =	sdelay $0x4  }
0x145: {  	v60 =	vshll.u32 v3, $0x1  }
0x146: {  	v3 =	vand.u32 $0x7, v3;
	v4 =	vand.u32 $0xFFFFFFF0, v60  }
0x147: {  	v3 =	vor.u32 v3, v4  }
0x148: {  	v4 =	vperm.xlane v3, v0;
	_ =	sdelay $0x1  }
0x149: {  	v3 =	vperm.xlane v3, v2;
	v4 =	vadd.s32 v1, v4;
	_ =	sdelay $0x1  }
0x14a: {  	v3 =	vadd.s32 v1, v3;
	_ =	sdelay $0x2  }
0x14b: {  	[tilespmem:s6], [sflag:$0x2] =	stream.indirect_vreg.gather [hbm4b:s3+s2], $0x80, v4, vm0, $0xb8;
	[tilespmem:$0x10200] =	vst v63  }
0x14c: {  	s14 =	simm.s32 $0xCA00  }
0x14d: {  	[tilespmem:s14], [sflag:$0x2] =	stream.indirect_vreg.gather [hbm4b:s3+s2], $0x80, v3, vm0, $0xb8;
	[tilespmem:$0x10200] =	vst v63  }
0x14e: {  	v3 =	vld [tilespmem:$0x1D0];
	_ =	sdelay $0x4  }
0x14f: {  	v61 =	vshll.u32 v3, $0x1  }
0x150: {  	v3 =	vand.u32 $0x7, v3;
	v4 =	vand.u32 $0xFFFFFFF0, v61  }
0x151: {  	v3 =	vor.u32 v3, v4  }
0x152: {  	v4 =	vperm.xlane v3, v0;
	_ =	sdelay $0x1  }
0x153: {  	v3 =	vperm.xlane v3, v2;
	v4 =	vadd.s32 v1, v4;
	_ =	sdelay $0x1  }
0x154: {  	v3 =	vadd.s32 v1, v3;
	_ =	sdelay $0x1  }
0x155: {  	s12 =	simm.s32 $0xD200  }
0x156: {  	[tilespmem:s12], [sflag:$0x2] =	stream.indirect_vreg.gather [hbm4b:s3+s2], $0x80, v4, vm0, $0xb8;
	[tilespmem:$0x10200] =	vst v63  }
0x157: {  	s14 =	simm.s32 $0xDA00  }
0x158: {  	[tilespmem:s14], [sflag:$0x2] =	stream.indirect_vreg.gather [hbm4b:s3+s2], $0x80, v3, vm0, $0xb8;
	[tilespmem:$0x10200] =	vst v63  }
0x159: {  	v3 =	vld [tilespmem:$0x1E0];
	_ =	sdelay $0x4  }
0x15a: {  	v62 =	vshll.u32 v3, $0x1  }
0x15b: {  	v3 =	vand.u32 $0x7, v3;
	v4 =	vand.u32 $0xFFFFFFF0, v62  }
0x15c: {  	v3 =	vor.u32 v3, v4  }
0x15d: {  	v4 =	vperm.xlane v3, v0;
	_ =	sdelay $0x1  }
0x15e: {  	v3 =	vperm.xlane v3, v2;
	v4 =	vadd.s32 v1, v4;
	_ =	sdelay $0x1  }
0x15f: {  	v3 =	vadd.s32 v1, v3;
	_ =	sdelay $0x1  }
0x160: {  	s12 =	simm.s32 $0xE200  }
0x161: {  	[tilespmem:s12], [sflag:$0x2] =	stream.indirect_vreg.gather [hbm4b:s3+s2], $0x80, v4, vm0, $0xb8;
	[tilespmem:$0x10200] =	vst v63  }
0x162: {  	s14 =	simm.s32 $0xEA00  }
0x163: {  	[tilespmem:s14], [sflag:$0x2] =	stream.indirect_vreg.gather [hbm4b:s3+s2], $0x80, v3, vm0, $0xb8;
	[tilespmem:$0x10200] =	vst v63  }
0x164: {  	v3 =	vld [tilespmem:$0x1F0];
	_ =	sdelay $0x4  }
0x165: {  	v63 =	vshll.u32 v3, $0x1  }
0x166: {  	v3 =	vand.u32 $0x7, v3;
	v4 =	vand.u32 $0xFFFFFFF0, v63  }
0x167: {  	v3 =	vor.u32 v3, v4  }
0x168: {  	v4 =	vperm.xlane v3, v0;
	_ =	sdelay $0x1  }
0x169: {  	v3 =	vperm.xlane v3, v2;
	v4 =	vadd.s32 v1, v4;
	_ =	sdelay $0x1  }
0x16a: {  	v3 =	vadd.s32 v1, v3;
	_ =	sdelay $0x1  }
0x16b: {  	s12 =	simm.s32 $0xF200  }
0x16c: {  	[tilespmem:s12], [sflag:$0x2] =	stream.indirect_vreg.gather [hbm4b:s3+s2], $0x80, v4, vm0, $0xb8;
	[tilespmem:$0x10200] =	vst v63  }
0x16d: {  	s14 =	simm.s32 $0xFA00  }
0x16e: {  	[tilespmem:s14], [sflag:$0x2] =	stream.indirect_vreg.gather [hbm4b:s3+s2], $0x80, v3, vm0, $0xb8;
	[tilespmem:$0x10200] =	vst v63  }
0x16f: {  	_ =	swait.ge [sflag:s1], $0x8000  }
0x170: {  	[sflag:s1] =	ssyncset.done $0x0  }
0x171: {  	s12 =	simm.s32 $0x200;
	s6 =	rddreg [dreg:$0x5];
	[sflag:s1] =	ssyncadd.s32 $0xFFFF8000  }
0x172: {  	[hbm4b:s6+s2] =	stream.linear.scatter [tilespmem:s12], [sflag:$0x3], $0x8000, $0x38;
	[tilespmem:$0x10200] =	vst v63  }
0x173: {  	_ =	swait.ge [sflag:s5], $0x8000  }
0x174: {  	[sflag:s5] =	ssyncset.done $0x0  }
0x175: {  	[sflag:s5] =	ssyncadd.s32 $0xFFFF8000  }
0x176: {  	_ =	swait.ge [sflag:s13], $0x8000  }
0x177: {  	p0 =	sne.s32 s4, $0x1;
	[sflag:s13] =	ssyncset.done $0x0  }
.Ltmp0:
0x178: {  	s12 =	rddreg [dreg:$0x6];
	[sflag:s13] =	ssyncadd.s32 $0xFFFF8000;
	(pc) =	sbr.rel @p0 .LBB2_1-.Ltmp0, $4  }
0x179: {  	[hbm4b:s12+s2] =	stream.linear.scatter [tilespmem:s0], [sflag:$0x3], $0x8000, $0x38;
	[tilespmem:$0x10200] =	vst v63  }
0x17a: {  	_ =	swait.ge [sflag:s5], $0x8000  }
0x17b: {  	[sflag:s5] =	ssyncset.done $0x0  }
0x17c: {  	s4 =	sadd.s32 $0xFFFFFFFF, s4;
	[sflag:s5] =	ssyncadd.s32 $0xFFFF8000  }
0x17d: {  	_ =	sfence.sel $0x180000  }
0x17e: {  	[bflag:$0x0] =	sbarrier.arrive $0xFFFF  }
0x17f: {  	_ =	strace $0x9000004A  }
0x180: {  	s0 =	stileid.u32;
	[bflag:$0x2] =	sbarrier.arrive $0xFFFF  }
0x181: {  	p0 =	sne.s32 s0, $0x0;
	s0 =	rddreg [dreg:$0x1]  }
0x182: {  	s0 =	sadd.s32 @!p0 $0x100000, s0  }
0x183: {  	[sflag:s0] =	ssyncadd.tile.s32 @!p0 $0x1;
	_ =	shalt  }
.Lfunc_end2:
_tile_overlayer_lowered:
.L_overlay_start_2:
0x184: {  	(tag) =	ssettag $0x2  }
0x185: {  	s0 =	rddreg [dreg:$0x0];
	s2 =	stileid.u32  }
0x186: {  	s1 =	rddreg [dreg:$0x1];
	p0 =	sne.s32 s2, $0x0  }
0x187: {  	s3 =	rddreg [dreg:$0x2];
	[bflag:$0x3] =	sbarrier.arrive $0xFFFF;
	s2 =	simm.s32 @!p0 $0x1C03  }
0x188: {  	[timem:s3], [sflag:s2] =	dma.local @!p0 [hbm:s0], s1  }
0x189: {  	s0 =	simm.s32 @!p0 $0x3  }
0x18a: {  	_ =	swait.ge @!p0 [sflag:s0], s1  }
0x18b: {  	s1 =	ssub.s32 @!p0 $0x0, s1;
	[sflag:s0] =	ssyncset.done @!p0 $0x0  }
0x18c: {  	[sflag:s0] =	ssyncadd.s32 @!p0 s1  }
0x18d: {  	[bflag:$0x3] =	sbarrier.arrive $0xFFFF  }
0x18e: {  	_ =	shalt  }

// kernel: kernel.8.cloned.1.call-start
scs
__scs_entry_jumppad:
0x0: {  	(pc) =	sbr.rel $0x88, $3  }
0x1: {  	(tag) =	ssettag $0x0;
	lr =	simm.s32 $0x1  }
0x2: {  	[smem:$0x3F92] =	sst lr;
	_ =	strace $0xD0000000  }
0x3: {  	_ = 	snop  }
0x4: {  	_ = 	snop  }
0x5: {  	_ = 	snop  }
0x6: {  	_ = 	snop  }
0x7: {  	_ = 	snop  }
__scs_overlays_trampoline_lowered:
0x8: {  	[smem:$0x3FA1] =	sst s0  }
0x9: {  	[smem:$0x3FA2] =	sst s1  }
0xa: {  	[smem:$0x3FA3] =	sst s2  }
0xb: {  	[smem:$0x3FA4] =	sst s3  }
0xc: {  	[smem:$0x3FA5] =	sst s4  }
0xd: {  	[smem:$0x3FA6] =	sst s5  }
0xe: {  	[smem:$0x3FA7] =	sst s6  }
0xf: {  	[smem:$0x3FA8] =	sst s7  }
0x10: {  	[smem:$0x3FA9] =	sst s8  }
0x11: {  	[smem:$0x3FAA] =	sst s9;
	s0 =	simm.s32 @!p0 $0x0  }
0x12: {  	s1 =	sld [smem:$0x3F90];
	s0 =	simm.s32 @p0 $0x1  }
0x13: {  	[smem:$0x3FAB] =	sst s0;
	s0 =	simm.s32 @!p1 $0x0  }
0x14: {  	s2 =	sld [smem:$0x3F8F];
	s0 =	simm.s32 @p1 $0x1  }
0x15: {  	[smem:$0x3FAC] =	sst s0;
	s0 =	simm.s32 @!p2 $0x0  }
0x16: {  	s3 =	sld [smem:$0x3FDB];
	s0 =	simm.s32 @p2 $0x1  }
0x17: {  	s4 =	simm.s32 $0x1BF5;
	[smem:$0x3FAE] =	sst s0  }
0x18: {  	s0 =	sld [smem:$0x3F91];
	_ =	swait.ge [sflag:s4], $0x0  }
0x19: {  	s7 =	sld [smem:$0x3F92]  }
0x1a: {  	s8 =	sadd.s32 $0xFFFFE003, lr  }
0x1b: {  	s9 =	sadd.s32 $0xFFFFFEF7, lr;
	s5 =	simm.s32 $0xFFFFFFFF;
	p2 =	slt.u32 s8, $0xFFFFF086  }
0x1c: {  	p1 =	slt.u32 s9, $0xF7A;
	s5 =	simm.s32 @!p2 $0x0  }
0x1d: {  	s5 =	simm.s32 @p1 $0x1;
	p0 =	seq.s32 s7, s2  }
0x1e: {  	s7 =	smul.u32 @!p0 $0xF7A, s2;
	p2 =	seq.s32 @!p0 s5, $0x0  }
0x1f: {  	s9 =	smul.u32 $0xF7A, s1;
	s8 =	simm.s32 @!p0 $0x1BF5;
	p2 =	por !p2, p0  }
0x20: {  	[sflag:s8] =	ssyncset.s32 @!p0 $0xFFFFF086;
	s6 =	sadd.s32 @!p0 s3, s7;
	s7 =	simm.s32 @!p0 $0x108  }
0x21: {  	s3 =	sadd.s32 s3, s9;
	s6 =	sadd.s32 @!p0 $0x88, s6;
	s7 =	simm.s32 @p2 $0x1082  }
0x22: {  	[simem:s7], [sflag:s8] =	dma.local @!p0 [hbm:s6], $0xF7A  }
0x23: {  	s9 =	sor.u32 $0xD0000000, s2;
	s6 =	simm.s32 $0x108;
	_ =	swait.ge @!p0 [sflag:s8], $0x0  }
0x24: {  	s3 =	sadd.s32 $0x88, s3;
	s6 =	simm.s32 @!p1 $0x1082;
	[sflag:s4] =	ssyncset.s32 $0xFFFFF086  }
0x25: {  	[simem:s6], [sflag:s4] =	dma.local [hbm:s3], $0xF7A  }
0x26: {  	[smem:$0x3F92] =	sst s1;
	(tag) =	ssettag s2;
	_ =	strace s9  }
0x27: {  	s1 =	sld [smem:$0x3FA2]  }
0x28: {  	s2 =	sld [smem:$0x3FA3]  }
0x29: {  	s4 =	sld [smem:$0x3FA5]  }
0x2a: {  	p0 =	seq.s32 s5, $0x0;
	s5 =	sld [smem:$0x3FA6]  }
0x2b: {  	s6 =	sld [smem:$0x3FA7]  }
0x2c: {  	s7 =	sld [smem:$0x3FA8]  }
0x2d: {  	s3 =	simm.s32 $0x108;
	s8 =	sld [smem:$0x3FA9]  }
0x2e: {  	s3 =	simm.s32 @!p0 $0x1082;
	s9 =	sld [smem:$0x3FAA]  }
0x2f: {  	lr =	sadd.s32 s0, s3;
	s0 =	sld [smem:$0x3FA1]  }
0x30: {  	s3 =	sld [smem:$0x3FA4]  }
0x31: {  	[smem:$0x3FAD] =	sst s10  }
0x32: {  	s10 =	sld [smem:$0x3FAB];
	_ =	sdelay $0x3  }
0x33: {  	p0 =	seq.s32 s10, $0x1;
	s10 =	sld [smem:$0x3FAD];
	_ =	sdelay $0x3  }
0x34: {  	[smem:$0x3FAD] =	sst s10  }
0x35: {  	s10 =	sld [smem:$0x3FAC];
	_ =	sdelay $0x3  }
0x36: {  	p1 =	seq.s32 s10, $0x1;
	s10 =	sld [smem:$0x3FAD];
	_ =	sdelay $0x3  }
0x37: {  	[smem:$0x3FAD] =	sst s10  }
0x38: {  	s10 =	sld [smem:$0x3FAE]  }
0x39: {  	_ = 	snop;
	(pc) =	sbr.ind lr, $3  }
0x3a: {  	_ = 	snop  }
0x3b: {  	_ = 	snop  }
0x3c: {  	p2 =	seq.s32 s10, $0x1;
	s10 =	sld [smem:$0x3FAD]  }
0x3d: {  	_ =	shalt  }
0x3e: {  	_ =	shalt  }
0x3f: {  	_ =	shalt  }
0x40: {  	_ =	shalt  }
0x41: {  	_ =	shalt  }
0x42: {  	_ =	shalt  }
0x43: {  	_ =	shalt  }
0x44: {  	_ =	shalt  }
0x45: {  	_ =	shalt  }
0x46: {  	_ =	shalt  }
0x47: {  	_ =	shalt  }
0x48: {  	_ =	shalt  }
0x49: {  	_ =	shalt  }
0x4a: {  	_ =	shalt  }
0x4b: {  	_ =	shalt  }
0x4c: {  	_ =	shalt  }
0x4d: {  	_ =	shalt  }
0x4e: {  	_ =	shalt  }
0x4f: {  	_ =	shalt  }
0x50: {  	_ =	shalt  }
0x51: {  	_ =	shalt  }
0x52: {  	_ =	shalt  }
0x53: {  	_ =	shalt  }
0x54: {  	_ =	shalt  }
0x55: {  	_ =	shalt  }
0x56: {  	_ =	shalt  }
0x57: {  	_ =	shalt  }
0x58: {  	_ =	shalt  }
0x59: {  	_ =	shalt  }
0x5a: {  	_ =	shalt  }
0x5b: {  	_ =	shalt  }
0x5c: {  	_ =	shalt  }
0x5d: {  	_ =	shalt  }
0x5e: {  	_ =	shalt  }
0x5f: {  	_ =	shalt  }
0x60: {  	_ =	shalt  }
0x61: {  	_ =	shalt  }
0x62: {  	_ =	shalt  }
0x63: {  	_ =	shalt  }
0x64: {  	_ =	shalt  }
0x65: {  	_ =	shalt  }
0x66: {  	_ =	shalt  }
0x67: {  	_ =	shalt  }
0x68: {  	_ =	shalt  }
0x69: {  	_ =	shalt  }
0x6a: {  	_ =	shalt  }
0x6b: {  	_ =	shalt  }
0x6c: {  	_ =	shalt  }
0x6d: {  	_ =	shalt  }
0x6e: {  	_ =	shalt  }
0x6f: {  	_ =	shalt  }
0x70: {  	_ =	shalt  }
0x71: {  	_ =	shalt  }
0x72: {  	_ =	shalt  }
0x73: {  	_ =	shalt  }
0x74: {  	_ =	shalt  }
0x75: {  	_ =	shalt  }
0x76: {  	_ =	shalt  }
0x77: {  	_ =	shalt  }
0x78: {  	_ =	shalt  }
0x79: {  	_ =	shalt  }
0x7a: {  	_ =	shalt  }
0x7b: {  	_ =	shalt  }
0x7c: {  	_ =	shalt  }
0x7d: {  	_ =	shalt  }
0x7e: {  	_ =	shalt  }
0x7f: {  	_ =	shalt  }
0x80: {  	_ =	shalt  }
0x81: {  	_ =	shalt  }
0x82: {  	_ =	shalt  }
0x83: {  	_ =	shalt  }
0x84: {  	_ =	shalt  }
0x85: {  	_ =	shalt  }
0x86: {  	_ =	shalt  }
0x87: {  	_ =	shalt  }
.Lfunc_end0:
.L_simem_size_0:
called_computation_lowered:
.L_overlay_start_0:
0x88: {  	s2 =	sld [smem:$0x3FD9]  }
0x89: {  	s3 =	sld [smem:$0x3FFE];
	_ =	sdelay $0x1  }
0x8a: {  	s1 =	srdreg.scid  }
0x8b: {  	s0 =	sand.u32 $0x1, s1  }
0x8c: {  	s16 =	sshll.u32 s0, $0xA;
	s2 =	sadd.s32 s3, s2  }
0x8d: {  	s2 =	sadd.s32 s2, s16  }
0x8e: {  	[smem:$0x3FB9] =	sst s2  }
0x8f: {  	_ = 	snop  }
0x90: {  	(tm) =	ssettm $0x1  }
0x91: {  	s17 =	sld [smem:$0x3FFB];
	_ =	sdelay $0x3  }
0x92: {  	_ =	strace s17  }
0x93: {  	s2 =	sld [smem:$0x3FFC];
	_ =	sdelay $0x3  }
0x94: {  	_ =	strace s2  }
0x95: {  	s2 =	sld [smem:$0x3FFD];
	_ =	sdelay $0x3  }
0x96: {  	_ =	strace s2  }
0x97: {  	_ =	strace $0x8FFFFFFF  }
0x98: {  	s18 =	sld [smem:$0x3FDB];
	_ =	sdelay $0x1  }
0x99: {  	s19 =	simm.s32 $_scs_section_size  }
0x9a: {  	s4 =	simm.s32 $_size__tile_overlayer_lowered;
	s5 =	simm.s32 $_tile_overlayer_lowered  }
0x9b: {  	s22 =	simm.s32 $0x1BFF;
	s21 =	sshll.u32 s5, $0x1;
	s2 =	sadd.s32 s19, s18  }
0x9c: {  	s6 =	simm.s32 $0x0;
	s20 =	sshll.u32 s4, $0x1;
	s4 =	sadd.s32 s21, s2  }
0x9d: {  	[timem:s6], [sflag:s22] =	dma.local [hbm:s4], s20  }
0x9e: {  	_ =	swait.ge [sflag:s22], s20  }
0x9f: {  	s3 =	ssub.s32 $0x0, s20;
	[sflag:s22] =	ssyncset.done $0x0  }
0xa0: {  	[sflag:s22] =	ssyncadd.s32 s3;
	_ =	sdelay $0x1  }
0xa1: {  	s23 =	simm.s32 $0x1B8B  }
0xa2: {  	_ =	swait.ge [sflag:s23], $0x1  }
0xa3: {  	[sflag:s23] =	ssyncset.done $0x0  }
0xa4: {  	s25 =	simm.s32 $0x1B8E;
	s24 =	sld [smem:$0x3FFE];
	[sflag:s23] =	ssyncadd.s32 $0xFFFFFFFF  }
0xa5: {  	s26 =	simm.s32 $execute0_lowered;
	[smem:$0x3FD2] =	sst s25  }
0xa6: {  	s4 =	sshll.u32 s26, $0x1;
	_ =	strace $0x80000046;
	[dreg:$0x1] =	wrdreg $0xFFFFFFFF  }
0xa7: {  	s28 =	simm.s32 $_size_execute0_lowered;
	s2 =	sadd.s32 s2, s4;
	[dreg:$0x0] =	wrdreg $0x0  }
0xa8: {  	s4 =	sshll.u32 s28, $0x1;
	[dreg:$0x2] =	wrdreg s2  }
0xa9: {  	[dreg:$0x3] =	wrdreg s4  }
0xaa: {  	[dreg:$0x4] =	wrdreg $0xC0  }
0xab: {  	_ =	task [dreg:s6], $0x5FFFF  }
0xac: {  	[dreg:$0x1] =	wrdreg $0xFFFFFFFF  }
0xad: {  	[dreg:$0x0] =	wrdreg $0x60  }
0xae: {  	[dreg:$0x2] =	wrdreg s24  }
0xaf: {  	[dreg:$0x3] =	wrdreg $0x9  }
0xb0: {  	_ =	task.clear_ibuf [dreg:s6], $0x4FFFF;
	_ =	strace $0x90000046  }
0xb1: {  	s29 =	simm.s32 $0x9;
	_ =	strace $0x80000048  }
0xb2: {  	_ =	swait.ge [sflag:s29], $0x1  }
0xb3: {  	[sflag:s29] =	ssyncadd.s32 $0xFFFFFFFF  }
0xb4: {  	_ =	strace $0x90000048  }
0xb5: {  	_ =	sfence  }
0xb6: {  	s30 =	sld [smem:$0x0];
	_ =	sdelay $0x2  }
0xb7: {  	s31 =	sshll.u32 s1, $0xD;
	s1 =	sshrl.u32 s1, $0x2  }
0xb8: {  	s3 =	sand.u32 $0x4000, s31;
	s1 =	sadd.s32 s1, s30  }
0xb9: {  	s0 =	sor.u32 s3, s0;
	s1 =	sshll.u32 s1, $0x11  }
0xba: {  	s0 =	sor.u32 s1, s0  }
0xbb: {  	s0 =	sadd.s32 $0x8F2B, s0  }
0xbc: {  	[sflag:s0] =	ssyncadd.remote.s32 $0x1  }
0xbd: {  	_ =	sfence.sel $0xFFFF  }
0xbe: {  	[dreg:$0x0] =	wrdreg $0xFFFFFFFF;
	(pc) =	sbr.abs _section_cstart, $3  }
0xbf: {  	[dreg:$0x1] =	wrdreg $0xFFFFFFFF  }
0xc0: {  	_ =	task.clear_ibuf [dreg:s6], $0x2FFFF;
	_ =	strace $0x9FFFFFFF  }
0xc1: {  	(tm) =	ssettm $0x7FFFFFFF  }
tec
execute0_lowered:
.L_overlay_start_1:
0x0: {  	(tag) =	ssettag $0x1  }
0x1: {  	s0 =	srdreg.scid  }
0x2: {  	s1 =	stileid.u32;
	s3 =	rddreg [dreg:$0x0]  }
0x3: {  	s2 =	simm.s32 $0x0;
	s23 =	simm.s32 $0x80;
	s25 =	simm.s32 $0x100  }
0x4: {  	s26 =	simm.s32 $0x180;
	s12 =	simm.s32 $0x1;
	s15 =	simm.s32 $0x1A00  }
0x5: {  	s16 =	simm.s32 $0x2200;
	s17 =	simm.s32 $0x2A00;
	s18 =	simm.s32 $0x3200  }
0x6: {  	s19 =	simm.s32 $0x3A00;
	s20 =	simm.s32 $0x4200;
	s28 =	simm.s32 $0x7A00  }
0x7: {  	s29 =	simm.s32 $0x8200;
	s30 =	simm.s32 $0x8A00;
	s31 =	simm.s32 $0x9200  }
0x8: {  	s7 =	simm.s32 $0xAA00;
	s8 =	simm.s32 $0xB200;
	s9 =	simm.s32 $0xBA00  }
0x9: {  	s10 =	simm.s32 $0xC200;
	s0 =	sand.u32 $0x1, s0;
	[smem:$0x7FF] =	sst s2  }
0xa: {  	s1 =	sshll.u32 s1, $0x1;
	_ =	strace $0x80000047;
	[dreg:$0x7] =	wrdreg s23  }
0xb: {  	s11 =	simm.s32 $0xCA00;
	s1 =	sor.u32 s0, s1;
	[dreg:$0x8] =	wrdreg s25  }
0xc: {  	s0 =	ssub.s32 $0x2, s0;
	[dreg:$0x9] =	wrdreg s26;
	s4 =	sshll.u32 s1, $0x6  }
0xd: {  	s23 =	simm.s32 $0x5A00;
	s25 =	simm.s32 $0x6A00;
	s4 =	sadd.s32 s4, s3  }
0xe: {  	s26 =	simm.s32 $0x7200;
	s1 =	sshll.u32 s1, $0xD;
	s5 =	sadd.s32 $0x42000, s4  }
0xf: {  	s24 =	sshrl.u32 s0, $0x1;
	s21 =	sadd.s32 $0x42010, s4;
	[dreg:$0x2] =	wrdreg s5  }
0x10: {  	s1 =	sadd.s32 s1, s3;
	s22 =	sadd.s32 $0x42020, s4;
	[dreg:$0x3] =	wrdreg s21  }
0x11: {  	s3 =	sadd.s32 $0x42800, s3;
	s4 =	sadd.s32 $0x42030, s4;
	[dreg:$0x4] =	wrdreg s22  }
0x12: {  	v2 =	vlaneseq.u32;
	s0 =	ssub.s32 s0, s24;
	s1 =	sadd.s32 $0x2000, s1;
	[dreg:$0x5] =	wrdreg s4  }
0x13: {  	vm0 =	vmmov $0xffff;
	v1 =	vshrl.u32 v2, $0x3;
	s24 =	simm.s32 $0x6200;
	[dreg:$0x6] =	wrdreg s1;
	s4 =	smax.u32 s0, $0x1  }
0x14: {  	v0 =	vand.u32 $0x7, v2;
	v2 =	vor.u32 $0x8, v2;
	v1 =	vmul.u32 $0x8, v1;
	s5 =	simm.s32 $0x2;
	s21 =	simm.s32 $0x4A00;
	s22 =	simm.s32 $0x5200  }
.LBB2_1:
0x15: {  	s13 =	rddreg [dreg:$0x2]  }
0x16: {  	[tilespmem:s2], [sflag:$0x2] =	stream.linear.gather [hbm4b:s13+s2], $0x80, $0x38;
	[tilespmem:$0x10200] =	vst v63  }
0x17: {  	_ =	swait.ge [sflag:s5], $0x80  }
0x18: {  	s0 =	rddreg [dreg:$0x3];
	[sflag:s5] =	ssyncset.done $0x0  }
0x19: {  	s14 =	rddreg [dreg:$0x7];
	[sflag:s5] =	ssyncadd.s32 $0xFFFFFF80  }
0x1a: {  	[tilespmem:s14], [sflag:$0x2] =	stream.linear.gather [hbm4b:s0+s2], $0x80, $0x38;
	[tilespmem:$0x10200] =	vst v63  }
0x1b: {  	_ =	swait.ge [sflag:s5], $0x80  }
0x1c: {  	s1 =	rddreg [dreg:$0x4];
	[sflag:s5] =	ssyncset.done $0x0  }
0x1d: {  	s6 =	rddreg [dreg:$0x8];
	[sflag:s5] =	ssyncadd.s32 $0xFFFFFF80  }
0x1e: {  	[tilespmem:s6], [sflag:$0x2] =	stream.linear.gather [hbm4b:s1+s2], $0x80, $0x38;
	[tilespmem:$0x10200] =	vst v63  }
0x1f: {  	_ =	swait.ge [sflag:s5], $0x80  }
0x20: {  	s0 =	rddreg [dreg:$0x5];
	[sflag:s5] =	ssyncset.done $0x0  }
0x21: {  	s1 =	rddreg [dreg:$0x9];
	[sflag:s5] =	ssyncadd.s32 $0xFFFFFF80  }
0x22: {  	[tilespmem:s1], [sflag:$0x2] =	stream.linear.gather [hbm4b:s0+s2], $0x80, $0x38;
	[tilespmem:$0x10200] =	vst v63  }
0x23: {  	_ =	swait.ge [sflag:s5], $0x80  }
0x24: {  	[sflag:s5] =	ssyncset.done $0x0  }
0x25: {  	s0 =	simm.s32 $0x200;
	s6 =	rddreg [dreg:$0x6];
	[sflag:s5] =	ssyncadd.s32 $0xFFFFFF80  }
0x26: {  	[tilespmem:s0], [sflag:$0x2] =	stream.linear.gather [hbm4b:s6+s2], $0x10000, $0x38;
	[tilespmem:$0x10200] =	vst v63  }
0x27: {  	_ =	swait.ge [sflag:s5], $0x10000  }
0x28: {  	[sflag:s5] =	ssyncset.done $0x0  }
0x29: {  	[sflag:s5] =	ssyncadd.s32 $0xFFFF0000  }
0x2a: {  	v3 =	vld [tilespmem:$0x0];
	_ =	sdelay $0x4  }
0x2b: {  	v4 =	vshll.u32 v3, $0x1  }
0x2c: {  	v3 =	vand.u32 $0x7, v3;
	v4 =	vand.u32 $0xFFFFFFF0, v4  }
0x2d: {  	v3 =	vor.u32 v3, v4  }
0x2e: {  	v4 =	vperm.xlane v3, v0;
	_ =	sdelay $0x1  }
0x2f: {  	v3 =	vperm.xlane v3, v2;
	v4 =	vadd.s32 v1, v4;
	_ =	sdelay $0x1  }
0x30: {  	v3 =	vadd.s32 v1, v3;
	_ =	sdelay $0x2  }
0x31: {  	[hbm4b:s3+s2] =	stream.indirect_vreg.scatter [tilespmem:s0], [sflag:$0x1], $0x80, v4, vm0, $0xb8;
	[tilespmem:$0x10200] =	vst v63  }
0x32: {  	s13 =	simm.s32 $0xA00  }
0x33: {  	[hbm4b:s3+s2] =	stream.indirect_vreg.scatter [tilespmem:s13], [sflag:$0x1], $0x80, v3, vm0, $0xb8;
	[tilespmem:$0x10200] =	vst v63  }
0x34: {  	v3 =	vld [tilespmem:$0x10];
	_ =	sdelay $0x4  }
0x35: {  	v33 =	vshll.u32 v3, $0x1  }
0x36: {  	v3 =	vand.u32 $0x7, v3;
	v4 =	vand.u32 $0xFFFFFFF0, v33  }
0x37: {  	v3 =	vor.u32 v3, v4  }
0x38: {  	v4 =	vperm.xlane v3, v0;
	_ =	sdelay $0x1  }
0x39: {  	v3 =	vperm.xlane v3, v2;
	v4 =	vadd.s32 v1, v4;
	_ =	sdelay $0x1  }
0x3a: {  	v3 =	vadd.s32 v1, v3;
	_ =	sdelay $0x1  }
0x3b: {  	s14 =	simm.s32 $0x1200  }
0x3c: {  	[hbm4b:s3+s2] =	stream.indirect_vreg.scatter [tilespmem:s14], [sflag:$0x1], $0x80, v4, vm0, $0xb8;
	[tilespmem:$0x10200] =	vst v63  }
0x3d: {  	_ = 	snop  }
0x3e: {  	[hbm4b:s3+s2] =	stream.indirect_vreg.scatter [tilespmem:s15], [sflag:$0x1], $0x80, v3, vm0, $0xb8;
	[tilespmem:$0x10200] =	vst v63  }
0x3f: {  	v3 =	vld [tilespmem:$0x20];
	_ =	sdelay $0x4  }
0x40: {  	v34 =	vshll.u32 v3, $0x1  }
0x41: {  	v3 =	vand.u32 $0x7, v3;
	v4 =	vand.u32 $0xFFFFFFF0, v34  }
0x42: {  	v3 =	vor.u32 v3, v4  }
0x43: {  	v4 =	vperm.xlane v3, v0;
	_ =	sdelay $0x1  }
0x44: {  	v3 =	vperm.xlane v3, v2;
	v4 =	vadd.s32 v1, v4;
	_ =	sdelay $0x1  }
0x45: {  	v3 =	vadd.s32 v1, v3;
	_ =	sdelay $0x2  }
0x46: {  	[hbm4b:s3+s2] =	stream.indirect_vreg.scatter [tilespmem:s16], [sflag:$0x1], $0x80, v4, vm0, $0xb8;
	[tilespmem:$0x10200] =	vst v63  }
0x47: {  	_ = 	snop  }
0x48: {  	[hbm4b:s3+s2] =	stream.indirect_vreg.scatter [tilespmem:s17], [sflag:$0x1], $0x80, v3, vm0, $0xb8;
	[tilespmem:$0x10200] =	vst v63  }
0x49: {  	v3 =	vld [tilespmem:$0x30];
	_ =	sdelay $0x4  }
0x4a: {  	v35 =	vshll.u32 v3, $0x1  }
0x4b: {  	v3 =	vand.u32 $0x7, v3;
	v4 =	vand.u32 $0xFFFFFFF0, v35  }
0x4c: {  	v3 =	vor.u32 v3, v4  }
0x4d: {  	v4 =	vperm.xlane v3, v0;
	_ =	sdelay $0x1  }
0x4e: {  	v3 =	vperm.xlane v3, v2;
	v4 =	vadd.s32 v1, v4;
	_ =	sdelay $0x1  }
0x4f: {  	v3 =	vadd.s32 v1, v3;
	_ =	sdelay $0x2  }
0x50: {  	[hbm4b:s3+s2] =	stream.indirect_vreg.scatter [tilespmem:s18], [sflag:$0x1], $0x80, v4, vm0, $0xb8;
	[tilespmem:$0x10200] =	vst v63  }
0x51: {  	_ = 	snop  }
0x52: {  	[hbm4b:s3+s2] =	stream.indirect_vreg.scatter [tilespmem:s19], [sflag:$0x1], $0x80, v3, vm0, $0xb8;
	[tilespmem:$0x10200] =	vst v63  }
0x53: {  	v3 =	vld [tilespmem:$0x40];
	_ =	sdelay $0x4  }
0x54: {  	v36 =	vshll.u32 v3, $0x1  }
0x55: {  	v3 =	vand.u32 $0x7, v3;
	v4 =	vand.u32 $0xFFFFFFF0, v36  }
0x56: {  	v3 =	vor.u32 v3, v4  }
0x57: {  	v4 =	vperm.xlane v3, v0;
	_ =	sdelay $0x1  }
0x58: {  	v3 =	vperm.xlane v3, v2;
	v4 =	vadd.s32 v1, v4;
	_ =	sdelay $0x1  }
0x59: {  	v3 =	vadd.s32 v1, v3;
	_ =	sdelay $0x2  }
0x5a: {  	[hbm4b:s3+s2] =	stream.indirect_vreg.scatter [tilespmem:s20], [sflag:$0x1], $0x80, v4, vm0, $0xb8;
	[tilespmem:$0x10200] =	vst v63  }
0x5b: {  	_ = 	snop  }
0x5c: {  	[hbm4b:s3+s2] =	stream.indirect_vreg.scatter [tilespmem:s21], [sflag:$0x1], $0x80, v3, vm0, $0xb8;
	[tilespmem:$0x10200] =	vst v63  }
0x5d: {  	v3 =	vld [tilespmem:$0x50];
	_ =	sdelay $0x4  }
0x5e: {  	v37 =	vshll.u32 v3, $0x1  }
0x5f: {  	v3 =	vand.u32 $0x7, v3;
	v4 =	vand.u32 $0xFFFFFFF0, v37  }
0x60: {  	v3 =	vor.u32 v3, v4  }
0x61: {  	v4 =	vperm.xlane v3, v0;
	_ =	sdelay $0x1  }
0x62: {  	v3 =	vperm.xlane v3, v2;
	v4 =	vadd.s32 v1, v4;
	_ =	sdelay $0x1  }
0x63: {  	v3 =	vadd.s32 v1, v3;
	_ =	sdelay $0x2  }
0x64: {  	[hbm4b:s3+s2] =	stream.indirect_vreg.scatter [tilespmem:s22], [sflag:$0x1], $0x80, v4, vm0, $0xb8;
	[tilespmem:$0x10200] =	vst v63  }
0x65: {  	_ = 	snop  }
0x66: {  	[hbm4b:s3+s2] =	stream.indirect_vreg.scatter [tilespmem:s23], [sflag:$0x1], $0x80, v3, vm0, $0xb8;
	[tilespmem:$0x10200] =	vst v63  }
0x67: {  	v3 =	vld [tilespmem:$0x60];
	_ =	sdelay $0x4  }
0x68: {  	v38 =	vshll.u32 v3, $0x1  }
0x69: {  	v3 =	vand.u32 $0x7, v3;
	v4 =	vand.u32 $0xFFFFFFF0, v38  }
0x6a: {  	v3 =	vor.u32 v3, v4  }
0x6b: {  	v4 =	vperm.xlane v3, v0;
	_ =	sdelay $0x1  }
0x6c: {  	v3 =	vperm.xlane v3, v2;
	v4 =	vadd.s32 v1, v4;
	_ =	sdelay $0x1  }
0x6d: {  	v3 =	vadd.s32 v1, v3;
	_ =	sdelay $0x2  }
0x6e: {  	[hbm4b:s3+s2] =	stream.indirect_vreg.scatter [tilespmem:s24], [sflag:$0x1], $0x80, v4, vm0, $0xb8;
	[tilespmem:$0x10200] =	vst v63  }
0x6f: {  	_ = 	snop  }
0x70: {  	[hbm4b:s3+s2] =	stream.indirect_vreg.scatter [tilespmem:s25], [sflag:$0x1], $0x80, v3, vm0, $0xb8;
	[tilespmem:$0x10200] =	vst v63  }
0x71: {  	v3 =	vld [tilespmem:$0x70];
	_ =	sdelay $0x4  }
0x72: {  	v39 =	vshll.u32 v3, $0x1  }
0x73: {  	v3 =	vand.u32 $0x7, v3;
	v4 =	vand.u32 $0xFFFFFFF0, v39  }
0x74: {  	v3 =	vor.u32 v3, v4  }
0x75: {  	v4 =	vperm.xlane v3, v0;
	_ =	sdelay $0x1  }
0x76: {  	v3 =	vperm.xlane v3, v2;
	v4 =	vadd.s32 v1, v4;
	_ =	sdelay $0x1  }
0x77: {  	v3 =	vadd.s32 v1, v3;
	_ =	sdelay $0x2  }
0x78: {  	[hbm4b:s3+s2] =	stream.indirect_vreg.scatter [tilespmem:s26], [sflag:$0x1], $0x80, v4, vm0, $0xb8;
	[tilespmem:$0x10200] =	vst v63  }
0x79: {  	_ = 	snop  }
0x7a: {  	[hbm4b:s3+s2] =	stream.indirect_vreg.scatter [tilespmem:s28], [sflag:$0x1], $0x80, v3, vm0, $0xb8;
	[tilespmem:$0x10200] =	vst v63  }
0x7b: {  	v3 =	vld [tilespmem:$0x80];
	_ =	sdelay $0x4  }
0x7c: {  	v40 =	vshll.u32 v3, $0x1  }
0x7d: {  	v3 =	vand.u32 $0x7, v3;
	v4 =	vand.u32 $0xFFFFFFF0, v40  }
0x7e: {  	v3 =	vor.u32 v3, v4  }
0x7f: {  	v4 =	vperm.xlane v3, v0;
	_ =	sdelay $0x1  }
0x80: {  	v3 =	vperm.xlane v3, v2;
	v4 =	vadd.s32 v1, v4;
	_ =	sdelay $0x1  }
0x81: {  	v3 =	vadd.s32 v1, v3;
	_ =	sdelay $0x2  }
0x82: {  	[hbm4b:s3+s2] =	stream.indirect_vreg.scatter [tilespmem:s29], [sflag:$0x1], $0x80, v4, vm0, $0xb8;
	[tilespmem:$0x10200] =	vst v63  }
0x83: {  	_ = 	snop  }
0x84: {  	[hbm4b:s3+s2] =	stream.indirect_vreg.scatter [tilespmem:s30], [sflag:$0x1], $0x80, v3, vm0, $0xb8;
	[tilespmem:$0x10200] =	vst v63  }
0x85: {  	v3 =	vld [tilespmem:$0x90];
	_ =	sdelay $0x4  }
0x86: {  	v41 =	vshll.u32 v3, $0x1  }
0x87: {  	v3 =	vand.u32 $0x7, v3;
	v4 =	vand.u32 $0xFFFFFFF0, v41  }
0x88: {  	v3 =	vor.u32 v3, v4  }
0x89: {  	v4 =	vperm.xlane v3, v0;
	_ =	sdelay $0x1  }
0x8a: {  	v3 =	vperm.xlane v3, v2;
	v4 =	vadd.s32 v1, v4;
	_ =	sdelay $0x1  }
0x8b: {  	v3 =	vadd.s32 v1, v3;
	_ =	sdelay $0x2  }
0x8c: {  	[hbm4b:s3+s2] =	stream.indirect_vreg.scatter [tilespmem:s31], [sflag:$0x1], $0x80, v4, vm0, $0xb8;
	[tilespmem:$0x10200] =	vst v63  }
0x8d: {  	s1 =	simm.s32 $0x9A00  }
0x8e: {  	[hbm4b:s3+s2] =	stream.indirect_vreg.scatter [tilespmem:s1], [sflag:$0x1], $0x80, v3, vm0, $0xb8;
	[tilespmem:$0x10200] =	vst v63  }
0x8f: {  	v3 =	vld [tilespmem:$0xA0];
	_ =	sdelay $0x4  }
0x90: {  	v42 =	vshll.u32 v3, $0x1  }
0x91: {  	v3 =	vand.u32 $0x7, v3;
	v4 =	vand.u32 $0xFFFFFFF0, v42  }
0x92: {  	v3 =	vor.u32 v3, v4  }
0x93: {  	v4 =	vperm.xlane v3, v0;
	_ =	sdelay $0x1  }
0x94: {  	v3 =	vperm.xlane v3, v2;
	v4 =	vadd.s32 v1, v4;
	_ =	sdelay $0x1  }
0x95: {  	v3 =	vadd.s32 v1, v3;
	_ =	sdelay $0x1  }
0x96: {  	s6 =	simm.s32 $0xA200  }
0x97: {  	[hbm4b:s3+s2] =	stream.indirect_vreg.scatter [tilespmem:s6], [sflag:$0x1], $0x80, v4, vm0, $0xb8;
	[tilespmem:$0x10200] =	vst v63  }
0x98: {  	_ = 	snop  }
0x99: {  	[hbm4b:s3+s2] =	stream.indirect_vreg.scatter [tilespmem:s7], [sflag:$0x1], $0x80, v3, vm0, $0xb8;
	[tilespmem:$0x10200] =	vst v63  }
0x9a: {  	v3 =	vld [tilespmem:$0xB0];
	_ =	sdelay $0x4  }
0x9b: {  	v43 =	vshll.u32 v3, $0x1  }
0x9c: {  	v3 =	vand.u32 $0x7, v3;
	v4 =	vand.u32 $0xFFFFFFF0, v43  }
0x9d: {  	v3 =	vor.u32 v3, v4  }
0x9e: {  	v4 =	vperm.xlane v3, v0;
	_ =	sdelay $0x1  }
0x9f: {  	v3 =	vperm.xlane v3, v2;
	v4 =	vadd.s32 v1, v4;
	_ =	sdelay $0x1  }
0xa0: {  	v3 =	vadd.s32 v1, v3;
	_ =	sdelay $0x2  }
0xa1: {  	[hbm4b:s3+s2] =	stream.indirect_vreg.scatter [tilespmem:s8], [sflag:$0x1], $0x80, v4, vm0, $0xb8;
	[tilespmem:$0x10200] =	vst v63  }
0xa2: {  	_ = 	snop  }
0xa3: {  	[hbm4b:s3+s2] =	stream.indirect_vreg.scatter [tilespmem:s9], [sflag:$0x1], $0x80, v3, vm0, $0xb8;
	[tilespmem:$0x10200] =	vst v63  }
0xa4: {  	v3 =	vld [tilespmem:$0xC0];
	_ =	sdelay $0x4  }
0xa5: {  	v44 =	vshll.u32 v3, $0x1  }
0xa6: {  	v3 =	vand.u32 $0x7, v3;
	v4 =	vand.u32 $0xFFFFFFF0, v44  }
0xa7: {  	v3 =	vor.u32 v3, v4  }
0xa8: {  	v4 =	vperm.xlane v3, v0;
	_ =	sdelay $0x1  }
0xa9: {  	v3 =	vperm.xlane v3, v2;
	v4 =	vadd.s32 v1, v4;
	_ =	sdelay $0x1  }
0xaa: {  	v3 =	vadd.s32 v1, v3;
	_ =	sdelay $0x2  }
0xab: {  	[hbm4b:s3+s2] =	stream.indirect_vreg.scatter [tilespmem:s10], [sflag:$0x1], $0x80, v4, vm0, $0xb8;
	[tilespmem:$0x10200] =	vst v63  }
0xac: {  	_ = 	snop  }
0xad: {  	[hbm4b:s3+s2] =	stream.indirect_vreg.scatter [tilespmem:s11], [sflag:$0x1], $0x80, v3, vm0, $0xb8;
	[tilespmem:$0x10200] =	vst v63  }
0xae: {  	v3 =	vld [tilespmem:$0xD0];
	_ =	sdelay $0x4  }
0xaf: {  	v45 =	vshll.u32 v3, $0x1  }
0xb0: {  	v3 =	vand.u32 $0x7, v3;
	v4 =	vand.u32 $0xFFFFFFF0, v45  }
0xb1: {  	v3 =	vor.u32 v3, v4  }
0xb2: {  	v4 =	vperm.xlane v3, v0;
	_ =	sdelay $0x1  }
0xb3: {  	v3 =	vperm.xlane v3, v2;
	v4 =	vadd.s32 v1, v4;
	_ =	sdelay $0x1  }
0xb4: {  	v3 =	vadd.s32 v1, v3;
	_ =	sdelay $0x1  }
0xb5: {  	s6 =	simm.s32 $0xD200  }
0xb6: {  	[hbm4b:s3+s2] =	stream.indirect_vreg.scatter [tilespmem:s6], [sflag:$0x1], $0x80, v4, vm0, $0xb8;
	[tilespmem:$0x10200] =	vst v63  }
0xb7: {  	s1 =	simm.s32 $0xDA00  }
0xb8: {  	[hbm4b:s3+s2] =	stream.indirect_vreg.scatter [tilespmem:s1], [sflag:$0x1], $0x80, v3, vm0, $0xb8;
	[tilespmem:$0x10200] =	vst v63  }
0xb9: {  	v3 =	vld [tilespmem:$0xE0];
	_ =	sdelay $0x4  }
0xba: {  	v46 =	vshll.u32 v3, $0x1  }
0xbb: {  	v3 =	vand.u32 $0x7, v3;
	v4 =	vand.u32 $0xFFFFFFF0, v46  }
0xbc: {  	v3 =	vor.u32 v3, v4  }
0xbd: {  	v4 =	vperm.xlane v3, v0;
	_ =	sdelay $0x1  }
0xbe: {  	v3 =	vperm.xlane v3, v2;
	v4 =	vadd.s32 v1, v4;
	_ =	sdelay $0x1  }
0xbf: {  	v3 =	vadd.s32 v1, v3;
	_ =	sdelay $0x1  }
0xc0: {  	s1 =	simm.s32 $0xE200  }
0xc1: {  	[hbm4b:s3+s2] =	stream.indirect_vreg.scatter [tilespmem:s1], [sflag:$0x1], $0x80, v4, vm0, $0xb8;
	[tilespmem:$0x10200] =	vst v63  }
0xc2: {  	s1 =	simm.s32 $0xEA00  }
0xc3: {  	[hbm4b:s3+s2] =	stream.indirect_vreg.scatter [tilespmem:s1], [sflag:$0x1], $0x80, v3, vm0, $0xb8;
	[tilespmem:$0x10200] =	vst v63  }
0xc4: {  	v3 =	vld [tilespmem:$0xF0];
	_ =	sdelay $0x4  }
0xc5: {  	v47 =	vshll.u32 v3, $0x1  }
0xc6: {  	v3 =	vand.u32 $0x7, v3;
	v4 =	vand.u32 $0xFFFFFFF0, v47  }
0xc7: {  	v3 =	vor.u32 v3, v4  }
0xc8: {  	v4 =	vperm.xlane v3, v0;
	_ =	sdelay $0x1  }
0xc9: {  	v3 =	vperm.xlane v3, v2;
	v4 =	vadd.s32 v1, v4;
	_ =	sdelay $0x1  }
0xca: {  	v3 =	vadd.s32 v1, v3;
	_ =	sdelay $0x1  }
0xcb: {  	s1 =	simm.s32 $0xF200  }
0xcc: {  	[hbm4b:s3+s2] =	stream.indirect_vreg.scatter [tilespmem:s1], [sflag:$0x1], $0x80, v4, vm0, $0xb8;
	[tilespmem:$0x10200] =	vst v63  }
0xcd: {  	s1 =	simm.s32 $0xFA00  }
0xce: {  	[hbm4b:s3+s2] =	stream.indirect_vreg.scatter [tilespmem:s1], [sflag:$0x1], $0x80, v3, vm0, $0xb8;
	[tilespmem:$0x10200] =	vst v63  }
0xcf: {  	v3 =	vld [tilespmem:$0x100];
	_ =	sdelay $0x4  }
0xd0: {  	v48 =	vshll.u32 v3, $0x1  }
0xd1: {  	v3 =	vand.u32 $0x7, v3;
	v4 =	vand.u32 $0xFFFFFFF0, v48  }
0xd2: {  	v3 =	vor.u32 v3, v4  }
0xd3: {  	v4 =	vperm.xlane v3, v0;
	_ =	sdelay $0x1  }
0xd4: {  	v3 =	vperm.xlane v3, v2;
	v4 =	vadd.s32 v1, v4;
	_ =	sdelay $0x1  }
0xd5: {  	v3 =	vadd.s32 v1, v3;
	_ =	sdelay $0x2  }
0xd6: {  	[hbm4b:s3+s2] =	stream.indirect_vreg.scatter [tilespmem:s0], [sflag:$0x1], $0x80, v4, vm0, $0xb8;
	[tilespmem:$0x10200] =	vst v63  }
0xd7: {  	_ = 	snop  }
0xd8: {  	[hbm4b:s3+s2] =	stream.indirect_vreg.scatter [tilespmem:s13], [sflag:$0x1], $0x80, v3, vm0, $0xb8;
	[tilespmem:$0x10200] =	vst v63  }
0xd9: {  	v3 =	vld [tilespmem:$0x110];
	_ =	sdelay $0x4  }
0xda: {  	v49 =	vshll.u32 v3, $0x1  }
0xdb: {  	v3 =	vand.u32 $0x7, v3;
	v4 =	vand.u32 $0xFFFFFFF0, v49  }
0xdc: {  	v3 =	vor.u32 v3, v4  }
0xdd: {  	v4 =	vperm.xlane v3, v0;
	_ =	sdelay $0x1  }
0xde: {  	v3 =	vperm.xlane v3, v2;
	v4 =	vadd.s32 v1, v4;
	_ =	sdelay $0x1  }
0xdf: {  	v3 =	vadd.s32 v1, v3;
	_ =	sdelay $0x2  }
0xe0: {  	[hbm4b:s3+s2] =	stream.indirect_vreg.scatter [tilespmem:s14], [sflag:$0x1], $0x80, v4, vm0, $0xb8;
	[tilespmem:$0x10200] =	vst v63  }
0xe1: {  	_ = 	snop  }
0xe2: {  	[hbm4b:s3+s2] =	stream.indirect_vreg.scatter [tilespmem:s15], [sflag:$0x1], $0x80, v3, vm0, $0xb8;
	[tilespmem:$0x10200] =	vst v63  }
0xe3: {  	v3 =	vld [tilespmem:$0x120];
	_ =	sdelay $0x4  }
0xe4: {  	v50 =	vshll.u32 v3, $0x1  }
0xe5: {  	v3 =	vand.u32 $0x7, v3;
	v4 =	vand.u32 $0xFFFFFFF0, v50  }
0xe6: {  	v3 =	vor.u32 v3, v4  }
0xe7: {  	v4 =	vperm.xlane v3, v0;
	_ =	sdelay $0x1  }
0xe8: {  	v3 =	vperm.xlane v3, v2;
	v4 =	vadd.s32 v1, v4;
	_ =	sdelay $0x1  }
0xe9: {  	v3 =	vadd.s32 v1, v3;
	_ =	sdelay $0x2  }
0xea: {  	[hbm4b:s3+s2] =	stream.indirect_vreg.scatter [tilespmem:s16], [sflag:$0x1], $0x80, v4, vm0, $0xb8;
	[tilespmem:$0x10200] =	vst v63  }
0xeb: {  	_ = 	snop  }
0xec: {  	[hbm4b:s3+s2] =	stream.indirect_vreg.scatter [tilespmem:s17], [sflag:$0x1], $0x80, v3, vm0, $0xb8;
	[tilespmem:$0x10200] =	vst v63  }
0xed: {  	v3 =	vld [tilespmem:$0x130];
	_ =	sdelay $0x4  }
0xee: {  	v51 =	vshll.u32 v3, $0x1  }
0xef: {  	v3 =	vand.u32 $0x7, v3;
	v4 =	vand.u32 $0xFFFFFFF0, v51  }
0xf0: {  	v3 =	vor.u32 v3, v4  }
0xf1: {  	v4 =	vperm.xlane v3, v0;
	_ =	sdelay $0x1  }
0xf2: {  	v3 =	vperm.xlane v3, v2;
	v4 =	vadd.s32 v1, v4;
	_ =	sdelay $0x1  }
0xf3: {  	v3 =	vadd.s32 v1, v3;
	_ =	sdelay $0x2  }
0xf4: {  	[hbm4b:s3+s2] =	stream.indirect_vreg.scatter [tilespmem:s18], [sflag:$0x1], $0x80, v4, vm0, $0xb8;
	[tilespmem:$0x10200] =	vst v63  }
0xf5: {  	_ = 	snop  }
0xf6: {  	[hbm4b:s3+s2] =	stream.indirect_vreg.scatter [tilespmem:s19], [sflag:$0x1], $0x80, v3, vm0, $0xb8;
	[tilespmem:$0x10200] =	vst v63  }
0xf7: {  	v3 =	vld [tilespmem:$0x140];
	_ =	sdelay $0x4  }
0xf8: {  	v52 =	vshll.u32 v3, $0x1  }
0xf9: {  	v3 =	vand.u32 $0x7, v3;
	v4 =	vand.u32 $0xFFFFFFF0, v52  }
0xfa: {  	v3 =	vor.u32 v3, v4  }
0xfb: {  	v4 =	vperm.xlane v3, v0;
	_ =	sdelay $0x1  }
0xfc: {  	v3 =	vperm.xlane v3, v2;
	v4 =	vadd.s32 v1, v4;
	_ =	sdelay $0x1  }
0xfd: {  	v3 =	vadd.s32 v1, v3;
	_ =	sdelay $0x2  }
0xfe: {  	[hbm4b:s3+s2] =	stream.indirect_vreg.scatter [tilespmem:s20], [sflag:$0x1], $0x80, v4, vm0, $0xb8;
	[tilespmem:$0x10200] =	vst v63  }
0xff: {  	_ = 	snop  }
0x100: {  	[hbm4b:s3+s2] =	stream.indirect_vreg.scatter [tilespmem:s21], [sflag:$0x1], $0x80, v3, vm0, $0xb8;
	[tilespmem:$0x10200] =	vst v63  }
0x101: {  	v3 =	vld [tilespmem:$0x150];
	_ =	sdelay $0x4  }
0x102: {  	v53 =	vshll.u32 v3, $0x1  }
0x103: {  	v3 =	vand.u32 $0x7, v3;
	v4 =	vand.u32 $0xFFFFFFF0, v53  }
0x104: {  	v3 =	vor.u32 v3, v4  }
0x105: {  	v4 =	vperm.xlane v3, v0;
	_ =	sdelay $0x1  }
0x106: {  	v3 =	vperm.xlane v3, v2;
	v4 =	vadd.s32 v1, v4;
	_ =	sdelay $0x1  }
0x107: {  	v3 =	vadd.s32 v1, v3;
	_ =	sdelay $0x2  }
0x108: {  	[hbm4b:s3+s2] =	stream.indirect_vreg.scatter [tilespmem:s22], [sflag:$0x1], $0x80, v4, vm0, $0xb8;
	[tilespmem:$0x10200] =	vst v63  }
0x109: {  	_ = 	snop  }
0x10a: {  	[hbm4b:s3+s2] =	stream.indirect_vreg.scatter [tilespmem:s23], [sflag:$0x1], $0x80, v3, vm0, $0xb8;
	[tilespmem:$0x10200] =	vst v63  }
0x10b: {  	v3 =	vld [tilespmem:$0x160];
	_ =	sdelay $0x4  }
0x10c: {  	v54 =	vshll.u32 v3, $0x1  }
0x10d: {  	v3 =	vand.u32 $0x7, v3;
	v4 =	vand.u32 $0xFFFFFFF0, v54  }
0x10e: {  	v3 =	vor.u32 v3, v4  }
0x10f: {  	v4 =	vperm.xlane v3, v0;
	_ =	sdelay $0x1  }
0x110: {  	v3 =	vperm.xlane v3, v2;
	v4 =	vadd.s32 v1, v4;
	_ =	sdelay $0x1  }
0x111: {  	v3 =	vadd.s32 v1, v3;
	_ =	sdelay $0x2  }
0x112: {  	[hbm4b:s3+s2] =	stream.indirect_vreg.scatter [tilespmem:s24], [sflag:$0x1], $0x80, v4, vm0, $0xb8;
	[tilespmem:$0x10200] =	vst v63  }
0x113: {  	_ = 	snop  }
0x114: {  	[hbm4b:s3+s2] =	stream.indirect_vreg.scatter [tilespmem:s25], [sflag:$0x1], $0x80, v3, vm0, $0xb8;
	[tilespmem:$0x10200] =	vst v63  }
0x115: {  	v3 =	vld [tilespmem:$0x170];
	_ =	sdelay $0x4  }
0x116: {  	v55 =	vshll.u32 v3, $0x1  }
0x117: {  	v3 =	vand.u32 $0x7, v3;
	v4 =	vand.u32 $0xFFFFFFF0, v55  }
0x118: {  	v3 =	vor.u32 v3, v4  }
0x119: {  	v4 =	vperm.xlane v3, v0;
	_ =	sdelay $0x1  }
0x11a: {  	v3 =	vperm.xlane v3, v2;
	v4 =	vadd.s32 v1, v4;
	_ =	sdelay $0x1  }
0x11b: {  	v3 =	vadd.s32 v1, v3;
	_ =	sdelay $0x2  }
0x11c: {  	[hbm4b:s3+s2] =	stream.indirect_vreg.scatter [tilespmem:s26], [sflag:$0x1], $0x80, v4, vm0, $0xb8;
	[tilespmem:$0x10200] =	vst v63  }
0x11d: {  	_ = 	snop  }
0x11e: {  	[hbm4b:s3+s2] =	stream.indirect_vreg.scatter [tilespmem:s28], [sflag:$0x1], $0x80, v3, vm0, $0xb8;
	[tilespmem:$0x10200] =	vst v63  }
0x11f: {  	v3 =	vld [tilespmem:$0x180];
	_ =	sdelay $0x4  }
0x120: {  	v56 =	vshll.u32 v3, $0x1  }
0x121: {  	v3 =	vand.u32 $0x7, v3;
	v4 =	vand.u32 $0xFFFFFFF0, v56  }
0x122: {  	v3 =	vor.u32 v3, v4  }
0x123: {  	v4 =	vperm.xlane v3, v0;
	_ =	sdelay $0x1  }
0x124: {  	v3 =	vperm.xlane v3, v2;
	v4 =	vadd.s32 v1, v4;
	_ =	sdelay $0x1  }
0x125: {  	v3 =	vadd.s32 v1, v3;
	_ =	sdelay $0x2  }
0x126: {  	[hbm4b:s3+s2] =	stream.indirect_vreg.scatter [tilespmem:s29], [sflag:$0x1], $0x80, v4, vm0, $0xb8;
	[tilespmem:$0x10200] =	vst v63  }
0x127: {  	_ = 	snop  }
0x128: {  	[hbm4b:s3+s2] =	stream.indirect_vreg.scatter [tilespmem:s30], [sflag:$0x1], $0x80, v3, vm0, $0xb8;
	[tilespmem:$0x10200] =	vst v63  }
0x129: {  	v3 =	vld [tilespmem:$0x190];
	_ =	sdelay $0x4  }
0x12a: {  	v57 =	vshll.u32 v3, $0x1  }
0x12b: {  	v3 =	vand.u32 $0x7, v3;
	v4 =	vand.u32 $0xFFFFFFF0, v57  }
0x12c: {  	v3 =	vor.u32 v3, v4  }
0x12d: {  	v4 =	vperm.xlane v3, v0;
	_ =	sdelay $0x1  }
0x12e: {  	v3 =	vperm.xlane v3, v2;
	v4 =	vadd.s32 v1, v4;
	_ =	sdelay $0x1  }
0x12f: {  	v3 =	vadd.s32 v1, v3;
	_ =	sdelay $0x2  }
0x130: {  	[hbm4b:s3+s2] =	stream.indirect_vreg.scatter [tilespmem:s31], [sflag:$0x1], $0x80, v4, vm0, $0xb8;
	[tilespmem:$0x10200] =	vst v63  }
0x131: {  	s14 =	simm.s32 $0x9A00  }
0x132: {  	[hbm4b:s3+s2] =	stream.indirect_vreg.scatter [tilespmem:s14], [sflag:$0x1], $0x80, v3, vm0, $0xb8;
	[tilespmem:$0x10200] =	vst v63  }
0x133: {  	v3 =	vld [tilespmem:$0x1A0];
	_ =	sdelay $0x4  }
0x134: {  	v58 =	vshll.u32 v3, $0x1  }
0x135: {  	v3 =	vand.u32 $0x7, v3;
	v4 =	vand.u32 $0xFFFFFFF0, v58  }
0x136: {  	v3 =	vor.u32 v3, v4  }
0x137: {  	v4 =	vperm.xlane v3, v0;
	_ =	sdelay $0x1  }
0x138: {  	v3 =	vperm.xlane v3, v2;
	v4 =	vadd.s32 v1, v4;
	_ =	sdelay $0x1  }
0x139: {  	v3 =	vadd.s32 v1, v3;
	_ =	sdelay $0x1  }
0x13a: {  	s13 =	simm.s32 $0xA200  }
0x13b: {  	[hbm4b:s3+s2] =	stream.indirect_vreg.scatter [tilespmem:s13], [sflag:$0x1], $0x80, v4, vm0, $0xb8;
	[tilespmem:$0x10200] =	vst v63  }
0x13c: {  	_ = 	snop  }
0x13d: {  	[hbm4b:s3+s2] =	stream.indirect_vreg.scatter [tilespmem:s7], [sflag:$0x1], $0x80, v3, vm0, $0xb8;
	[tilespmem:$0x10200] =	vst v63  }
0x13e: {  	v3 =	vld [tilespmem:$0x1B0];
	_ =	sdelay $0x4  }
0x13f: {  	v59 =	vshll.u32 v3, $0x1  }
0x140: {  	v3 =	vand.u32 $0x7, v3;
	v4 =	vand.u32 $0xFFFFFFF0, v59  }
0x141: {  	v3 =	vor.u32 v3, v4  }
0x142: {  	v4 =	vperm.xlane v3, v0;
	_ =	sdelay $0x1  }
0x143: {  	v3 =	vperm.xlane v3, v2;
	v4 =	vadd.s32 v1, v4;
	_ =	sdelay $0x1  }
0x144: {  	v3 =	vadd.s32 v1, v3;
	_ =	sdelay $0x2  }
0x145: {  	[hbm4b:s3+s2] =	stream.indirect_vreg.scatter [tilespmem:s8], [sflag:$0x1], $0x80, v4, vm0, $0xb8;
	[tilespmem:$0x10200] =	vst v63  }
0x146: {  	_ = 	snop  }
0x147: {  	[hbm4b:s3+s2] =	stream.indirect_vreg.scatter [tilespmem:s9], [sflag:$0x1], $0x80, v3, vm0, $0xb8;
	[tilespmem:$0x10200] =	vst v63  }
0x148: {  	v3 =	vld [tilespmem:$0x1C0];
	_ =	sdelay $0x4  }
0x149: {  	v60 =	vshll.u32 v3, $0x1  }
0x14a: {  	v3 =	vand.u32 $0x7, v3;
	v4 =	vand.u32 $0xFFFFFFF0, v60  }
0x14b: {  	v3 =	vor.u32 v3, v4  }
0x14c: {  	v4 =	vperm.xlane v3, v0;
	_ =	sdelay $0x1  }
0x14d: {  	v3 =	vperm.xlane v3, v2;
	v4 =	vadd.s32 v1, v4;
	_ =	sdelay $0x1  }
0x14e: {  	v3 =	vadd.s32 v1, v3;
	_ =	sdelay $0x2  }
0x14f: {  	[hbm4b:s3+s2] =	stream.indirect_vreg.scatter [tilespmem:s10], [sflag:$0x1], $0x80, v4, vm0, $0xb8;
	[tilespmem:$0x10200] =	vst v63  }
0x150: {  	_ = 	snop  }
0x151: {  	[hbm4b:s3+s2] =	stream.indirect_vreg.scatter [tilespmem:s11], [sflag:$0x1], $0x80, v3, vm0, $0xb8;
	[tilespmem:$0x10200] =	vst v63  }
0x152: {  	v3 =	vld [tilespmem:$0x1D0];
	_ =	sdelay $0x4  }
0x153: {  	v61 =	vshll.u32 v3, $0x1  }
0x154: {  	v3 =	vand.u32 $0x7, v3;
	v4 =	vand.u32 $0xFFFFFFF0, v61  }
0x155: {  	v3 =	vor.u32 v3, v4  }
0x156: {  	v4 =	vperm.xlane v3, v0;
	_ =	sdelay $0x1  }
0x157: {  	v3 =	vperm.xlane v3, v2;
	v4 =	vadd.s32 v1, v4;
	_ =	sdelay $0x1  }
0x158: {  	v3 =	vadd.s32 v1, v3;
	_ =	sdelay $0x2  }
0x159: {  	[hbm4b:s3+s2] =	stream.indirect_vreg.scatter [tilespmem:s6], [sflag:$0x1], $0x80, v4, vm0, $0xb8;
	[tilespmem:$0x10200] =	vst v63  }
0x15a: {  	s14 =	simm.s32 $0xDA00  }
0x15b: {  	[hbm4b:s3+s2] =	stream.indirect_vreg.scatter [tilespmem:s14], [sflag:$0x1], $0x80, v3, vm0, $0xb8;
	[tilespmem:$0x10200] =	vst v63  }
0x15c: {  	v3 =	vld [tilespmem:$0x1E0];
	_ =	sdelay $0x4  }
0x15d: {  	v62 =	vshll.u32 v3, $0x1  }
0x15e: {  	v3 =	vand.u32 $0x7, v3;
	v4 =	vand.u32 $0xFFFFFFF0, v62  }
0x15f: {  	v3 =	vor.u32 v3, v4  }
0x160: {  	v4 =	vperm.xlane v3, v0;
	_ =	sdelay $0x1  }
0x161: {  	v3 =	vperm.xlane v3, v2;
	v4 =	vadd.s32 v1, v4;
	_ =	sdelay $0x1  }
0x162: {  	v3 =	vadd.s32 v1, v3;
	_ =	sdelay $0x1  }
0x163: {  	s6 =	simm.s32 $0xE200  }
0x164: {  	[hbm4b:s3+s2] =	stream.indirect_vreg.scatter [tilespmem:s6], [sflag:$0x1], $0x80, v4, vm0, $0xb8;
	[tilespmem:$0x10200] =	vst v63  }
0x165: {  	s13 =	simm.s32 $0xEA00  }
0x166: {  	[hbm4b:s3+s2] =	stream.indirect_vreg.scatter [tilespmem:s13], [sflag:$0x1], $0x80, v3, vm0, $0xb8;
	[tilespmem:$0x10200] =	vst v63  }
0x167: {  	v3 =	vld [tilespmem:$0x1F0];
	_ =	sdelay $0x4  }
0x168: {  	v63 =	vshll.u32 v3, $0x1  }
0x169: {  	v3 =	vand.u32 $0x7, v3;
	v4 =	vand.u32 $0xFFFFFFF0, v63  }
0x16a: {  	v3 =	vor.u32 v3, v4  }
0x16b: {  	v4 =	vperm.xlane v3, v0;
	_ =	sdelay $0x1  }
0x16c: {  	v3 =	vperm.xlane v3, v2;
	v4 =	vadd.s32 v1, v4;
	_ =	sdelay $0x1  }
0x16d: {  	v3 =	vadd.s32 v1, v3;
	_ =	sdelay $0x1  }
0x16e: {  	s14 =	simm.s32 $0xF200  }
0x16f: {  	[hbm4b:s3+s2] =	stream.indirect_vreg.scatter [tilespmem:s14], [sflag:$0x1], $0x80, v4, vm0, $0xb8;
	[tilespmem:$0x10200] =	vst v63  }
0x170: {  	s1 =	simm.s32 $0xFA00  }
0x171: {  	[hbm4b:s3+s2] =	stream.indirect_vreg.scatter [tilespmem:s1], [sflag:$0x1], $0x80, v3, vm0, $0xb8;
	[tilespmem:$0x10200] =	vst v63  }
0x172: {  	_ =	swait.ge [sflag:s12], $0x8000  }
0x173: {  	[sflag:s12] =	ssyncset.done $0x0  }
0x174: {  	[sflag:s12] =	ssyncadd.s32 $0xFFFF8000  }
0x175: {  	_ =	swait.ge [sflag:s12], $0x8000  }
0x176: {  	[sflag:s12] =	ssyncset.done $0x0  }
0x177: {  	[sflag:s12] =	ssyncadd.s32 $0xFFFF8000  }
0x178: {  	p0 =	sne.s32 s4, $0x1;
	_ =	swait.ge [sflag:s12], $0x8000  }
.Ltmp0:
0x179: {  	[sflag:s12] =	ssyncset.done $0x0;
	(pc) =	sbr.rel @p0 .LBB2_1-.Ltmp0, $4  }
0x17a: {  	[sflag:s12] =	ssyncadd.s32 $0xFFFF8000  }
0x17b: {  	_ =	swait.ge [sflag:s12], $0x8000  }
0x17c: {  	[sflag:s12] =	ssyncset.done $0x0  }
0x17d: {  	s4 =	sadd.s32 $0xFFFFFFFF, s4;
	[sflag:s12] =	ssyncadd.s32 $0xFFFF8000  }
0x17e: {  	_ =	sfence.sel $0x180000  }
0x17f: {  	[bflag:$0x0] =	sbarrier.arrive $0xFFFF  }
0x180: {  	_ =	strace $0x90000047  }
0x181: {  	s0 =	stileid.u32;
	[bflag:$0x2] =	sbarrier.arrive $0xFFFF  }
0x182: {  	p0 =	sne.s32 s0, $0x0;
	s0 =	rddreg [dreg:$0x1]  }
0x183: {  	s0 =	sadd.s32 @!p0 $0x100000, s0  }
0x184: {  	[sflag:s0] =	ssyncadd.tile.s32 @!p0 $0x1;
	_ =	shalt  }
.Lfunc_end2:
_tile_overlayer_lowered:
.L_overlay_start_2:
0x185: {  	(tag) =	ssettag $0x2  }
0x186: {  	s0 =	rddreg [dreg:$0x0];
	s2 =	stileid.u32  }
0x187: {  	s1 =	rddreg [dreg:$0x1];
	p0 =	sne.s32 s2, $0x0  }
0x188: {  	s3 =	rddreg [dreg:$0x2];
	[bflag:$0x3] =	sbarrier.arrive $0xFFFF;
	s2 =	simm.s32 @!p0 $0x1C02  }
0x189: {  	[timem:s3], [sflag:s2] =	dma.local @!p0 [hbm:s0], s1  }
0x18a: {  	s0 =	simm.s32 @!p0 $0x2  }
0x18b: {  	_ =	swait.ge @!p0 [sflag:s0], s1  }
0x18c: {  	s1 =	ssub.s32 @!p0 $0x0, s1;
	[sflag:s0] =	ssyncset.done @!p0 $0x0  }
0x18d: {  	[sflag:s0] =	ssyncadd.s32 @!p0 s1  }
0x18e: {  	[bflag:$0x3] =	sbarrier.arrive $0xFFFF  }
0x18f: {  	_ =	shalt  }

</sc_bundles>
